<compile_context>
chip_gen: v7x
topology: tpu7x:2x2x1
jax: 0.10.2.dev20260603
libtpu: 0.0.44.dev20260713+nightly
codegen_flags: <defaults>
</compile_context>

<pallas_src>
import functools

import jax
import jax.numpy as jnp
from jax import lax
from jax.experimental import pallas as pl
from jax.experimental.pallas import tpu as pltpu
from jax.experimental.pallas import tpu_sc as plsc

_NUM_WORKERS = 32
_TW = 128
_CH = 32


def kernel(point_id, cffs_scaled, cff_scales):
    B = point_id.shape[0]
    D = cffs_scaled.shape[1]
    L = 16
    b_per_w = B // _NUM_WORKERS

    table_t = cffs_scaled.T
    idx2d = point_id.astype(jnp.int32).reshape(_NUM_WORKERS, b_per_w)

    mesh = plsc.VectorSubcoreMesh(core_axis_name="c", subcore_axis_name="s")

    @functools.partial(
        pl.kernel,
        mesh=mesh,
        compiler_params=pltpu.CompilerParams(needs_layout_passes=False),
        out_type=jax.ShapeDtypeStruct((D, B), jnp.float32),
        scratch_types=[
            pltpu.VMEM((1, b_per_w), jnp.int32),
            pltpu.VMEM((_CH * D, _TW), jnp.float32),
            pltpu.VMEM((_CH * D, _TW), jnp.float32),
            pltpu.VMEM((D, b_per_w), jnp.float32),
            pltpu.VMEM((L,), jnp.float32),
            pltpu.SemaphoreType.DMA,
            pltpu.SemaphoreType.DMA,
        ],
    )
    def k(idx_hbm, table_hbm, scales_hbm, out_hbm, idx_vm, blk_a, blk_b,
          f_v, sc_v, sem_a, sem_b):
        wid = lax.axis_index("s") * 2 + lax.axis_index("c")
        pltpu.sync_copy(idx_hbm.at[pl.ds(wid, 1)], idx_vm)
        pltpu.sync_copy(scales_hbm, sc_v.at[pl.ds(0, D)])

        s = sc_v[...]
        iota = lax.iota(jnp.int32, L)
        n_chunks = b_per_w // _CH

        def fire(g, blk, sem):
            base = g * _CH
            copies = []
            for v16 in range(_CH // L):
                vec = idx_vm[0, pl.ds(base + v16 * L, L)]
                gbase = lax.shift_left(
                    lax.shift_right_logical(vec, 7), 7
                )
                for j in range(L):
                    off = pl.multiple_of(gbase[j], _TW)
                    copies.append(
                        pltpu.async_copy(
                            table_hbm.at[:, pl.ds(off, _TW)],
                            blk.at[pl.ds((v16 * L + j) * D, D), :],
                            sem,
                        )
                    )
            return copies

        def extract(g, blk):
            base = g * _CH
            for v16 in range(_CH // L):
                idx16 = idx_vm[0, pl.ds(base + v16 * L, L)]
                lanes = lax.bitwise_and(idx16, _TW - 1)
                rows0 = (v16 * L + iota) * D
                for c in range(D):
                    vals = plsc.load_gather(blk, [rows0 + c, lanes])
                    f_v[c, pl.ds(base + v16 * L, L)] = (
                        vals * lax.broadcast_in_dim(s[c], (L,), ())
                    )

        def pair(h, _):
            ga = h * 2
            gb = h * 2 + 1
            ca = fire(ga, blk_a, sem_a)
            cb = fire(gb, blk_b, sem_b)
            for cp in ca:
                cp.wait()
            extract(ga, blk_a)
            for cp in cb:
                cp.wait()
            extract(gb, blk_b)
            return 0

        lax.fori_loop(0, n_chunks // 2, pair, 0)
        pltpu.sync_copy(f_v, out_hbm.at[:, pl.ds(wid * b_per_w, b_per_w)])

    out = k(idx2d, table_t, cff_scales)
    return out.T

# --- scband reference (transcript-rebuilt; emitter-appended) ---
"""Pipeline reference for scband-cffembedding-model-4458176053907 (READ-ONLY COPY).

The authoritative reference and input builder live on the scoring server;
editing this copy changes nothing except your own understanding.
"""

import jax, jax.numpy as jnp
import numpy as np

N_POINTS = 1000000
BATCH = 16384

def setup_inputs(seed: int = 0) -> dict:
    key = jax.random.key(seed)
    k1, k2 = jax.random.split(key)
    point_id = jax.random.randint(k1, (BATCH,), 0, N_POINTS, dtype=jnp.int64 if jax.config.jax_enable_x64 else jnp.int32)
    # learned parameter: cffs_scaled, init 0.05 * randn
    cffs_scaled = 0.05 * jax.random.normal(k2, (N_POINTS, 8), dtype=jnp.float32)
    # buffer: cff_scales
    cff_scales = jnp.asarray([1.0, 0.5, 2.0, 1.5, 0.8, 1.2, 0.3, 2.5], dtype=jnp.float32)
    return {"point_id": point_id, "cffs_scaled": cffs_scaled, "cff_scales": cff_scales}

def reference(point_id, cffs_scaled, cff_scales):
    # c = self.cffs_scaled[point_id]; return c * self.cff_scales
    c = jnp.take(cffs_scaled, point_id, axis=0)
    return c * cff_scales

if __name__ == "__main__":
    import jax
    _d = setup_inputs()
    print(jax.jit(kernel)(*tuple(_d.values())))

</pallas_src>

<mosaic_0001>
#map = affine_map<(d0, d1) -> (0, 0)>
#map1 = affine_map<(d0, d1) -> (0)>
module attributes {stable_mosaic.version = 14 : i64} {
  func.func @k(%arg0: i32, %arg1: i32, %arg2: memref<32x512xi32, #tpu.memory_space<hbm>>, %arg3: memref<8x1000000xf32, #tpu.memory_space<hbm>>, %arg4: memref<8xf32, #tpu.memory_space<hbm>>, %arg5: memref<8x16384xf32, #tpu.memory_space<hbm>>, %arg6: memref<1x512xi32, #tpu.memory_space<vmem>>, %arg7: memref<256x128xf32, #tpu.memory_space<vmem>>, %arg8: memref<256x128xf32, #tpu.memory_space<vmem>>, %arg9: memref<8x512xf32, #tpu.memory_space<vmem>>, %arg10: memref<16xf32, #tpu.memory_space<vmem>>, %arg11: memref<!tpu.dma_semaphore, #tpu.memory_space<semaphore_mem>>, %arg12: memref<!tpu.dma_semaphore, #tpu.memory_space<semaphore_mem>>) attributes {dimension_semantics = [#tpu.dimension_semantics<core_parallel>, #tpu.dimension_semantics<subcore_parallel>], iteration_bounds = array<i64: 2, 16>, scalar_prefetch = 0 : i64, scratch_operands = 7 : i64, tpu.core_type = #tpu.core_type<sc_vector_subcore>, window_params = [{transform_indices = #map}, {transform_indices = #map}, {transform_indices = #map1}, {transform_indices = #map}]} {
    %mul3A = arith.constant 2 : i32
    %mul3A_0 = arith.muli %arg1, %mul3A : i32
    %add3A = arith.addi %mul3A_0, %arg0 : i32
    "tpu.region"() ({
      %run_scoped3A = tpu.sem_alloc : memref<!tpu.dma_semaphore, #tpu.memory_space<semaphore_mem>>
      %dma_start3A = arith.constant 0 : i32
      %dma_start3A_10 = tpu.memref_slice %arg2[%add3A, %dma_start3A] : memref<32x512xi32, #tpu.memory_space<hbm>> -> memref<1x512xi32, #tpu.memory_space<hbm>>
      %dma_start3A_11 = arith.constant 0 : i32
      %dma_start3A_12 = tpu.memref_slice %arg2[%add3A, %dma_start3A_11] : memref<32x512xi32, #tpu.memory_space<hbm>> -> memref<1x512xi32, #tpu.memory_space<hbm>>
      tpu.enqueue_dma source(%dma_start3A_12 : memref<1x512xi32, #tpu.memory_space<hbm>>) target(%arg6 : memref<1x512xi32, #tpu.memory_space<vmem>>) target_semaphore(%run_scoped3A : memref<!tpu.dma_semaphore, #tpu.memory_space<semaphore_mem>>)
      %dma_wait3A = arith.constant 0 : i32
      %dma_wait3A_13 = tpu.memref_slice %arg2[%add3A, %dma_wait3A] : memref<32x512xi32, #tpu.memory_space<hbm>> -> memref<1x512xi32, #tpu.memory_space<hbm>>
      %dma_wait3A_14 = arith.constant 0 : i32
      %dma_wait3A_15 = tpu.memref_slice %arg2[%add3A, %dma_wait3A_14] : memref<32x512xi32, #tpu.memory_space<hbm>> -> memref<1x512xi32, #tpu.memory_space<hbm>>
      tpu.wait_dma2 semaphore(%run_scoped3A : memref<!tpu.dma_semaphore, #tpu.memory_space<semaphore_mem>>) src(%dma_wait3A_15 : memref<1x512xi32, #tpu.memory_space<hbm>>) dst(%arg6 : memref<1x512xi32, #tpu.memory_space<vmem>>)
      tpu.yield
    }) : () -> ()
    "tpu.region"() ({
      %run_scoped3A = tpu.sem_alloc : memref<!tpu.dma_semaphore, #tpu.memory_space<semaphore_mem>>
      %dma_start3A = arith.constant 0 : i32
      %dma_start3A_10 = tpu.memref_slice %arg10[%dma_start3A] : memref<16xf32, #tpu.memory_space<vmem>> -> memref<8xf32, #tpu.memory_space<vmem>>
      %dma_start3A_11 = arith.constant 0 : i32
      %dma_start3A_12 = tpu.memref_slice %arg10[%dma_start3A_11] : memref<16xf32, #tpu.memory_space<vmem>> -> memref<8xf32, #tpu.memory_space<vmem>>
      tpu.enqueue_dma source(%arg4 : memref<8xf32, #tpu.memory_space<hbm>>) target(%dma_start3A_12 : memref<8xf32, #tpu.memory_space<vmem>>) target_semaphore(%run_scoped3A : memref<!tpu.dma_semaphore, #tpu.memory_space<semaphore_mem>>)
      %dma_wait3A = arith.constant 0 : i32
      %dma_wait3A_13 = tpu.memref_slice %arg10[%dma_wait3A] : memref<16xf32, #tpu.memory_space<vmem>> -> memref<8xf32, #tpu.memory_space<vmem>>
      %dma_wait3A_14 = arith.constant 0 : i32
      %dma_wait3A_15 = tpu.memref_slice %arg10[%dma_wait3A_14] : memref<16xf32, #tpu.memory_space<vmem>> -> memref<8xf32, #tpu.memory_space<vmem>>
      tpu.wait_dma2 semaphore(%run_scoped3A : memref<!tpu.dma_semaphore, #tpu.memory_space<semaphore_mem>>) src(%arg4 : memref<8xf32, #tpu.memory_space<hbm>>) dst(%dma_wait3A_15 : memref<8xf32, #tpu.memory_space<vmem>>)
      tpu.yield
    }) : () -> ()
    %get3A = arith.constant 0 : index
    %get3A_1 = tpu.vector_load %arg10[%get3A] {strides = array<i32>} : memref<16xf32, #tpu.memory_space<vmem>>, vector<16xf32>,
    %iota3A = tpu.iota {dimensions = array<i32: 0>} : vector<16xi32>
    %scan3A = arith.constant 0 : i32
    %scan3A_2 = arith.constant 0 : i32
    %scan3A_3 = arith.constant 8 : i32
    %scan3A_4 = arith.addi %scan3A_2, %scan3A_3 : i32
    %scan3A_5 = arith.constant 1 : i32
    %scan3A_6 = scf.for %scan3A_10 = %scan3A_2 to %scan3A_4 step %scan3A_5 iter_args(%scan3A_11 = %scan3A) -> (i32)  : i32 {
      %mul3A_12 = arith.constant 2 : i32
      %mul3A_13 = arith.muli %scan3A_10, %mul3A_12 : i32
      %mul3A_14 = arith.constant 2 : i32
      %mul3A_15 = arith.muli %scan3A_10, %mul3A_14 : i32
      %add3A_16 = arith.constant 1 : i32
      %add3A_17 = arith.addi %mul3A_15, %add3A_16 : i32
      %mul3A_18 = arith.constant 32 : i32
      %mul3A_19 = arith.muli %mul3A_13, %mul3A_18 : i32
      %add3A_20 = arith.constant 0 : i32
      %add3A_21 = arith.addi %mul3A_19, %add3A_20 : i32
      %get3A_22 = arith.constant 0 : i32
      %get3A_23 = arith.index_cast %get3A_22 : i32 to index
      %get3A_24 = arith.index_cast %add3A_21 : i32 to index
      %get3A_25 = tpu.vector_load %arg6[%get3A_23, %get3A_24] {strides = array<i32>} : memref<1x512xi32, #tpu.memory_space<vmem>>, vector<16xi32>,
      %shift_right_logical3A = arith.constant 7 : i32
      %shift_right_logical3A_26 = vector.broadcast %shift_right_logical3A : i32 to vector<16xi32>
      %shift_right_logical3A_27 = arith.shrui %get3A_25, %shift_right_logical3A_26 : vector<16xi32>
      %shift_left3A = arith.constant 7 : i32
      %shift_left3A_28 = vector.broadcast %shift_left3A : i32 to vector<16xi32>
      %shift_left3A_29 = arith.shli %shift_right_logical3A_27, %shift_left3A_28 : vector<16xi32>
      %slice3A = vector.extract_strided_slice %shift_left3A_29 {offsets = [0], sizes = [1], strides = [1]} : vector<16xi32> to vector<1xi32>
      %squeeze3A = vector.extract %slice3A[0] : i32 from vector<1xi32>
      %multiple_of3A = tpu.assume_multiple %squeeze3A, 128 : i32
      %dma_start3A = arith.constant 0 : i32
      %dma_start3A_30 = arith.constant 0 : i32
      %dma_start3A_31 = tpu.memref_slice %arg7[%dma_start3A, %dma_start3A_30] : memref<256x128xf32, #tpu.memory_space<vmem>> -> memref<8x128xf32, #tpu.memory_space<vmem>>
      %dma_start3A_32 = arith.constant 0 : i32
      %dma_start3A_33 = tpu.memref_slice %arg3[%dma_start3A_32, %multiple_of3A] : memref<8x1000000xf32, #tpu.memory_space<hbm>> -> memref<8x128xf32, #tpu.memory_space<hbm>>
      %dma_start3A_34 = arith.constant 0 : i32
      %dma_start3A_35 = arith.constant 0 : i32
      %dma_start3A_36 = tpu.memref_slice %arg7[%dma_start3A_34, %dma_start3A_35] : memref<256x128xf32, #tpu.memory_space<vmem>> -> memref<8x128xf32, #tpu.memory_space<vmem>>
      %dma_start3A_37 = arith.constant 0 : i32
      %dma_start3A_38 = tpu.memref_slice %arg3[%dma_start3A_37, %multiple_of3A] : memref<8x1000000xf32, #tpu.memory_space<hbm>> -> memref<8x128xf32, #tpu.memory_space<hbm>>
      tpu.enqueue_dma source(%dma_start3A_38 : memref<8x128xf32, #tpu.memory_space<hbm>>) target(%dma_start3A_36 : memref<8x128xf32, #tpu.memory_space<vmem>>) target_semaphore(%arg11 : memref<!tpu.dma_semaphore, #tpu.memory_space<semaphore_mem>>)
      %slice3A_39 = vector.extract_strided_slice %shift_left3A_29 {offsets = [1], sizes = [1], strides = [1]} : vector<16xi32> to vector<1xi32>
      %squeeze3A_40 = vector.extract %slice3A_39[0] : i32 from vector<1xi32>
      %multiple_of3A_41 = tpu.assume_multiple %squeeze3A_40, 128 : i32
      %dma_start3A_42 = arith.constant 8 : i32
      %dma_start3A_43 = arith.constant 0 : i32
      %dma_start3A_44 = tpu.memref_slice %arg7[%dma_start3A_42, %dma_start3A_43] : memref<256x128xf32, #tpu.memory_space<vmem>> -> memref<8x128xf32, #tpu.memory_space<vmem>>
      %dma_start3A_45 = arith.constant 0 : i32
      %dma_start3A_46 = tpu.memref_slice %arg3[%dma_start3A_45, %multiple_of3A_41] : memref<8x1000000xf32, #tpu.memory_space<hbm>> -> memref<8x128xf32, #tpu.memory_space<hbm>>
      %dma_start3A_47 = arith.constant 8 : i32
      %dma_start3A_48 = arith.constant 0 : i32
      %dma_start3A_49 = tpu.memref_slice %arg7[%dma_start3A_47, %dma_start3A_48] : memref<256x128xf32, #tpu.memory_space<vmem>> -> memref<8x128xf32, #tpu.memory_space<vmem>>
      %dma_start3A_50 = arith.constant 0 : i32
      %dma_start3A_51 = tpu.memref_slice %arg3[%dma_start3A_50, %multiple_of3A_41] : memref<8x1000000xf32, #tpu.memory_space<hbm>> -> memref<8x128xf32, #tpu.memory_space<hbm>>
      tpu.enqueue_dma source(%dma_start3A_51 : memref<8x128xf32, #tpu.memory_space<hbm>>) target(%dma_start3A_49 : memref<8x128xf32, #tpu.memory_space<vmem>>) target_semaphore(%arg11 : memref<!tpu.dma_semaphore, #tpu.memory_space<semaphore_mem>>)
      %slice3A_52 = vector.extract_strided_slice %shift_left3A_29 {offsets = [2], sizes = [1], strides = [1]} : vector<16xi32> to vector<1xi32>
      %squeeze3A_53 = vector.extract %slice3A_52[0] : i32 from vector<1xi32>
      %multiple_of3A_54 = tpu.assume_multiple %squeeze3A_53, 128 : i32
      %dma_start3A_55 = arith.constant 16 : i32
      %dma_start3A_56 = arith.constant 0 : i32
      %dma_start3A_57 = tpu.memref_slice %arg7[%dma_start3A_55, %dma_start3A_56] : memref<256x128xf32, #tpu.memory_space<vmem>> -> memref<8x128xf32, #tpu.memory_space<vmem>>
      %dma_start3A_58 = arith.constant 0 : i32
      %dma_start3A_59 = tpu.memref_slice %arg3[%dma_start3A_58, %multiple_of3A_54] : memref<8x1000000xf32, #tpu.memory_space<hbm>> -> memref<8x128xf32, #tpu.memory_space<hbm>>
      %dma_start3A_60 = arith.constant 16 : i32
      %dma_start3A_61 = arith.constant 0 : i32
      %dma_start3A_62 = tpu.memref_slice %arg7[%dma_start3A_60, %dma_start3A_61] : memref<256x128xf32, #tpu.memory_space<vmem>> -> memref<8x128xf32, #tpu.memory_space<vmem>>
      %dma_start3A_63 = arith.constant 0 : i32
      %dma_start3A_64 = tpu.memref_slice %arg3[%dma_start3A_63, %multiple_of3A_54] : memref<8x1000000xf32, #tpu.memory_space<hbm>> -> memref<8x128xf32, #tpu.memory_space<hbm>>
      tpu.enqueue_dma source(%dma_start3A_64 : memref<8x128xf32, #tpu.memory_space<hbm>>) target(%dma_start3A_62 : memref<8x128xf32, #tpu.memory_space<vmem>>) target_semaphore(%arg11 : memref<!tpu.dma_semaphore, #tpu.memory_space<semaphore_mem>>)
      %slice3A_65 = vector.extract_strided_slice %shift_left3A_29 {offsets = [3], sizes = [1], strides = [1]} : vector<16xi32> to vector<1xi32>
      %squeeze3A_66 = vector.extract %slice3A_65[0] : i32 from vector<1xi32>
      %multiple_of3A_67 = tpu.assume_multiple %squeeze3A_66, 128 : i32
      %dma_start3A_68 = arith.constant 24 : i32
      %dma_start3A_69 = arith.constant 0 : i32
      %dma_start3A_70 = tpu.memref_slice %arg7[%dma_start3A_68, %dma_start3A_69] : memref<256x128xf32, #tpu.memory_space<vmem>> -> memref<8x128xf32, #tpu.memory_space<vmem>>
      %dma_start3A_71 = arith.constant 0 : i32
      %dma_start3A_72 = tpu.memref_slice %arg3[%dma_start3A_71, %multiple_of3A_67] : memref<8x1000000xf32, #tpu.memory_space<hbm>> -> memref<8x128xf32, #tpu.memory_space<hbm>>
      %dma_start3A_73 = arith.constant 24 : i32
      %dma_start3A_74 = arith.constant 0 : i32
      %dma_start3A_75 = tpu.memref_slice %arg7[%dma_start3A_73, %dma_start3A_74] : memref<256x128xf32, #tpu.memory_space<vmem>> -> memref<8x128xf32, #tpu.memory_space<vmem>>
      %dma_start3A_76 = arith.constant 0 : i32
      %dma_start3A_77 = tpu.memref_slice %arg3[%dma_start3A_76, %multiple_of3A_67] : memref<8x1000000xf32, #tpu.memory_space<hbm>> -> memref<8x128xf32, #tpu.memory_space<hbm>>
      tpu.enqueue_dma source(%dma_start3A_77 : memref<8x128xf32, #tpu.memory_space<hbm>>) target(%dma_start3A_75 : memref<8x128xf32, #tpu.memory_space<vmem>>) target_semaphore(%arg11 : memref<!tpu.dma_semaphore, #tpu.memory_space<semaphore_mem>>)
      %slice3A_78 = vector.extract_strided_slice %shift_left3A_29 {offsets = [4], sizes = [1], strides = [1]} : vector<16xi32> to vector<1xi32>
      %squeeze3A_79 = vector.extract %slice3A_78[0] : i32 from vector<1xi32>
      %multiple_of3A_80 = tpu.assume_multiple %squeeze3A_79, 128 : i32
      %dma_start3A_81 = arith.constant 32 : i32
      %dma_start3A_82 = arith.constant 0 : i32
      %dma_start3A_83 = tpu.memref_slice %arg7[%dma_start3A_81, %dma_start3A_82] : memref<256x128xf32, #tpu.memory_space<vmem>> -> memref<8x128xf32, #tpu.memory_space<vmem>>
      %dma_start3A_84 = arith.constant 0 : i32
      %dma_start3A_85 = tpu.memref_slice %arg3[%dma_start3A_84, %multiple_of3A_80] : memref<8x1000000xf32, #tpu.memory_space<hbm>> -> memref<8x128xf32, #tpu.memory_space<hbm>>
      %dma_start3A_86 = arith.constant 32 : i32
      %dma_start3A_87 = arith.constant 0 : i32
      %dma_start3A_88 = tpu.memref_slice %arg7[%dma_start3A_86, %dma_start3A_87] : memref<256x128xf32, #tpu.memory_space<vmem>> -> memref<8x128xf32, #tpu.memory_space<vmem>>
      %dma_start3A_89 = arith.constant 0 : i32
      %dma_start3A_90 = tpu.memref_slice %arg3[%dma_start3A_89, %multiple_of3A_80] : memref<8x1000000xf32, #tpu.memory_space<hbm>> -> memref<8x128xf32, #tpu.memory_space<hbm>>
      tpu.enqueue_dma source(%dma_start3A_90 : memref<8x128xf32, #tpu.memory_space<hbm>>) target(%dma_start3A_88 : memref<8x128xf32, #tpu.memory_space<vmem>>) target_semaphore(%arg11 : memref<!tpu.dma_semaphore, #tpu.memory_space<semaphore_mem>>)
      %slice3A_91 = vector.extract_strided_slice %shift_left3A_29 {offsets = [5], sizes = [1], strides = [1]} : vector<16xi32> to vector<1xi32>
      %squeeze3A_92 = vector.extract %slice3A_91[0] : i32 from vector<1xi32>
      %multiple_of3A_93 = tpu.assume_multiple %squeeze3A_92, 128 : i32
      %dma_start3A_94 = arith.constant 40 : i32
      %dma_start3A_95 = arith.constant 0 : i32
      %dma_start3A_96 = tpu.memref_slice %arg7[%dma_start3A_94, %dma_start3A_95] : memref<256x128xf32, #tpu.memory_space<vmem>> -> memref<8x128xf32, #tpu.memory_space<vmem>>
      %dma_start3A_97 = arith.constant 0 : i32
      %dma_start3A_98 = tpu.memref_slice %arg3[%dma_start3A_97, %multiple_of3A_93] : memref<8x1000000xf32, #tpu.memory_space<hbm>> -> memref<8x128xf32, #tpu.memory_space<hbm>>
      %dma_start3A_99 = arith.constant 40 : i32
      %dma_start3A_100 = arith.constant 0 : i32
      %dma_start3A_101 = tpu.memref_slice %arg7[%dma_start3A_99, %dma_start3A_100] : memref<256x128xf32, #tpu.memory_space<vmem>> -> memref<8x128xf32, #tpu.memory_space<vmem>>
      %dma_start3A_102 = arith.constant 0 : i32
      %dma_start3A_103 = tpu.memref_slice %arg3[%dma_start3A_102, %multiple_of3A_93] : memref<8x1000000xf32, #tpu.memory_space<hbm>> -> memref<8x128xf32, #tpu.memory_space<hbm>>
      tpu.enqueue_dma source(%dma_start3A_103 : memref<8x128xf32, #tpu.memory_space<hbm>>) target(%dma_start3A_101 : memref<8x128xf32, #tpu.memory_space<vmem>>) target_semaphore(%arg11 : memref<!tpu.dma_semaphore, #tpu.memory_space<semaphore_mem>>)
      %slice3A_104 = vector.extract_strided_slice %shift_left3A_29 {offsets = [6], sizes = [1], strides = [1]} : vector<16xi32> to vector<1xi32>
      %squeeze3A_105 = vector.extract %slice3A_104[0] : i32 from vector<1xi32>
      %multiple_of3A_106 = tpu.assume_multiple %squeeze3A_105, 128 : i32
      %dma_start3A_107 = arith.constant 48 : i32
      %dma_start3A_108 = arith.constant 0 : i32
      %dma_start3A_109 = tpu.memref_slice %arg7[%dma_start3A_107, %dma_start3A_108] : memref<256x128xf32, #tpu.memory_space<vmem>> -> memref<8x128xf32, #tpu.memory_space<vmem>>
      %dma_start3A_110 = arith.constant 0 : i32
      %dma_start3A_111 = tpu.memref_slice %arg3[%dma_start3A_110, %multiple_of3A_106] : memref<8x1000000xf32, #tpu.memory_space<hbm>> -> memref<8x128xf32, #tpu.memory_space<hbm>>
      %dma_start3A_112 = arith.constant 48 : i32
      %dma_start3A_113 = arith.constant 0 : i32
      %dma_start3A_114 = tpu.memref_slice %arg7[%dma_start3A_112, %dma_start3A_113] : memref<256x128xf32, #tpu.memory_space<vmem>> -> memref<8x128xf32, #tpu.memory_space<vmem>>
      %dma_start3A_115 = arith.constant 0 : i32
      %dma_start3A_116 = tpu.memref_slice %arg3[%dma_start3A_115, %multiple_of3A_106] : memref<8x1000000xf32, #tpu.memory_space<hbm>> -> memref<8x128xf32, #tpu.memory_space<hbm>>
      tpu.enqueue_dma source(%dma_start3A_116 : memref<8x128xf32, #tpu.memory_space<hbm>>) target(%dma_start3A_114 : memref<8x128xf32, #tpu.memory_space<vmem>>) target_semaphore(%arg11 : memref<!tpu.dma_semaphore, #tpu.memory_space<semaphore_mem>>)
      %slice3A_117 = vector.extract_strided_slice %shift_left3A_29 {offsets = [7], sizes = [1], strides = [1]} : vector<16xi32> to vector<1xi32>
      %squeeze3A_118 = vector.extract %slice3A_117[0] : i32 from vector<1xi32>
      %multiple_of3A_119 = tpu.assume_multiple %squeeze3A_118, 128 : i32
      %dma_start3A_120 = arith.constant 56 : i32
      %dma_start3A_121 = arith.constant 0 : i32
      %dma_start3A_122 = tpu.memref_slice %arg7[%dma_start3A_120, %dma_start3A_121] : memref<256x128xf32, #tpu.memory_space<vmem>> -> memref<8x128xf32, #tpu.memory_space<vmem>>
      %dma_start3A_123 = arith.constant 0 : i32
      %dma_start3A_124 = tpu.memref_slice %arg3[%dma_start3A_123, %multiple_of3A_119] : memref<8x1000000xf32, #tpu.memory_space<hbm>> -> memref<8x128xf32, #tpu.memory_space<hbm>>
      %dma_start3A_125 = arith.constant 56 : i32
      %dma_start3A_126 = arith.constant 0 : i32
      %dma_start3A_127 = tpu.memref_slice %arg7[%dma_start3A_125, %dma_start3A_126] : memref<256x128xf32, #tpu.memory_space<vmem>> -> memref<8x128xf32, #tpu.memory_space<vmem>>
      %dma_start3A_128 = arith.constant 0 : i32
      %dma_start3A_129 = tpu.memref_slice %arg3[%dma_start3A_128, %multiple_of3A_119] : memref<8x1000000xf32, #tpu.memory_space<hbm>> -> memref<8x128xf32, #tpu.memory_space<hbm>>
      tpu.enqueue_dma source(%dma_start3A_129 : memref<8x128xf32, #tpu.memory_space<hbm>>) target(%dma_start3A_127 : memref<8x128xf32, #tpu.memory_space<vmem>>) target_semaphore(%arg11 : memref<!tpu.dma_semaphore, #tpu.memory_space<semaphore_mem>>)
      %slice3A_130 = vector.extract_strided_slice %shift_left3A_29 {offsets = [8], sizes = [1], strides = [1]} : vector<16xi32> to vector<1xi32>
      %squeeze3A_131 = vector.extract %slice3A_130[0] : i32 from vector<1xi32>
      %multiple_of3A_132 = tpu.assume_multiple %squeeze3A_131, 128 : i32
      %dma_start3A_133 = arith.constant 64 : i32
      %dma_start3A_134 = arith.constant 0 : i32
      %dma_start3A_135 = tpu.memref_slice %arg7[%dma_start3A_133, %dma_start3A_134] : memref<256x128xf32, #tpu.memory_space<vmem>> -> memref<8x128xf32, #tpu.memory_space<vmem>>
      %dma_start3A_136 = arith.constant 0 : i32
      %dma_start3A_137 = tpu.memref_slice %arg3[%dma_start3A_136, %multiple_of3A_132] : memref<8x1000000xf32, #tpu.memory_space<hbm>> -> memref<8x128xf32, #tpu.memory_space<hbm>>
      %dma_start3A_138 = arith.constant 64 : i32
      %dma_start3A_139 = arith.constant 0 : i32
      %dma_start3A_140 = tpu.memref_slice %arg7[%dma_start3A_138, %dma_start3A_139] : memref<256x128xf32, #tpu.memory_space<vmem>> -> memref<8x128xf32, #tpu.memory_space<vmem>>
      %dma_start3A_141 = arith.constant 0 : i32
      %dma_start3A_142 = tpu.memref_slice %arg3[%dma_start3A_141, %multiple_of3A_132] : memref<8x1000000xf32, #tpu.memory_space<hbm>> -> memref<8x128xf32, #tpu.memory_space<hbm>>
      tpu.enqueue_dma source(%dma_start3A_142 : memref<8x128xf32, #tpu.memory_space<hbm>>) target(%dma_start3A_140 : memref<8x128xf32, #tpu.memory_space<vmem>>) target_semaphore(%arg11 : memref<!tpu.dma_semaphore, #tpu.memory_space<semaphore_mem>>)
      %slice3A_143 = vector.extract_strided_slice %shift_left3A_29 {offsets = [9], sizes = [1], strides = [1]} : vector<16xi32> to vector<1xi32>
      %squeeze3A_144 = vector.extract %slice3A_143[0] : i32 from vector<1xi32>
      %multiple_of3A_145 = tpu.assume_multiple %squeeze3A_144, 128 : i32
      %dma_start3A_146 = arith.constant 72 : i32
      %dma_start3A_147 = arith.constant 0 : i32
      %dma_start3A_148 = tpu.memref_slice %arg7[%dma_start3A_146, %dma_start3A_147] : memref<256x128xf32, #tpu.memory_space<vmem>> -> memref<8x128xf32, #tpu.memory_space<vmem>>
      %dma_start3A_149 = arith.constant 0 : i32
      %dma_start3A_150 = tpu.memref_slice %arg3[%dma_start3A_149, %multiple_of3A_145] : memref<8x1000000xf32, #tpu.memory_space<hbm>> -> memref<8x128xf32, #tpu.memory_space<hbm>>
      %dma_start3A_151 = arith.constant 72 : i32
      %dma_start3A_152 = arith.constant 0 : i32
      %dma_start3A_153 = tpu.memref_slice %arg7[%dma_start3A_151, %dma_start3A_152] : memref<256x128xf32, #tpu.memory_space<vmem>> -> memref<8x128xf32, #tpu.memory_space<vmem>>
      %dma_start3A_154 = arith.constant 0 : i32
      %dma_start3A_155 = tpu.memref_slice %arg3[%dma_start3A_154, %multiple_of3A_145] : memref<8x1000000xf32, #tpu.memory_space<hbm>> -> memref<8x128xf32, #tpu.memory_space<hbm>>
      tpu.enqueue_dma source(%dma_start3A_155 : memref<8x128xf32, #tpu.memory_space<hbm>>) target(%dma_start3A_153 : memref<8x128xf32, #tpu.memory_space<vmem>>) target_semaphore(%arg11 : memref<!tpu.dma_semaphore, #tpu.memory_space<semaphore_mem>>)
      %slice3A_156 = vector.extract_strided_slice %shift_left3A_29 {offsets = [10], sizes = [1], strides = [1]} : vector<16xi32> to vector<1xi32>
      %squeeze3A_157 = vector.extract %slice3A_156[0] : i32 from vector<1xi32>
      %multiple_of3A_158 = tpu.assume_multiple %squeeze3A_157, 128 : i32
      %dma_start3A_159 = arith.constant 80 : i32
      %dma_start3A_160 = arith.constant 0 : i32
      %dma_start3A_161 = tpu.memref_slice %arg7[%dma_start3A_159, %dma_start3A_160] : memref<256x128xf32, #tpu.memory_space<vmem>> -> memref<8x128xf32, #tpu.memory_space<vmem>>
      %dma_start3A_162 = arith.constant 0 : i32
      %dma_start3A_163 = tpu.memref_slice %arg3[%dma_start3A_162, %multiple_of3A_158] : memref<8x1000000xf32, #tpu.memory_space<hbm>> -> memref<8x128xf32, #tpu.memory_space<hbm>>
      %dma_start3A_164 = arith.constant 80 : i32
      %dma_start3A_165 = arith.constant 0 : i32
      %dma_start3A_166 = tpu.memref_slice %arg7[%dma_start3A_164, %dma_start3A_165] : memref<256x128xf32, #tpu.memory_space<vmem>> -> memref<8x128xf32, #tpu.memory_space<vmem>>
      %dma_start3A_167 = arith.constant 0 : i32
      %dma_start3A_168 = tpu.memref_slice %arg3[%dma_start3A_167, %multiple_of3A_158] : memref<8x1000000xf32, #tpu.memory_space<hbm>> -> memref<8x128xf32, #tpu.memory_space<hbm>>
      tpu.enqueue_dma source(%dma_start3A_168 : memref<8x128xf32, #tpu.memory_space<hbm>>) target(%dma_start3A_166 : memref<8x128xf32, #tpu.memory_space<vmem>>) target_semaphore(%arg11 : memref<!tpu.dma_semaphore, #tpu.memory_space<semaphore_mem>>)
      %slice3A_169 = vector.extract_strided_slice %shift_left3A_29 {offsets = [11], sizes = [1], strides = [1]} : vector<16xi32> to vector<1xi32>
      %squeeze3A_170 = vector.extract %slice3A_169[0] : i32 from vector<1xi32>
      %multiple_of3A_171 = tpu.assume_multiple %squeeze3A_170, 128 : i32
      %dma_start3A_172 = arith.constant 88 : i32
      %dma_start3A_173 = arith.constant 0 : i32
      %dma_start3A_174 = tpu.memref_slice %arg7[%dma_start3A_172, %dma_start3A_173] : memref<256x128xf32, #tpu.memory_space<vmem>> -> memref<8x128xf32, #tpu.memory_space<vmem>>
      %dma_start3A_175 = arith.constant 0 : i32
      %dma_start3A_176 = tpu.memref_slice %arg3[%dma_start3A_175, %multiple_of3A_171] : memref<8x1000000xf32, #tpu.memory_space<hbm>> -> memref<8x128xf32, #tpu.memory_space<hbm>>
      %dma_start3A_177 = arith.constant 88 : i32
      %dma_start3A_178 = arith.constant 0 : i32
      %dma_start3A_179 = tpu.memref_slice %arg7[%dma_start3A_177, %dma_start3A_178] : memref<256x128xf32, #tpu.memory_space<vmem>> -> memref<8x128xf32, #tpu.memory_space<vmem>>
      %dma_start3A_180 = arith.constant 0 : i32
      %dma_start3A_181 = tpu.memref_slice %arg3[%dma_start3A_180, %multiple_of3A_171] : memref<8x1000000xf32, #tpu.memory_space<hbm>> -> memref<8x128xf32, #tpu.memory_space<hbm>>
      tpu.enqueue_dma source(%dma_start3A_181 : memref<8x128xf32, #tpu.memory_space<hbm>>) target(%dma_start3A_179 : memref<8x128xf32, #tpu.memory_space<vmem>>) target_semaphore(%arg11 : memref<!tpu.dma_semaphore, #tpu.memory_space<semaphore_mem>>)
      %slice3A_182 = vector.extract_strided_slice %shift_left3A_29 {offsets = [12], sizes = [1], strides = [1]} : vector<16xi32> to vector<1xi32>
      %squeeze3A_183 = vector.extract %slice3A_182[0] : i32 from vector<1xi32>
      %multiple_of3A_184 = tpu.assume_multiple %squeeze3A_183, 128 : i32
      %dma_start3A_185 = arith.constant 96 : i32
      %dma_start3A_186 = arith.constant 0 : i32
      %dma_start3A_187 = tpu.memref_slice %arg7[%dma_start3A_185, %dma_start3A_186] : memref<256x128xf32, #tpu.memory_space<vmem>> -> memref<8x128xf32, #tpu.memory_space<vmem>>
      %dma_start3A_188 = arith.constant 0 : i32
      %dma_start3A_189 = tpu.memref_slice %arg3[%dma_start3A_188, %multiple_of3A_184] : memref<8x1000000xf32, #tpu.memory_space<hbm>> -> memref<8x128xf32, #tpu.memory_space<hbm>>
      %dma_start3A_190 = arith.constant 96 : i32
      %dma_start3A_191 = arith.constant 0 : i32
      %dma_start3A_192 = tpu.memref_slice %arg7[%dma_start3A_190, %dma_start3A_191] : memref<256x128xf32, #tpu.memory_space<vmem>> -> memref<8x128xf32, #tpu.memory_space<vmem>>
      %dma_start3A_193 = arith.constant 0 : i32
      %dma_start3A_194 = tpu.memref_slice %arg3[%dma_start3A_193, %multiple_of3A_184] : memref<8x1000000xf32, #tpu.memory_space<hbm>> -> memref<8x128xf32, #tpu.memory_space<hbm>>
      tpu.enqueue_dma source(%dma_start3A_194 : memref<8x128xf32, #tpu.memory_space<hbm>>) target(%dma_start3A_192 : memref<8x128xf32, #tpu.memory_space<vmem>>) target_semaphore(%arg11 : memref<!tpu.dma_semaphore, #tpu.memory_space<semaphore_mem>>)
      %slice3A_195 = vector.extract_strided_slice %shift_left3A_29 {offsets = [13], sizes = [1], strides = [1]} : vector<16xi32> to vector<1xi32>
      %squeeze3A_196 = vector.extract %slice3A_195[0] : i32 from vector<1xi32>
      %multiple_of3A_197 = tpu.assume_multiple %squeeze3A_196, 128 : i32
      %dma_start3A_198 = arith.constant 104 : i32
      %dma_start3A_199 = arith.constant 0 : i32
      %dma_start3A_200 = tpu.memref_slice %arg7[%dma_start3A_198, %dma_start3A_199] : memref<256x128xf32, #tpu.memory_space<vmem>> -> memref<8x128xf32, #tpu.memory_space<vmem>>
      %dma_start3A_201 = arith.constant 0 : i32
      %dma_start3A_202 = tpu.memref_slice %arg3[%dma_start3A_201, %multiple_of3A_197] : memref<8x1000000xf32, #tpu.memory_space<hbm>> -> memref<8x128xf32, #tpu.memory_space<hbm>>
      %dma_start3A_203 = arith.constant 104 : i32
      %dma_start3A_204 = arith.constant 0 : i32
      %dma_start3A_205 = tpu.memref_slice %arg7[%dma_start3A_203, %dma_start3A_204] : memref<256x128xf32, #tpu.memory_space<vmem>> -> memref<8x128xf32, #tpu.memory_space<vmem>>
      %dma_start3A_206 = arith.constant 0 : i32
      %dma_start3A_207 = tpu.memref_slice %arg3[%dma_start3A_206, %multiple_of3A_197] : memref<8x1000000xf32, #tpu.memory_space<hbm>> -> memref<8x128xf32, #tpu.memory_space<hbm>>
      tpu.enqueue_dma source(%dma_start3A_207 : memref<8x128xf32, #tpu.memory_space<hbm>>) target(%dma_start3A_205 : memref<8x128xf32, #tpu.memory_space<vmem>>) target_semaphore(%arg11 : memref<!tpu.dma_semaphore, #tpu.memory_space<semaphore_mem>>)
      %slice3A_208 = vector.extract_strided_slice %shift_left3A_29 {offsets = [14], sizes = [1], strides = [1]} : vector<16xi32> to vector<1xi32>
      %squeeze3A_209 = vector.extract %slice3A_208[0] : i32 from vector<1xi32>
      %multiple_of3A_210 = tpu.assume_multiple %squeeze3A_209, 128 : i32
      %dma_start3A_211 = arith.constant 112 : i32
      %dma_start3A_212 = arith.constant 0 : i32
      %dma_start3A_213 = tpu.memref_slice %arg7[%dma_start3A_211, %dma_start3A_212] : memref<256x128xf32, #tpu.memory_space<vmem>> -> memref<8x128xf32, #tpu.memory_space<vmem>>
      %dma_start3A_214 = arith.constant 0 : i32
      %dma_start3A_215 = tpu.memref_slice %arg3[%dma_start3A_214, %multiple_of3A_210] : memref<8x1000000xf32, #tpu.memory_space<hbm>> -> memref<8x128xf32, #tpu.memory_space<hbm>>
      %dma_start3A_216 = arith.constant 112 : i32
      %dma_start3A_217 = arith.constant 0 : i32
      %dma_start3A_218 = tpu.memref_slice %arg7[%dma_start3A_216, %dma_start3A_217] : memref<256x128xf32, #tpu.memory_space<vmem>> -> memref<8x128xf32, #tpu.memory_space<vmem>>
      %dma_start3A_219 = arith.constant 0 : i32
      %dma_start3A_220 = tpu.memref_slice %arg3[%dma_start3A_219, %multiple_of3A_210] : memref<8x1000000xf32, #tpu.memory_space<hbm>> -> memref<8x128xf32, #tpu.memory_space<hbm>>
      tpu.enqueue_dma source(%dma_start3A_220 : memref<8x128xf32, #tpu.memory_space<hbm>>) target(%dma_start3A_218 : memref<8x128xf32, #tpu.memory_space<vmem>>) target_semaphore(%arg11 : memref<!tpu.dma_semaphore, #tpu.memory_space<semaphore_mem>>)
      %slice3A_221 = vector.extract_strided_slice %shift_left3A_29 {offsets = [15], sizes = [1], strides = [1]} : vector<16xi32> to vector<1xi32>
      %squeeze3A_222 = vector.extract %slice3A_221[0] : i32 from vector<1xi32>
      %multiple_of3A_223 = tpu.assume_multiple %squeeze3A_222, 128 : i32
      %dma_start3A_224 = arith.constant 120 : i32
      %dma_start3A_225 = arith.constant 0 : i32
      %dma_start3A_226 = tpu.memref_slice %arg7[%dma_start3A_224, %dma_start3A_225] : memref<256x128xf32, #tpu.memory_space<vmem>> -> memref<8x128xf32, #tpu.memory_space<vmem>>
      %dma_start3A_227 = arith.constant 0 : i32
      %dma_start3A_228 = tpu.memref_slice %arg3[%dma_start3A_227, %multiple_of3A_223] : memref<8x1000000xf32, #tpu.memory_space<hbm>> -> memref<8x128xf32, #tpu.memory_space<hbm>>
      %dma_start3A_229 = arith.constant 120 : i32
      %dma_start3A_230 = arith.constant 0 : i32
      %dma_start3A_231 = tpu.memref_slice %arg7[%dma_start3A_229, %dma_start3A_230] : memref<256x128xf32, #tpu.memory_space<vmem>> -> memref<8x128xf32, #tpu.memory_space<vmem>>
      %dma_start3A_232 = arith.constant 0 : i32
      %dma_start3A_233 = tpu.memref_slice %arg3[%dma_start3A_232, %multiple_of3A_223] : memref<8x1000000xf32, #tpu.memory_space<hbm>> -> memref<8x128xf32, #tpu.memory_space<hbm>>
      tpu.enqueue_dma source(%dma_start3A_233 : memref<8x128xf32, #tpu.memory_space<hbm>>) target(%dma_start3A_231 : memref<8x128xf32, #tpu.memory_space<vmem>>) target_semaphore(%arg11 : memref<!tpu.dma_semaphore, #tpu.memory_space<semaphore_mem>>)
      %add3A_234 = arith.constant 16 : i32
      %add3A_235 = arith.addi %mul3A_19, %add3A_234 : i32
      %get3A_236 = arith.constant 0 : i32
      %get3A_237 = arith.index_cast %get3A_236 : i32 to index
      %get3A_238 = arith.index_cast %add3A_235 : i32 to index
      %get3A_239 = tpu.vector_load %arg6[%get3A_237, %get3A_238] {strides = array<i32>} : memref<1x512xi32, #tpu.memory_space<vmem>>, vector<16xi32>,
      %shift_right_logical3A_240 = arith.constant 7 : i32
      %shift_right_logical3A_241 = vector.broadcast %shift_right_logical3A_240 : i32 to vector<16xi32>
      %shift_right_logical3A_242 = arith.shrui %get3A_239, %shift_right_logical3A_241 : vector<16xi32>
      %shift_left3A_243 = arith.constant 7 : i32
      %shift_left3A_244 = vector.broadcast %shift_left3A_243 : i32 to vector<16xi32>
      %shift_left3A_245 = arith.shli %shift_right_logical3A_242, %shift_left3A_244 : vector<16xi32>
      %slice3A_246 = vector.extract_strided_slice %shift_left3A_245 {offsets = [0], sizes = [1], strides = [1]} : vector<16xi32> to vector<1xi32>
      %squeeze3A_247 = vector.extract %slice3A_246[0] : i32 from vector<1xi32>
      %multiple_of3A_248 = tpu.assume_multiple %squeeze3A_247, 128 : i32
      %dma_start3A_249 = arith.constant 128 : i32
      %dma_start3A_250 = arith.constant 0 : i32
      %dma_start3A_251 = tpu.memref_slice %arg7[%dma_start3A_249, %dma_start3A_250] : memref<256x128xf32, #tpu.memory_space<vmem>> -> memref<8x128xf32, #tpu.memory_space<vmem>>
      %dma_start3A_252 = arith.constant 0 : i32
      %dma_start3A_253 = tpu.memref_slice %arg3[%dma_start3A_252, %multiple_of3A_248] : memref<8x1000000xf32, #tpu.memory_space<hbm>> -> memref<8x128xf32, #tpu.memory_space<hbm>>
      %dma_start3A_254 = arith.constant 128 : i32
      %dma_start3A_255 = arith.constant 0 : i32
      %dma_start3A_256 = tpu.memref_slice %arg7[%dma_start3A_254, %dma_start3A_255] : memref<256x128xf32, #tpu.memory_space<vmem>> -> memref<8x128xf32, #tpu.memory_space<vmem>>
      %dma_start3A_257 = arith.constant 0 : i32
      %dma_start3A_258 = tpu.memref_slice %arg3[%dma_start3A_257, %multiple_of3A_248] : memref<8x1000000xf32, #tpu.memory_space<hbm>> -> memref<8x128xf32, #tpu.memory_space<hbm>>
      tpu.enqueue_dma source(%dma_start3A_258 : memref<8x128xf32, #tpu.memory_space<hbm>>) target(%dma_start3A_256 : memref<8x128xf32, #tpu.memory_space<vmem>>) target_semaphore(%arg11 : memref<!tpu.dma_semaphore, #tpu.memory_space<semaphore_mem>>)
      %slice3A_259 = vector.extract_strided_slice %shift_left3A_245 {offsets = [1], sizes = [1], strides = [1]} : vector<16xi32> to vector<1xi32>
      %squeeze3A_260 = vector.extract %slice3A_259[0] : i32 from vector<1xi32>
      %multiple_of3A_261 = tpu.assume_multiple %squeeze3A_260, 128 : i32
      %dma_start3A_262 = arith.constant 136 : i32
      %dma_start3A_263 = arith.constant 0 : i32
      %dma_start3A_264 = tpu.memref_slice %arg7[%dma_start3A_262, %dma_start3A_263] : memref<256x128xf32, #tpu.memory_space<vmem>> -> memref<8x128xf32, #tpu.memory_space<vmem>>
      %dma_start3A_265 = arith.constant 0 : i32
      %dma_start3A_266 = tpu.memref_slice %arg3[%dma_start3A_265, %multiple_of3A_261] : memref<8x1000000xf32, #tpu.memory_space<hbm>> -> memref<8x128xf32, #tpu.memory_space<hbm>>
      %dma_start3A_267 = arith.constant 136 : i32
      %dma_start3A_268 = arith.constant 0 : i32
      %dma_start3A_269 = tpu.memref_slice %arg7[%dma_start3A_267, %dma_start3A_268] : memref<256x128xf32, #tpu.memory_space<vmem>> -> memref<8x128xf32, #tpu.memory_space<vmem>>
      %dma_start3A_270 = arith.constant 0 : i32
      %dma_start3A_271 = tpu.memref_slice %arg3[%dma_start3A_270, %multiple_of3A_261] : memref<8x1000000xf32, #tpu.memory_space<hbm>> -> memref<8x128xf32, #tpu.memory_space<hbm>>
      tpu.enqueue_dma source(%dma_start3A_271 : memref<8x128xf32, #tpu.memory_space<hbm>>) target(%dma_start3A_269 : memref<8x128xf32, #tpu.memory_space<vmem>>) target_semaphore(%arg11 : memref<!tpu.dma_semaphore, #tpu.memory_space<semaphore_mem>>)
      %slice3A_272 = vector.extract_strided_slice %shift_left3A_245 {offsets = [2], sizes = [1], strides = [1]} : vector<16xi32> to vector<1xi32>
      %squeeze3A_273 = vector.extract %slice3A_272[0] : i32 from vector<1xi32>
      %multiple_of3A_274 = tpu.assume_multiple %squeeze3A_273, 128 : i32
      %dma_start3A_275 = arith.constant 144 : i32
      %dma_start3A_276 = arith.constant 0 : i32
      %dma_start3A_277 = tpu.memref_slice %arg7[%dma_start3A_275, %dma_start3A_276] : memref<256x128xf32, #tpu.memory_space<vmem>> -> memref<8x128xf32, #tpu.memory_space<vmem>>
      %dma_start3A_278 = arith.constant 0 : i32
      %dma_start3A_279 = tpu.memref_slice %arg3[%dma_start3A_278, %multiple_of3A_274] : memref<8x1000000xf32, #tpu.memory_space<hbm>> -> memref<8x128xf32, #tpu.memory_space<hbm>>
      %dma_start3A_280 = arith.constant 144 : i32
      %dma_start3A_281 = arith.constant 0 : i32
      %dma_start3A_282 = tpu.memref_slice %arg7[%dma_start3A_280, %dma_start3A_281] : memref<256x128xf32, #tpu.memory_space<vmem>> -> memref<8x128xf32, #tpu.memory_space<vmem>>
      %dma_start3A_283 = arith.constant 0 : i32
      %dma_start3A_284 = tpu.memref_slice %arg3[%dma_start3A_283, %multiple_of3A_274] : memref<8x1000000xf32, #tpu.memory_space<hbm>> -> memref<8x128xf32, #tpu.memory_space<hbm>>
      tpu.enqueue_dma source(%dma_start3A_284 : memref<8x128xf32, #tpu.memory_space<hbm>>) target(%dma_start3A_282 : memref<8x128xf32, #tpu.memory_space<vmem>>) target_semaphore(%arg11 : memref<!tpu.dma_semaphore, #tpu.memory_space<semaphore_mem>>)
      %slice3A_285 = vector.extract_strided_slice %shift_left3A_245 {offsets = [3], sizes = [1], strides = [1]} : vector<16xi32> to vector<1xi32>
      %squeeze3A_286 = vector.extract %slice3A_285[0] : i32 from vector<1xi32>
      %multiple_of3A_287 = tpu.assume_multiple %squeeze3A_286, 128 : i32
      %dma_start3A_288 = arith.constant 152 : i32
      %dma_start3A_289 = arith.constant 0 : i32
      %dma_start3A_290 = tpu.memref_slice %arg7[%dma_start3A_288, %dma_start3A_289] : memref<256x128xf32, #tpu.memory_space<vmem>> -> memref<8x128xf32, #tpu.memory_space<vmem>>
      %dma_start3A_291 = arith.constant 0 : i32
      %dma_start3A_292 = tpu.memref_slice %arg3[%dma_start3A_291, %multiple_of3A_287] : memref<8x1000000xf32, #tpu.memory_space<hbm>> -> memref<8x128xf32, #tpu.memory_space<hbm>>
      %dma_start3A_293 = arith.constant 152 : i32
      %dma_start3A_294 = arith.constant 0 : i32
      %dma_start3A_295 = tpu.memref_slice %arg7[%dma_start3A_293, %dma_start3A_294] : memref<256x128xf32, #tpu.memory_space<vmem>> -> memref<8x128xf32, #tpu.memory_space<vmem>>
      %dma_start3A_296 = arith.constant 0 : i32
      %dma_start3A_297 = tpu.memref_slice %arg3[%dma_start3A_296, %multiple_of3A_287] : memref<8x1000000xf32, #tpu.memory_space<hbm>> -> memref<8x128xf32, #tpu.memory_space<hbm>>
      tpu.enqueue_dma source(%dma_start3A_297 : memref<8x128xf32, #tpu.memory_space<hbm>>) target(%dma_start3A_295 : memref<8x128xf32, #tpu.memory_space<vmem>>) target_semaphore(%arg11 : memref<!tpu.dma_semaphore, #tpu.memory_space<semaphore_mem>>)
      %slice3A_298 = vector.extract_strided_slice %shift_left3A_245 {offsets = [4], sizes = [1], strides = [1]} : vector<16xi32> to vector<1xi32>
      %squeeze3A_299 = vector.extract %slice3A_298[0] : i32 from vector<1xi32>
      %multiple_of3A_300 = tpu.assume_multiple %squeeze3A_299, 128 : i32
      %dma_start3A_301 = arith.constant 160 : i32
      %dma_start3A_302 = arith.constant 0 : i32
      %dma_start3A_303 = tpu.memref_slice %arg7[%dma_start3A_301, %dma_start3A_302] : memref<256x128xf32, #tpu.memory_space<vmem>> -> memref<8x128xf32, #tpu.memory_space<vmem>>
      %dma_start3A_304 = arith.constant 0 : i32
      %dma_start3A_305 = tpu.memref_slice %arg3[%dma_start3A_304, %multiple_of3A_300] : memref<8x1000000xf32, #tpu.memory_space<hbm>> -> memref<8x128xf32, #tpu.memory_space<hbm>>
      %dma_start3A_306 = arith.constant 160 : i32
      %dma_start3A_307 = arith.constant 0 : i32
      %dma_start3A_308 = tpu.memref_slice %arg7[%dma_start3A_306, %dma_start3A_307] : memref<256x128xf32, #tpu.memory_space<vmem>> -> memref<8x128xf32, #tpu.memory_space<vmem>>
      %dma_start3A_309 = arith.constant 0 : i32
      %dma_start3A_310 = tpu.memref_slice %arg3[%dma_start3A_309, %multiple_of3A_300] : memref<8x1000000xf32, #tpu.memory_space<hbm>> -> memref<8x128xf32, #tpu.memory_space<hbm>>
      tpu.enqueue_dma source(%dma_start3A_310 : memref<8x128xf32, #tpu.memory_space<hbm>>) target(%dma_start3A_308 : memref<8x128xf32, #tpu.memory_space<vmem>>) target_semaphore(%arg11 : memref<!tpu.dma_semaphore, #tpu.memory_space<semaphore_mem>>)
      %slice3A_311 = vector.extract_strided_slice %shift_left3A_245 {offsets = [5], sizes = [1], strides = [1]} : vector<16xi32> to vector<1xi32>
      %squeeze3A_312 = vector.extract %slice3A_311[0] : i32 from vector<1xi32>
      %multiple_of3A_313 = tpu.assume_multiple %squeeze3A_312, 128 : i32
      %dma_start3A_314 = arith.constant 168 : i32
      %dma_start3A_315 = arith.constant 0 : i32
      %dma_start3A_316 = tpu.memref_slice %arg7[%dma_start3A_314, %dma_start3A_315] : memref<256x128xf32, #tpu.memory_space<vmem>> -> memref<8x128xf32, #tpu.memory_space<vmem>>
      %dma_start3A_317 = arith.constant 0 : i32
      %dma_start3A_318 = tpu.memref_slice %arg3[%dma_start3A_317, %multiple_of3A_313] : memref<8x1000000xf32, #tpu.memory_space<hbm>> -> memref<8x128xf32, #tpu.memory_space<hbm>>
      %dma_start3A_319 = arith.constant 168 : i32
      %dma_start3A_320 = arith.constant 0 : i32
      %dma_start3A_321 = tpu.memref_slice %arg7[%dma_start3A_319, %dma_start3A_320] : memref<256x128xf32, #tpu.memory_space<vmem>> -> memref<8x128xf32, #tpu.memory_space<vmem>>
      %dma_start3A_322 = arith.constant 0 : i32
      %dma_start3A_323 = tpu.memref_slice %arg3[%dma_start3A_322, %multiple_of3A_313] : memref<8x1000000xf32, #tpu.memory_space<hbm>> -> memref<8x128xf32, #tpu.memory_space<hbm>>
      tpu.enqueue_dma source(%dma_start3A_323 : memref<8x128xf32, #tpu.memory_space<hbm>>) target(%dma_start3A_321 : memref<8x128xf32, #tpu.memory_space<vmem>>) target_semaphore(%arg11 : memref<!tpu.dma_semaphore, #tpu.memory_space<semaphore_mem>>)
      %slice3A_324 = vector.extract_strided_slice %shift_left3A_245 {offsets = [6], sizes = [1], strides = [1]} : vector<16xi32> to vector<1xi32>
      %squeeze3A_325 = vector.extract %slice3A_324[0] : i32 from vector<1xi32>
      %multiple_of3A_326 = tpu.assume_multiple %squeeze3A_325, 128 : i32
      %dma_start3A_327 = arith.constant 176 : i32
      %dma_start3A_328 = arith.constant 0 : i32
      %dma_start3A_329 = tpu.memref_slice %arg7[%dma_start3A_327, %dma_start3A_328] : memref<256x128xf32, #tpu.memory_space<vmem>> -> memref<8x128xf32, #tpu.memory_space<vmem>>
      %dma_start3A_330 = arith.constant 0 : i32
      %dma_start3A_331 = tpu.memref_slice %arg3[%dma_start3A_330, %multiple_of3A_326] : memref<8x1000000xf32, #tpu.memory_space<hbm>> -> memref<8x128xf32, #tpu.memory_space<hbm>>
      %dma_start3A_332 = arith.constant 176 : i32
      %dma_start3A_333 = arith.constant 0 : i32
      %dma_start3A_334 = tpu.memref_slice %arg7[%dma_start3A_332, %dma_start3A_333] : memref<256x128xf32, #tpu.memory_space<vmem>> -> memref<8x128xf32, #tpu.memory_space<vmem>>
      %dma_start3A_335 = arith.constant 0 : i32
      %dma_start3A_336 = tpu.memref_slice %arg3[%dma_start3A_335, %multiple_of3A_326] : memref<8x1000000xf32, #tpu.memory_space<hbm>> -> memref<8x128xf32, #tpu.memory_space<hbm>>
      tpu.enqueue_dma source(%dma_start3A_336 : memref<8x128xf32, #tpu.memory_space<hbm>>) target(%dma_start3A_334 : memref<8x128xf32, #tpu.memory_space<vmem>>) target_semaphore(%arg11 : memref<!tpu.dma_semaphore, #tpu.memory_space<semaphore_mem>>)
      %slice3A_337 = vector.extract_strided_slice %shift_left3A_245 {offsets = [7], sizes = [1], strides = [1]} : vector<16xi32> to vector<1xi32>
      %squeeze3A_338 = vector.extract %slice3A_337[0] : i32 from vector<1xi32>
      %multiple_of3A_339 = tpu.assume_multiple %squeeze3A_338, 128 : i32
      %dma_start3A_340 = arith.constant 184 : i32
      %dma_start3A_341 = arith.constant 0 : i32
      %dma_start3A_342 = tpu.memref_slice %arg7[%dma_start3A_340, %dma_start3A_341] : memref<256x128xf32, #tpu.memory_space<vmem>> -> memref<8x128xf32, #tpu.memory_space<vmem>>
      %dma_start3A_343 = arith.constant 0 : i32
      %dma_start3A_344 = tpu.memref_slice %arg3[%dma_start3A_343, %multiple_of3A_339] : memref<8x1000000xf32, #tpu.memory_space<hbm>> -> memref<8x128xf32, #tpu.memory_space<hbm>>
      %dma_start3A_345 = arith.constant 184 : i32
      %dma_start3A_346 = arith.constant 0 : i32
      %dma_start3A_347 = tpu.memref_slice %arg7[%dma_start3A_345, %dma_start3A_346] : memref<256x128xf32, #tpu.memory_space<vmem>> -> memref<8x128xf32, #tpu.memory_space<vmem>>
      %dma_start3A_348 = arith.constant 0 : i32
      %dma_start3A_349 = tpu.memref_slice %arg3[%dma_start3A_348, %multiple_of3A_339] : memref<8x1000000xf32, #tpu.memory_space<hbm>> -> memref<8x128xf32, #tpu.memory_space<hbm>>
      tpu.enqueue_dma source(%dma_start3A_349 : memref<8x128xf32, #tpu.memory_space<hbm>>) target(%dma_start3A_347 : memref<8x128xf32, #tpu.memory_space<vmem>>) target_semaphore(%arg11 : memref<!tpu.dma_semaphore, #tpu.memory_space<semaphore_mem>>)
      %slice3A_350 = vector.extract_strided_slice %shift_left3A_245 {offsets = [8], sizes = [1], strides = [1]} : vector<16xi32> to vector<1xi32>
      %squeeze3A_351 = vector.extract %slice3A_350[0] : i32 from vector<1xi32>
      %multiple_of3A_352 = tpu.assume_multiple %squeeze3A_351, 128 : i32
      %dma_start3A_353 = arith.constant 192 : i32
      %dma_start3A_354 = arith.constant 0 : i32
      %dma_start3A_355 = tpu.memref_slice %arg7[%dma_start3A_353, %dma_start3A_354] : memref<256x128xf32, #tpu.memory_space<vmem>> -> memref<8x128xf32, #tpu.memory_space<vmem>>
      %dma_start3A_356 = arith.constant 0 : i32
      %dma_start3A_357 = tpu.memref_slice %arg3[%dma_start3A_356, %multiple_of3A_352] : memref<8x1000000xf32, #tpu.memory_space<hbm>> -> memref<8x128xf32, #tpu.memory_space<hbm>>
      %dma_start3A_358 = arith.constant 192 : i32
      %dma_start3A_359 = arith.constant 0 : i32
      %dma_start3A_360 = tpu.memref_slice %arg7[%dma_start3A_358, %dma_start3A_359] : memref<256x128xf32, #tpu.memory_space<vmem>> -> memref<8x128xf32, #tpu.memory_space<vmem>>
      %dma_start3A_361 = arith.constant 0 : i32
      %dma_start3A_362 = tpu.memref_slice %arg3[%dma_start3A_361, %multiple_of3A_352] : memref<8x1000000xf32, #tpu.memory_space<hbm>> -> memref<8x128xf32, #tpu.memory_space<hbm>>
      tpu.enqueue_dma source(%dma_start3A_362 : memref<8x128xf32, #tpu.memory_space<hbm>>) target(%dma_start3A_360 : memref<8x128xf32, #tpu.memory_space<vmem>>) target_semaphore(%arg11 : memref<!tpu.dma_semaphore, #tpu.memory_space<semaphore_mem>>)
      %slice3A_363 = vector.extract_strided_slice %shift_left3A_245 {offsets = [9], sizes = [1], strides = [1]} : vector<16xi32> to vector<1xi32>
      %squeeze3A_364 = vector.extract %slice3A_363[0] : i32 from vector<1xi32>
      %multiple_of3A_365 = tpu.assume_multiple %squeeze3A_364, 128 : i32
      %dma_start3A_366 = arith.constant 200 : i32
      %dma_start3A_367 = arith.constant 0 : i32
      %dma_start3A_368 = tpu.memref_slice %arg7[%dma_start3A_366, %dma_start3A_367] : memref<256x128xf32, #tpu.memory_space<vmem>> -> memref<8x128xf32, #tpu.memory_space<vmem>>
      %dma_start3A_369 = arith.constant 0 : i32
      %dma_start3A_370 = tpu.memref_slice %arg3[%dma_start3A_369, %multiple_of3A_365] : memref<8x1000000xf32, #tpu.memory_space<hbm>> -> memref<8x128xf32, #tpu.memory_space<hbm>>
      %dma_start3A_371 = arith.constant 200 : i32
      %dma_start3A_372 = arith.constant 0 : i32
      %dma_start3A_373 = tpu.memref_slice %arg7[%dma_start3A_371, %dma_start3A_372] : memref<256x128xf32, #tpu.memory_space<vmem>> -> memref<8x128xf32, #tpu.memory_space<vmem>>
      %dma_start3A_374 = arith.constant 0 : i32
      %dma_start3A_375 = tpu.memref_slice %arg3[%dma_start3A_374, %multiple_of3A_365] : memref<8x1000000xf32, #tpu.memory_space<hbm>> -> memref<8x128xf32, #tpu.memory_space<hbm>>
      tpu.enqueue_dma source(%dma_start3A_375 : memref<8x128xf32, #tpu.memory_space<hbm>>) target(%dma_start3A_373 : memref<8x128xf32, #tpu.memory_space<vmem>>) target_semaphore(%arg11 : memref<!tpu.dma_semaphore, #tpu.memory_space<semaphore_mem>>)
      %slice3A_376 = vector.extract_strided_slice %shift_left3A_245 {offsets = [10], sizes = [1], strides = [1]} : vector<16xi32> to vector<1xi32>
      %squeeze3A_377 = vector.extract %slice3A_376[0] : i32 from vector<1xi32>
      %multiple_of3A_378 = tpu.assume_multiple %squeeze3A_377, 128 : i32
      %dma_start3A_379 = arith.constant 208 : i32
      %dma_start3A_380 = arith.constant 0 : i32
      %dma_start3A_381 = tpu.memref_slice %arg7[%dma_start3A_379, %dma_start3A_380] : memref<256x128xf32, #tpu.memory_space<vmem>> -> memref<8x128xf32, #tpu.memory_space<vmem>>
      %dma_start3A_382 = arith.constant 0 : i32
      %dma_start3A_383 = tpu.memref_slice %arg3[%dma_start3A_382, %multiple_of3A_378] : memref<8x1000000xf32, #tpu.memory_space<hbm>> -> memref<8x128xf32, #tpu.memory_space<hbm>>
      %dma_start3A_384 = arith.constant 208 : i32
      %dma_start3A_385 = arith.constant 0 : i32
      %dma_start3A_386 = tpu.memref_slice %arg7[%dma_start3A_384, %dma_start3A_385] : memref<256x128xf32, #tpu.memory_space<vmem>> -> memref<8x128xf32, #tpu.memory_space<vmem>>
      %dma_start3A_387 = arith.constant 0 : i32
      %dma_start3A_388 = tpu.memref_slice %arg3[%dma_start3A_387, %multiple_of3A_378] : memref<8x1000000xf32, #tpu.memory_space<hbm>> -> memref<8x128xf32, #tpu.memory_space<hbm>>
      tpu.enqueue_dma source(%dma_start3A_388 : memref<8x128xf32, #tpu.memory_space<hbm>>) target(%dma_start3A_386 : memref<8x128xf32, #tpu.memory_space<vmem>>) target_semaphore(%arg11 : memref<!tpu.dma_semaphore, #tpu.memory_space<semaphore_mem>>)
      %slice3A_389 = vector.extract_strided_slice %shift_left3A_245 {offsets = [11], sizes = [1], strides = [1]} : vector<16xi32> to vector<1xi32>
      %squeeze3A_390 = vector.extract %slice3A_389[0] : i32 from vector<1xi32>
      %multiple_of3A_391 = tpu.assume_multiple %squeeze3A_390, 128 : i32
      %dma_start3A_392 = arith.constant 216 : i32
      %dma_start3A_393 = arith.constant 0 : i32
      %dma_start3A_394 = tpu.memref_slice %arg7[%dma_start3A_392, %dma_start3A_393] : memref<256x128xf32, #tpu.memory_space<vmem>> -> memref<8x128xf32, #tpu.memory_space<vmem>>
      %dma_start3A_395 = arith.constant 0 : i32
      %dma_start3A_396 = tpu.memref_slice %arg3[%dma_start3A_395, %multiple_of3A_391] : memref<8x1000000xf32, #tpu.memory_space<hbm>> -> memref<8x128xf32, #tpu.memory_space<hbm>>
      %dma_start3A_397 = arith.constant 216 : i32
      %dma_start3A_398 = arith.constant 0 : i32
      %dma_start3A_399 = tpu.memref_slice %arg7[%dma_start3A_397, %dma_start3A_398] : memref<256x128xf32, #tpu.memory_space<vmem>> -> memref<8x128xf32, #tpu.memory_space<vmem>>
      %dma_start3A_400 = arith.constant 0 : i32
      %dma_start3A_401 = tpu.memref_slice %arg3[%dma_start3A_400, %multiple_of3A_391] : memref<8x1000000xf32, #tpu.memory_space<hbm>> -> memref<8x128xf32, #tpu.memory_space<hbm>>
      tpu.enqueue_dma source(%dma_start3A_401 : memref<8x128xf32, #tpu.memory_space<hbm>>) target(%dma_start3A_399 : memref<8x128xf32, #tpu.memory_space<vmem>>) target_semaphore(%arg11 : memref<!tpu.dma_semaphore, #tpu.memory_space<semaphore_mem>>)
      %slice3A_402 = vector.extract_strided_slice %shift_left3A_245 {offsets = [12], sizes = [1], strides = [1]} : vector<16xi32> to vector<1xi32>
      %squeeze3A_403 = vector.extract %slice3A_402[0] : i32 from vector<1xi32>
      %multiple_of3A_404 = tpu.assume_multiple %squeeze3A_403, 128 : i32
      %dma_start3A_405 = arith.constant 224 : i32
      %dma_start3A_406 = arith.constant 0 : i32
      %dma_start3A_407 = tpu.memref_slice %arg7[%dma_start3A_405, %dma_start3A_406] : memref<256x128xf32, #tpu.memory_space<vmem>> -> memref<8x128xf32, #tpu.memory_space<vmem>>
      %dma_start3A_408 = arith.constant 0 : i32
      %dma_start3A_409 = tpu.memref_slice %arg3[%dma_start3A_408, %multiple_of3A_404] : memref<8x1000000xf32, #tpu.memory_space<hbm>> -> memref<8x128xf32, #tpu.memory_space<hbm>>
      %dma_start3A_410 = arith.constant 224 : i32
      %dma_start3A_411 = arith.constant 0 : i32
      %dma_start3A_412 = tpu.memref_slice %arg7[%dma_start3A_410, %dma_start3A_411] : memref<256x128xf32, #tpu.memory_space<vmem>> -> memref<8x128xf32, #tpu.memory_space<vmem>>
      %dma_start3A_413 = arith.constant 0 : i32
      %dma_start3A_414 = tpu.memref_slice %arg3[%dma_start3A_413, %multiple_of3A_404] : memref<8x1000000xf32, #tpu.memory_space<hbm>> -> memref<8x128xf32, #tpu.memory_space<hbm>>
      tpu.enqueue_dma source(%dma_start3A_414 : memref<8x128xf32, #tpu.memory_space<hbm>>) target(%dma_start3A_412 : memref<8x128xf32, #tpu.memory_space<vmem>>) target_semaphore(%arg11 : memref<!tpu.dma_semaphore, #tpu.memory_space<semaphore_mem>>)
      %slice3A_415 = vector.extract_strided_slice %shift_left3A_245 {offsets = [13], sizes = [1], strides = [1]} : vector<16xi32> to vector<1xi32>
      %squeeze3A_416 = vector.extract %slice3A_415[0] : i32 from vector<1xi32>
      %multiple_of3A_417 = tpu.assume_multiple %squeeze3A_416, 128 : i32
      %dma_start3A_418 = arith.constant 232 : i32
      %dma_start3A_419 = arith.constant 0 : i32
      %dma_start3A_420 = tpu.memref_slice %arg7[%dma_start3A_418, %dma_start3A_419] : memref<256x128xf32, #tpu.memory_space<vmem>> -> memref<8x128xf32, #tpu.memory_space<vmem>>
      %dma_start3A_421 = arith.constant 0 : i32
      %dma_start3A_422 = tpu.memref_slice %arg3[%dma_start3A_421, %multiple_of3A_417] : memref<8x1000000xf32, #tpu.memory_space<hbm>> -> memref<8x128xf32, #tpu.memory_space<hbm>>
      %dma_start3A_423 = arith.constant 232 : i32
      %dma_start3A_424 = arith.constant 0 : i32
      %dma_start3A_425 = tpu.memref_slice %arg7[%dma_start3A_423, %dma_start3A_424] : memref<256x128xf32, #tpu.memory_space<vmem>> -> memref<8x128xf32, #tpu.memory_space<vmem>>
      %dma_start3A_426 = arith.constant 0 : i32
      %dma_start3A_427 = tpu.memref_slice %arg3[%dma_start3A_426, %multiple_of3A_417] : memref<8x1000000xf32, #tpu.memory_space<hbm>> -> memref<8x128xf32, #tpu.memory_space<hbm>>
      tpu.enqueue_dma source(%dma_start3A_427 : memref<8x128xf32, #tpu.memory_space<hbm>>) target(%dma_start3A_425 : memref<8x128xf32, #tpu.memory_space<vmem>>) target_semaphore(%arg11 : memref<!tpu.dma_semaphore, #tpu.memory_space<semaphore_mem>>)
      %slice3A_428 = vector.extract_strided_slice %shift_left3A_245 {offsets = [14], sizes = [1], strides = [1]} : vector<16xi32> to vector<1xi32>
      %squeeze3A_429 = vector.extract %slice3A_428[0] : i32 from vector<1xi32>
      %multiple_of3A_430 = tpu.assume_multiple %squeeze3A_429, 128 : i32
      %dma_start3A_431 = arith.constant 240 : i32
      %dma_start3A_432 = arith.constant 0 : i32
      %dma_start3A_433 = tpu.memref_slice %arg7[%dma_start3A_431, %dma_start3A_432] : memref<256x128xf32, #tpu.memory_space<vmem>> -> memref<8x128xf32, #tpu.memory_space<vmem>>
      %dma_start3A_434 = arith.constant 0 : i32
      %dma_start3A_435 = tpu.memref_slice %arg3[%dma_start3A_434, %multiple_of3A_430] : memref<8x1000000xf32, #tpu.memory_space<hbm>> -> memref<8x128xf32, #tpu.memory_space<hbm>>
      %dma_start3A_436 = arith.constant 240 : i32
      %dma_start3A_437 = arith.constant 0 : i32
      %dma_start3A_438 = tpu.memref_slice %arg7[%dma_start3A_436, %dma_start3A_437] : memref<256x128xf32, #tpu.memory_space<vmem>> -> memref<8x128xf32, #tpu.memory_space<vmem>>
      %dma_start3A_439 = arith.constant 0 : i32
      %dma_start3A_440 = tpu.memref_slice %arg3[%dma_start3A_439, %multiple_of3A_430] : memref<8x1000000xf32, #tpu.memory_space<hbm>> -> memref<8x128xf32, #tpu.memory_space<hbm>>
      tpu.enqueue_dma source(%dma_start3A_440 : memref<8x128xf32, #tpu.memory_space<hbm>>) target(%dma_start3A_438 : memref<8x128xf32, #tpu.memory_space<vmem>>) target_semaphore(%arg11 : memref<!tpu.dma_semaphore, #tpu.memory_space<semaphore_mem>>)
      %slice3A_441 = vector.extract_strided_slice %shift_left3A_245 {offsets = [15], sizes = [1], strides = [1]} : vector<16xi32> to vector<1xi32>
      %squeeze3A_442 = vector.extract %slice3A_441[0] : i32 from vector<1xi32>
      %multiple_of3A_443 = tpu.assume_multiple %squeeze3A_442, 128 : i32
      %dma_start3A_444 = arith.constant 248 : i32
      %dma_start3A_445 = arith.constant 0 : i32
      %dma_start3A_446 = tpu.memref_slice %arg7[%dma_start3A_444, %dma_start3A_445] : memref<256x128xf32, #tpu.memory_space<vmem>> -> memref<8x128xf32, #tpu.memory_space<vmem>>
      %dma_start3A_447 = arith.constant 0 : i32
      %dma_start3A_448 = tpu.memref_slice %arg3[%dma_start3A_447, %multiple_of3A_443] : memref<8x1000000xf32, #tpu.memory_space<hbm>> -> memref<8x128xf32, #tpu.memory_space<hbm>>
      %dma_start3A_449 = arith.constant 248 : i32
      %dma_start3A_450 = arith.constant 0 : i32
      %dma_start3A_451 = tpu.memref_slice %arg7[%dma_start3A_449, %dma_start3A_450] : memref<256x128xf32, #tpu.memory_space<vmem>> -> memref<8x128xf32, #tpu.memory_space<vmem>>
      %dma_start3A_452 = arith.constant 0 : i32
      %dma_start3A_453 = tpu.memref_slice %arg3[%dma_start3A_452, %multiple_of3A_443] : memref<8x1000000xf32, #tpu.memory_space<hbm>> -> memref<8x128xf32, #tpu.memory_space<hbm>>
      tpu.enqueue_dma source(%dma_start3A_453 : memref<8x128xf32, #tpu.memory_space<hbm>>) target(%dma_start3A_451 : memref<8x128xf32, #tpu.memory_space<vmem>>) target_semaphore(%arg11 : memref<!tpu.dma_semaphore, #tpu.memory_space<semaphore_mem>>)
      %mul3A_454 = arith.constant 32 : i32
      %mul3A_455 = arith.muli %add3A_17, %mul3A_454 : i32
      %add3A_456 = arith.constant 0 : i32
      %add3A_457 = arith.addi %mul3A_455, %add3A_456 : i32
      %get3A_458 = arith.constant 0 : i32
      %get3A_459 = arith.index_cast %get3A_458 : i32 to index
      %get3A_460 = arith.index_cast %add3A_457 : i32 to index
      %get3A_461 = tpu.vector_load %arg6[%get3A_459, %get3A_460] {strides = array<i32>} : memref<1x512xi32, #tpu.memory_space<vmem>>, vector<16xi32>,
      %shift_right_logical3A_462 = arith.constant 7 : i32
      %shift_right_logical3A_463 = vector.broadcast %shift_right_logical3A_462 : i32 to vector<16xi32>
      %shift_right_logical3A_464 = arith.shrui %get3A_461, %shift_right_logical3A_463 : vector<16xi32>
      %shift_left3A_465 = arith.constant 7 : i32
      %shift_left3A_466 = vector.broadcast %shift_left3A_465 : i32 to vector<16xi32>
      %shift_left3A_467 = arith.shli %shift_right_logical3A_464, %shift_left3A_466 : vector<16xi32>
      %slice3A_468 = vector.extract_strided_slice %shift_left3A_467 {offsets = [0], sizes = [1], strides = [1]} : vector<16xi32> to vector<1xi32>
      %squeeze3A_469 = vector.extract %slice3A_468[0] : i32 from vector<1xi32>
      %multiple_of3A_470 = tpu.assume_multiple %squeeze3A_469, 128 : i32
      %dma_start3A_471 = arith.constant 0 : i32
      %dma_start3A_472 = arith.constant 0 : i32
      %dma_start3A_473 = tpu.memref_slice %arg8[%dma_start3A_471, %dma_start3A_472] : memref<256x128xf32, #tpu.memory_space<vmem>> -> memref<8x128xf32, #tpu.memory_space<vmem>>
      %dma_start3A_474 = arith.constant 0 : i32
      %dma_start3A_475 = tpu.memref_slice %arg3[%dma_start3A_474, %multiple_of3A_470] : memref<8x1000000xf32, #tpu.memory_space<hbm>> -> memref<8x128xf32, #tpu.memory_space<hbm>>
      %dma_start3A_476 = arith.constant 0 : i32
      %dma_start3A_477 = arith.constant 0 : i32
      %dma_start3A_478 = tpu.memref_slice %arg8[%dma_start3A_476, %dma_start3A_477] : memref<256x128xf32, #tpu.memory_space<vmem>> -> memref<8x128xf32, #tpu.memory_space<vmem>>
      %dma_start3A_479 = arith.constant 0 : i32
      %dma_start3A_480 = tpu.memref_slice %arg3[%dma_start3A_479, %multiple_of3A_470] : memref<8x1000000xf32, #tpu.memory_space<hbm>> -> memref<8x128xf32, #tpu.memory_space<hbm>>
      tpu.enqueue_dma source(%dma_start3A_480 : memref<8x128xf32, #tpu.memory_space<hbm>>) target(%dma_start3A_478 : memref<8x128xf32, #tpu.memory_space<vmem>>) target_semaphore(%arg12 : memref<!tpu.dma_semaphore, #tpu.memory_space<semaphore_mem>>)
      %slice3A_481 = vector.extract_strided_slice %shift_left3A_467 {offsets = [1], sizes = [1], strides = [1]} : vector<16xi32> to vector<1xi32>
      %squeeze3A_482 = vector.extract %slice3A_481[0] : i32 from vector<1xi32>
      %multiple_of3A_483 = tpu.assume_multiple %squeeze3A_482, 128 : i32
      %dma_start3A_484 = arith.constant 8 : i32
      %dma_start3A_485 = arith.constant 0 : i32
      %dma_start3A_486 = tpu.memref_slice %arg8[%dma_start3A_484, %dma_start3A_485] : memref<256x128xf32, #tpu.memory_space<vmem>> -> memref<8x128xf32, #tpu.memory_space<vmem>>
      %dma_start3A_487 = arith.constant 0 : i32
      %dma_start3A_488 = tpu.memref_slice %arg3[%dma_start3A_487, %multiple_of3A_483] : memref<8x1000000xf32, #tpu.memory_space<hbm>> -> memref<8x128xf32, #tpu.memory_space<hbm>>
      %dma_start3A_489 = arith.constant 8 : i32
      %dma_start3A_490 = arith.constant 0 : i32
      %dma_start3A_491 = tpu.memref_slice %arg8[%dma_start3A_489, %dma_start3A_490] : memref<256x128xf32, #tpu.memory_space<vmem>> -> memref<8x128xf32, #tpu.memory_space<vmem>>
      %dma_start3A_492 = arith.constant 0 : i32
      %dma_start3A_493 = tpu.memref_slice %arg3[%dma_start3A_492, %multiple_of3A_483] : memref<8x1000000xf32, #tpu.memory_space<hbm>> -> memref<8x128xf32, #tpu.memory_space<hbm>>
      tpu.enqueue_dma source(%dma_start3A_493 : memref<8x128xf32, #tpu.memory_space<hbm>>) target(%dma_start3A_491 : memref<8x128xf32, #tpu.memory_space<vmem>>) target_semaphore(%arg12 : memref<!tpu.dma_semaphore, #tpu.memory_space<semaphore_mem>>)
      %slice3A_494 = vector.extract_strided_slice %shift_left3A_467 {offsets = [2], sizes = [1], strides = [1]} : vector<16xi32> to vector<1xi32>
      %squeeze3A_495 = vector.extract %slice3A_494[0] : i32 from vector<1xi32>
      %multiple_of3A_496 = tpu.assume_multiple %squeeze3A_495, 128 : i32
      %dma_start3A_497 = arith.constant 16 : i32
      %dma_start3A_498 = arith.constant 0 : i32
      %dma_start3A_499 = tpu.memref_slice %arg8[%dma_start3A_497, %dma_start3A_498] : memref<256x128xf32, #tpu.memory_space<vmem>> -> memref<8x128xf32, #tpu.memory_space<vmem>>
      %dma_start3A_500 = arith.constant 0 : i32
      %dma_start3A_501 = tpu.memref_slice %arg3[%dma_start3A_500, %multiple_of3A_496] : memref<8x1000000xf32, #tpu.memory_space<hbm>> -> memref<8x128xf32, #tpu.memory_space<hbm>>
      %dma_start3A_502 = arith.constant 16 : i32
      %dma_start3A_503 = arith.constant 0 : i32
      %dma_start3A_504 = tpu.memref_slice %arg8[%dma_start3A_502, %dma_start3A_503] : memref<256x128xf32, #tpu.memory_space<vmem>> -> memref<8x128xf32, #tpu.memory_space<vmem>>
      %dma_start3A_505 = arith.constant 0 : i32
      %dma_start3A_506 = tpu.memref_slice %arg3[%dma_start3A_505, %multiple_of3A_496] : memref<8x1000000xf32, #tpu.memory_space<hbm>> -> memref<8x128xf32, #tpu.memory_space<hbm>>
      tpu.enqueue_dma source(%dma_start3A_506 : memref<8x128xf32, #tpu.memory_space<hbm>>) target(%dma_start3A_504 : memref<8x128xf32, #tpu.memory_space<vmem>>) target_semaphore(%arg12 : memref<!tpu.dma_semaphore, #tpu.memory_space<semaphore_mem>>)
      %slice3A_507 = vector.extract_strided_slice %shift_left3A_467 {offsets = [3], sizes = [1], strides = [1]} : vector<16xi32> to vector<1xi32>
      %squeeze3A_508 = vector.extract %slice3A_507[0] : i32 from vector<1xi32>
      %multiple_of3A_509 = tpu.assume_multiple %squeeze3A_508, 128 : i32
      %dma_start3A_510 = arith.constant 24 : i32
      %dma_start3A_511 = arith.constant 0 : i32
      %dma_start3A_512 = tpu.memref_slice %arg8[%dma_start3A_510, %dma_start3A_511] : memref<256x128xf32, #tpu.memory_space<vmem>> -> memref<8x128xf32, #tpu.memory_space<vmem>>
      %dma_start3A_513 = arith.constant 0 : i32
      %dma_start3A_514 = tpu.memref_slice %arg3[%dma_start3A_513, %multiple_of3A_509] : memref<8x1000000xf32, #tpu.memory_space<hbm>> -> memref<8x128xf32, #tpu.memory_space<hbm>>
      %dma_start3A_515 = arith.constant 24 : i32
      %dma_start3A_516 = arith.constant 0 : i32
      %dma_start3A_517 = tpu.memref_slice %arg8[%dma_start3A_515, %dma_start3A_516] : memref<256x128xf32, #tpu.memory_space<vmem>> -> memref<8x128xf32, #tpu.memory_space<vmem>>
      %dma_start3A_518 = arith.constant 0 : i32
      %dma_start3A_519 = tpu.memref_slice %arg3[%dma_start3A_518, %multiple_of3A_509] : memref<8x1000000xf32, #tpu.memory_space<hbm>> -> memref<8x128xf32, #tpu.memory_space<hbm>>
      tpu.enqueue_dma source(%dma_start3A_519 : memref<8x128xf32, #tpu.memory_space<hbm>>) target(%dma_start3A_517 : memref<8x128xf32, #tpu.memory_space<vmem>>) target_semaphore(%arg12 : memref<!tpu.dma_semaphore, #tpu.memory_space<semaphore_mem>>)
      %slice3A_520 = vector.extract_strided_slice %shift_left3A_467 {offsets = [4], sizes = [1], strides = [1]} : vector<16xi32> to vector<1xi32>
      %squeeze3A_521 = vector.extract %slice3A_520[0] : i32 from vector<1xi32>
      %multiple_of3A_522 = tpu.assume_multiple %squeeze3A_521, 128 : i32
      %dma_start3A_523 = arith.constant 32 : i32
      %dma_start3A_524 = arith.constant 0 : i32
      %dma_start3A_525 = tpu.memref_slice %arg8[%dma_start3A_523, %dma_start3A_524] : memref<256x128xf32, #tpu.memory_space<vmem>> -> memref<8x128xf32, #tpu.memory_space<vmem>>
      %dma_start3A_526 = arith.constant 0 : i32
      %dma_start3A_527 = tpu.memref_slice %arg3[%dma_start3A_526, %multiple_of3A_522] : memref<8x1000000xf32, #tpu.memory_space<hbm>> -> memref<8x128xf32, #tpu.memory_space<hbm>>
      %dma_start3A_528 = arith.constant 32 : i32
      %dma_start3A_529 = arith.constant 0 : i32
      %dma_start3A_530 = tpu.memref_slice %arg8[%dma_start3A_528, %dma_start3A_529] : memref<256x128xf32, #tpu.memory_space<vmem>> -> memref<8x128xf32, #tpu.memory_space<vmem>>
      %dma_start3A_531 = arith.constant 0 : i32
      %dma_start3A_532 = tpu.memref_slice %arg3[%dma_start3A_531, %multiple_of3A_522] : memref<8x1000000xf32, #tpu.memory_space<hbm>> -> memref<8x128xf32, #tpu.memory_space<hbm>>
      tpu.enqueue_dma source(%dma_start3A_532 : memref<8x128xf32, #tpu.memory_space<hbm>>) target(%dma_start3A_530 : memref<8x128xf32, #tpu.memory_space<vmem>>) target_semaphore(%arg12 : memref<!tpu.dma_semaphore, #tpu.memory_space<semaphore_mem>>)
      %slice3A_533 = vector.extract_strided_slice %shift_left3A_467 {offsets = [5], sizes = [1], strides = [1]} : vector<16xi32> to vector<1xi32>
      %squeeze3A_534 = vector.extract %slice3A_533[0] : i32 from vector<1xi32>
      %multiple_of3A_535 = tpu.assume_multiple %squeeze3A_534, 128 : i32
      %dma_start3A_536 = arith.constant 40 : i32
      %dma_start3A_537 = arith.constant 0 : i32
      %dma_start3A_538 = tpu.memref_slice %arg8[%dma_start3A_536, %dma_start3A_537] : memref<256x128xf32, #tpu.memory_space<vmem>> -> memref<8x128xf32, #tpu.memory_space<vmem>>
      %dma_start3A_539 = arith.constant 0 : i32
      %dma_start3A_540 = tpu.memref_slice %arg3[%dma_start3A_539, %multiple_of3A_535] : memref<8x1000000xf32, #tpu.memory_space<hbm>> -> memref<8x128xf32, #tpu.memory_space<hbm>>
      %dma_start3A_541 = arith.constant 40 : i32
      %dma_start3A_542 = arith.constant 0 : i32
      %dma_start3A_543 = tpu.memref_slice %arg8[%dma_start3A_541, %dma_start3A_542] : memref<256x128xf32, #tpu.memory_space<vmem>> -> memref<8x128xf32, #tpu.memory_space<vmem>>
      %dma_start3A_544 = arith.constant 0 : i32
      %dma_start3A_545 = tpu.memref_slice %arg3[%dma_start3A_544, %multiple_of3A_535] : memref<8x1000000xf32, #tpu.memory_space<hbm>> -> memref<8x128xf32, #tpu.memory_space<hbm>>
      tpu.enqueue_dma source(%dma_start3A_545 : memref<8x128xf32, #tpu.memory_space<hbm>>) target(%dma_start3A_543 : memref<8x128xf32, #tpu.memory_space<vmem>>) target_semaphore(%arg12 : memref<!tpu.dma_semaphore, #tpu.memory_space<semaphore_mem>>)
      %slice3A_546 = vector.extract_strided_slice %shift_left3A_467 {offsets = [6], sizes = [1], strides = [1]} : vector<16xi32> to vector<1xi32>
      %squeeze3A_547 = vector.extract %slice3A_546[0] : i32 from vector<1xi32>
      %multiple_of3A_548 = tpu.assume_multiple %squeeze3A_547, 128 : i32
      %dma_start3A_549 = arith.constant 48 : i32
      %dma_start3A_550 = arith.constant 0 : i32
      %dma_start3A_551 = tpu.memref_slice %arg8[%dma_start3A_549, %dma_start3A_550] : memref<256x128xf32, #tpu.memory_space<vmem>> -> memref<8x128xf32, #tpu.memory_space<vmem>>
      %dma_start3A_552 = arith.constant 0 : i32
      %dma_start3A_553 = tpu.memref_slice %arg3[%dma_start3A_552, %multiple_of3A_548] : memref<8x1000000xf32, #tpu.memory_space<hbm>> -> memref<8x128xf32, #tpu.memory_space<hbm>>
      %dma_start3A_554 = arith.constant 48 : i32
      %dma_start3A_555 = arith.constant 0 : i32
      %dma_start3A_556 = tpu.memref_slice %arg8[%dma_start3A_554, %dma_start3A_555] : memref<256x128xf32, #tpu.memory_space<vmem>> -> memref<8x128xf32, #tpu.memory_space<vmem>>
      %dma_start3A_557 = arith.constant 0 : i32
      %dma_start3A_558 = tpu.memref_slice %arg3[%dma_start3A_557, %multiple_of3A_548] : memref<8x1000000xf32, #tpu.memory_space<hbm>> -> memref<8x128xf32, #tpu.memory_space<hbm>>
      tpu.enqueue_dma source(%dma_start3A_558 : memref<8x128xf32, #tpu.memory_space<hbm>>) target(%dma_start3A_556 : memref<8x128xf32, #tpu.memory_space<vmem>>) target_semaphore(%arg12 : memref<!tpu.dma_semaphore, #tpu.memory_space<semaphore_mem>>)
      %slice3A_559 = vector.extract_strided_slice %shift_left3A_467 {offsets = [7], sizes = [1], strides = [1]} : vector<16xi32> to vector<1xi32>
      %squeeze3A_560 = vector.extract %slice3A_559[0] : i32 from vector<1xi32>
      %multiple_of3A_561 = tpu.assume_multiple %squeeze3A_560, 128 : i32
      %dma_start3A_562 = arith.constant 56 : i32
      %dma_start3A_563 = arith.constant 0 : i32
      %dma_start3A_564 = tpu.memref_slice %arg8[%dma_start3A_562, %dma_start3A_563] : memref<256x128xf32, #tpu.memory_space<vmem>> -> memref<8x128xf32, #tpu.memory_space<vmem>>
      %dma_start3A_565 = arith.constant 0 : i32
      %dma_start3A_566 = tpu.memref_slice %arg3[%dma_start3A_565, %multiple_of3A_561] : memref<8x1000000xf32, #tpu.memory_space<hbm>> -> memref<8x128xf32, #tpu.memory_space<hbm>>
      %dma_start3A_567 = arith.constant 56 : i32
      %dma_start3A_568 = arith.constant 0 : i32
      %dma_start3A_569 = tpu.memref_slice %arg8[%dma_start3A_567, %dma_start3A_568] : memref<256x128xf32, #tpu.memory_space<vmem>> -> memref<8x128xf32, #tpu.memory_space<vmem>>
      %dma_start3A_570 = arith.constant 0 : i32
      %dma_start3A_571 = tpu.memref_slice %arg3[%dma_start3A_570, %multiple_of3A_561] : memref<8x1000000xf32, #tpu.memory_space<hbm>> -> memref<8x128xf32, #tpu.memory_space<hbm>>
      tpu.enqueue_dma source(%dma_start3A_571 : memref<8x128xf32, #tpu.memory_space<hbm>>) target(%dma_start3A_569 : memref<8x128xf32, #tpu.memory_space<vmem>>) target_semaphore(%arg12 : memref<!tpu.dma_semaphore, #tpu.memory_space<semaphore_mem>>)
      %slice3A_572 = vector.extract_strided_slice %shift_left3A_467 {offsets = [8], sizes = [1], strides = [1]} : vector<16xi32> to vector<1xi32>
      %squeeze3A_573 = vector.extract %slice3A_572[0] : i32 from vector<1xi32>
      %multiple_of3A_574 = tpu.assume_multiple %squeeze3A_573, 128 : i32
      %dma_start3A_575 = arith.constant 64 : i32
      %dma_start3A_576 = arith.constant 0 : i32
      %dma_start3A_577 = tpu.memref_slice %arg8[%dma_start3A_575, %dma_start3A_576] : memref<256x128xf32, #tpu.memory_space<vmem>> -> memref<8x128xf32, #tpu.memory_space<vmem>>
      %dma_start3A_578 = arith.constant 0 : i32
      %dma_start3A_579 = tpu.memref_slice %arg3[%dma_start3A_578, %multiple_of3A_574] : memref<8x1000000xf32, #tpu.memory_space<hbm>> -> memref<8x128xf32, #tpu.memory_space<hbm>>
      %dma_start3A_580 = arith.constant 64 : i32
      %dma_start3A_581 = arith.constant 0 : i32
      %dma_start3A_582 = tpu.memref_slice %arg8[%dma_start3A_580, %dma_start3A_581] : memref<256x128xf32, #tpu.memory_space<vmem>> -> memref<8x128xf32, #tpu.memory_space<vmem>>
      %dma_start3A_583 = arith.constant 0 : i32
      %dma_start3A_584 = tpu.memref_slice %arg3[%dma_start3A_583, %multiple_of3A_574] : memref<8x1000000xf32, #tpu.memory_space<hbm>> -> memref<8x128xf32, #tpu.memory_space<hbm>>
      tpu.enqueue_dma source(%dma_start3A_584 : memref<8x128xf32, #tpu.memory_space<hbm>>) target(%dma_start3A_582 : memref<8x128xf32, #tpu.memory_space<vmem>>) target_semaphore(%arg12 : memref<!tpu.dma_semaphore, #tpu.memory_space<semaphore_mem>>)
      %slice3A_585 = vector.extract_strided_slice %shift_left3A_467 {offsets = [9], sizes = [1], strides = [1]} : vector<16xi32> to vector<1xi32>
      %squeeze3A_586 = vector.extract %slice3A_585[0] : i32 from vector<1xi32>
      %multiple_of3A_587 = tpu.assume_multiple %squeeze3A_586, 128 : i32
      %dma_start3A_588 = arith.constant 72 : i32
      %dma_start3A_589 = arith.constant 0 : i32
      %dma_start3A_590 = tpu.memref_slice %arg8[%dma_start3A_588, %dma_start3A_589] : memref<256x128xf32, #tpu.memory_space<vmem>> -> memref<8x128xf32, #tpu.memory_space<vmem>>
      %dma_start3A_591 = arith.constant 0 : i32
      %dma_start3A_592 = tpu.memref_slice %arg3[%dma_start3A_591, %multiple_of3A_587] : memref<8x1000000xf32, #tpu.memory_space<hbm>> -> memref<8x128xf32, #tpu.memory_space<hbm>>
      %dma_start3A_593 = arith.constant 72 : i32
      %dma_start3A_594 = arith.constant 0 : i32
      %dma_start3A_595 = tpu.memref_slice %arg8[%dma_start3A_593, %dma_start3A_594] : memref<256x128xf32, #tpu.memory_space<vmem>> -> memref<8x128xf32, #tpu.memory_space<vmem>>
      %dma_start3A_596 = arith.constant 0 : i32
      %dma_start3A_597 = tpu.memref_slice %arg3[%dma_start3A_596, %multiple_of3A_587] : memref<8x1000000xf32, #tpu.memory_space<hbm>> -> memref<8x128xf32, #tpu.memory_space<hbm>>
      tpu.enqueue_dma source(%dma_start3A_597 : memref<8x128xf32, #tpu.memory_space<hbm>>) target(%dma_start3A_595 : memref<8x128xf32, #tpu.memory_space<vmem>>) target_semaphore(%arg12 : memref<!tpu.dma_semaphore, #tpu.memory_space<semaphore_mem>>)
      %slice3A_598 = vector.extract_strided_slice %shift_left3A_467 {offsets = [10], sizes = [1], strides = [1]} : vector<16xi32> to vector<1xi32>
      %squeeze3A_599 = vector.extract %slice3A_598[0] : i32 from vector<1xi32>
      %multiple_of3A_600 = tpu.assume_multiple %squeeze3A_599, 128 : i32
      %dma_start3A_601 = arith.constant 80 : i32
      %dma_start3A_602 = arith.constant 0 : i32
      %dma_start3A_603 = tpu.memref_slice %arg8[%dma_start3A_601, %dma_start3A_602] : memref<256x128xf32, #tpu.memory_space<vmem>> -> memref<8x128xf32, #tpu.memory_space<vmem>>
      %dma_start3A_604 = arith.constant 0 : i32
      %dma_start3A_605 = tpu.memref_slice %arg3[%dma_start3A_604, %multiple_of3A_600] : memref<8x1000000xf32, #tpu.memory_space<hbm>> -> memref<8x128xf32, #tpu.memory_space<hbm>>
      %dma_start3A_606 = arith.constant 80 : i32
      %dma_start3A_607 = arith.constant 0 : i32
      %dma_start3A_608 = tpu.memref_slice %arg8[%dma_start3A_606, %dma_start3A_607] : memref<256x128xf32, #tpu.memory_space<vmem>> -> memref<8x128xf32, #tpu.memory_space<vmem>>
      %dma_start3A_609 = arith.constant 0 : i32
      %dma_start3A_610 = tpu.memref_slice %arg3[%dma_start3A_609, %multiple_of3A_600] : memref<8x1000000xf32, #tpu.memory_space<hbm>> -> memref<8x128xf32, #tpu.memory_space<hbm>>
      tpu.enqueue_dma source(%dma_start3A_610 : memref<8x128xf32, #tpu.memory_space<hbm>>) target(%dma_start3A_608 : memref<8x128xf32, #tpu.memory_space<vmem>>) target_semaphore(%arg12 : memref<!tpu.dma_semaphore, #tpu.memory_space<semaphore_mem>>)
      %slice3A_611 = vector.extract_strided_slice %shift_left3A_467 {offsets = [11], sizes = [1], strides = [1]} : vector<16xi32> to vector<1xi32>
      %squeeze3A_612 = vector.extract %slice3A_611[0] : i32 from vector<1xi32>
      %multiple_of3A_613 = tpu.assume_multiple %squeeze3A_612, 128 : i32
      %dma_start3A_614 = arith.constant 88 : i32
      %dma_start3A_615 = arith.constant 0 : i32
      %dma_start3A_616 = tpu.memref_slice %arg8[%dma_start3A_614, %dma_start3A_615] : memref<256x128xf32, #tpu.memory_space<vmem>> -> memref<8x128xf32, #tpu.memory_space<vmem>>
      %dma_start3A_617 = arith.constant 0 : i32
      %dma_start3A_618 = tpu.memref_slice %arg3[%dma_start3A_617, %multiple_of3A_613] : memref<8x1000000xf32, #tpu.memory_space<hbm>> -> memref<8x128xf32, #tpu.memory_space<hbm>>
      %dma_start3A_619 = arith.constant 88 : i32
      %dma_start3A_620 = arith.constant 0 : i32
      %dma_start3A_621 = tpu.memref_slice %arg8[%dma_start3A_619, %dma_start3A_620] : memref<256x128xf32, #tpu.memory_space<vmem>> -> memref<8x128xf32, #tpu.memory_space<vmem>>
      %dma_start3A_622 = arith.constant 0 : i32
      %dma_start3A_623 = tpu.memref_slice %arg3[%dma_start3A_622, %multiple_of3A_613] : memref<8x1000000xf32, #tpu.memory_space<hbm>> -> memref<8x128xf32, #tpu.memory_space<hbm>>
      tpu.enqueue_dma source(%dma_start3A_623 : memref<8x128xf32, #tpu.memory_space<hbm>>) target(%dma_start3A_621 : memref<8x128xf32, #tpu.memory_space<vmem>>) target_semaphore(%arg12 : memref<!tpu.dma_semaphore, #tpu.memory_space<semaphore_mem>>)
      %slice3A_624 = vector.extract_strided_slice %shift_left3A_467 {offsets = [12], sizes = [1], strides = [1]} : vector<16xi32> to vector<1xi32>
      %squeeze3A_625 = vector.extract %slice3A_624[0] : i32 from vector<1xi32>
      %multiple_of3A_626 = tpu.assume_multiple %squeeze3A_625, 128 : i32
      %dma_start3A_627 = arith.constant 96 : i32
      %dma_start3A_628 = arith.constant 0 : i32
      %dma_start3A_629 = tpu.memref_slice %arg8[%dma_start3A_627, %dma_start3A_628] : memref<256x128xf32, #tpu.memory_space<vmem>> -> memref<8x128xf32, #tpu.memory_space<vmem>>
      %dma_start3A_630 = arith.constant 0 : i32
      %dma_start3A_631 = tpu.memref_slice %arg3[%dma_start3A_630, %multiple_of3A_626] : memref<8x1000000xf32, #tpu.memory_space<hbm>> -> memref<8x128xf32, #tpu.memory_space<hbm>>
      %dma_start3A_632 = arith.constant 96 : i32
      %dma_start3A_633 = arith.constant 0 : i32
      %dma_start3A_634 = tpu.memref_slice %arg8[%dma_start3A_632, %dma_start3A_633] : memref<256x128xf32, #tpu.memory_space<vmem>> -> memref<8x128xf32, #tpu.memory_space<vmem>>
      %dma_start3A_635 = arith.constant 0 : i32
      %dma_start3A_636 = tpu.memref_slice %arg3[%dma_start3A_635, %multiple_of3A_626] : memref<8x1000000xf32, #tpu.memory_space<hbm>> -> memref<8x128xf32, #tpu.memory_space<hbm>>
      tpu.enqueue_dma source(%dma_start3A_636 : memref<8x128xf32, #tpu.memory_space<hbm>>) target(%dma_start3A_634 : memref<8x128xf32, #tpu.memory_space<vmem>>) target_semaphore(%arg12 : memref<!tpu.dma_semaphore, #tpu.memory_space<semaphore_mem>>)
      %slice3A_637 = vector.extract_strided_slice %shift_left3A_467 {offsets = [13], sizes = [1], strides = [1]} : vector<16xi32> to vector<1xi32>
      %squeeze3A_638 = vector.extract %slice3A_637[0] : i32 from vector<1xi32>
      %multiple_of3A_639 = tpu.assume_multiple %squeeze3A_638, 128 : i32
      %dma_start3A_640 = arith.constant 104 : i32
      %dma_start3A_641 = arith.constant 0 : i32
      %dma_start3A_642 = tpu.memref_slice %arg8[%dma_start3A_640, %dma_start3A_641] : memref<256x128xf32, #tpu.memory_space<vmem>> -> memref<8x128xf32, #tpu.memory_space<vmem>>
      %dma_start3A_643 = arith.constant 0 : i32
      %dma_start3A_644 = tpu.memref_slice %arg3[%dma_start3A_643, %multiple_of3A_639] : memref<8x1000000xf32, #tpu.memory_space<hbm>> -> memref<8x128xf32, #tpu.memory_space<hbm>>
      %dma_start3A_645 = arith.constant 104 : i32
      %dma_start3A_646 = arith.constant 0 : i32
      %dma_start3A_647 = tpu.memref_slice %arg8[%dma_start3A_645, %dma_start3A_646] : memref<256x128xf32, #tpu.memory_space<vmem>> -> memref<8x128xf32, #tpu.memory_space<vmem>>
      %dma_start3A_648 = arith.constant 0 : i32
      %dma_start3A_649 = tpu.memref_slice %arg3[%dma_start3A_648, %multiple_of3A_639] : memref<8x1000000xf32, #tpu.memory_space<hbm>> -> memref<8x128xf32, #tpu.memory_space<hbm>>
      tpu.enqueue_dma source(%dma_start3A_649 : memref<8x128xf32, #tpu.memory_space<hbm>>) target(%dma_start3A_647 : memref<8x128xf32, #tpu.memory_space<vmem>>) target_semaphore(%arg12 : memref<!tpu.dma_semaphore, #tpu.memory_space<semaphore_mem>>)
      %slice3A_650 = vector.extract_strided_slice %shift_left3A_467 {offsets = [14], sizes = [1], strides = [1]} : vector<16xi32> to vector<1xi32>
      %squeeze3A_651 = vector.extract %slice3A_650[0] : i32 from vector<1xi32>
      %multiple_of3A_652 = tpu.assume_multiple %squeeze3A_651, 128 : i32
      %dma_start3A_653 = arith.constant 112 : i32
      %dma_start3A_654 = arith.constant 0 : i32
      %dma_start3A_655 = tpu.memref_slice %arg8[%dma_start3A_653, %dma_start3A_654] : memref<256x128xf32, #tpu.memory_space<vmem>> -> memref<8x128xf32, #tpu.memory_space<vmem>>
      %dma_start3A_656 = arith.constant 0 : i32
      %dma_start3A_657 = tpu.memref_slice %arg3[%dma_start3A_656, %multiple_of3A_652] : memref<8x1000000xf32, #tpu.memory_space<hbm>> -> memref<8x128xf32, #tpu.memory_space<hbm>>
      %dma_start3A_658 = arith.constant 112 : i32
      %dma_start3A_659 = arith.constant 0 : i32
      %dma_start3A_660 = tpu.memref_slice %arg8[%dma_start3A_658, %dma_start3A_659] : memref<256x128xf32, #tpu.memory_space<vmem>> -> memref<8x128xf32, #tpu.memory_space<vmem>>
      %dma_start3A_661 = arith.constant 0 : i32
      %dma_start3A_662 = tpu.memref_slice %arg3[%dma_start3A_661, %multiple_of3A_652] : memref<8x1000000xf32, #tpu.memory_space<hbm>> -> memref<8x128xf32, #tpu.memory_space<hbm>>
      tpu.enqueue_dma source(%dma_start3A_662 : memref<8x128xf32, #tpu.memory_space<hbm>>) target(%dma_start3A_660 : memref<8x128xf32, #tpu.memory_space<vmem>>) target_semaphore(%arg12 : memref<!tpu.dma_semaphore, #tpu.memory_space<semaphore_mem>>)
      %slice3A_663 = vector.extract_strided_slice %shift_left3A_467 {offsets = [15], sizes = [1], strides = [1]} : vector<16xi32> to vector<1xi32>
      %squeeze3A_664 = vector.extract %slice3A_663[0] : i32 from vector<1xi32>
      %multiple_of3A_665 = tpu.assume_multiple %squeeze3A_664, 128 : i32
      %dma_start3A_666 = arith.constant 120 : i32
      %dma_start3A_667 = arith.constant 0 : i32
      %dma_start3A_668 = tpu.memref_slice %arg8[%dma_start3A_666, %dma_start3A_667] : memref<256x128xf32, #tpu.memory_space<vmem>> -> memref<8x128xf32, #tpu.memory_space<vmem>>
      %dma_start3A_669 = arith.constant 0 : i32
      %dma_start3A_670 = tpu.memref_slice %arg3[%dma_start3A_669, %multiple_of3A_665] : memref<8x1000000xf32, #tpu.memory_space<hbm>> -> memref<8x128xf32, #tpu.memory_space<hbm>>
      %dma_start3A_671 = arith.constant 120 : i32
      %dma_start3A_672 = arith.constant 0 : i32
      %dma_start3A_673 = tpu.memref_slice %arg8[%dma_start3A_671, %dma_start3A_672] : memref<256x128xf32, #tpu.memory_space<vmem>> -> memref<8x128xf32, #tpu.memory_space<vmem>>
      %dma_start3A_674 = arith.constant 0 : i32
      %dma_start3A_675 = tpu.memref_slice %arg3[%dma_start3A_674, %multiple_of3A_665] : memref<8x1000000xf32, #tpu.memory_space<hbm>> -> memref<8x128xf32, #tpu.memory_space<hbm>>
      tpu.enqueue_dma source(%dma_start3A_675 : memref<8x128xf32, #tpu.memory_space<hbm>>) target(%dma_start3A_673 : memref<8x128xf32, #tpu.memory_space<vmem>>) target_semaphore(%arg12 : memref<!tpu.dma_semaphore, #tpu.memory_space<semaphore_mem>>)
      %add3A_676 = arith.constant 16 : i32
      %add3A_677 = arith.addi %mul3A_455, %add3A_676 : i32
      %get3A_678 = arith.constant 0 : i32
      %get3A_679 = arith.index_cast %get3A_678 : i32 to index
      %get3A_680 = arith.index_cast %add3A_677 : i32 to index
      %get3A_681 = tpu.vector_load %arg6[%get3A_679, %get3A_680] {strides = array<i32>} : memref<1x512xi32, #tpu.memory_space<vmem>>, vector<16xi32>,
      %shift_right_logical3A_682 = arith.constant 7 : i32
      %shift_right_logical3A_683 = vector.broadcast %shift_right_logical3A_682 : i32 to vector<16xi32>
      %shift_right_logical3A_684 = arith.shrui %get3A_681, %shift_right_logical3A_683 : vector<16xi32>
      %shift_left3A_685 = arith.constant 7 : i32
      %shift_left3A_686 = vector.broadcast %shift_left3A_685 : i32 to vector<16xi32>
      %shift_left3A_687 = arith.shli %shift_right_logical3A_684, %shift_left3A_686 : vector<16xi32>
      %slice3A_688 = vector.extract_strided_slice %shift_left3A_687 {offsets = [0], sizes = [1], strides = [1]} : vector<16xi32> to vector<1xi32>
      %squeeze3A_689 = vector.extract %slice3A_688[0] : i32 from vector<1xi32>
      %multiple_of3A_690 = tpu.assume_multiple %squeeze3A_689, 128 : i32
      %dma_start3A_691 = arith.constant 128 : i32
      %dma_start3A_692 = arith.constant 0 : i32
      %dma_start3A_693 = tpu.memref_slice %arg8[%dma_start3A_691, %dma_start3A_692] : memref<256x128xf32, #tpu.memory_space<vmem>> -> memref<8x128xf32, #tpu.memory_space<vmem>>
      %dma_start3A_694 = arith.constant 0 : i32
      %dma_start3A_695 = tpu.memref_slice %arg3[%dma_start3A_694, %multiple_of3A_690] : memref<8x1000000xf32, #tpu.memory_space<hbm>> -> memref<8x128xf32, #tpu.memory_space<hbm>>
      %dma_start3A_696 = arith.constant 128 : i32
      %dma_start3A_697 = arith.constant 0 : i32
      %dma_start3A_698 = tpu.memref_slice %arg8[%dma_start3A_696, %dma_start3A_697] : memref<256x128xf32, #tpu.memory_space<vmem>> -> memref<8x128xf32, #tpu.memory_space<vmem>>
      %dma_start3A_699 = arith.constant 0 : i32
      %dma_start3A_700 = tpu.memref_slice %arg3[%dma_start3A_699, %multiple_of3A_690] : memref<8x1000000xf32, #tpu.memory_space<hbm>> -> memref<8x128xf32, #tpu.memory_space<hbm>>
      tpu.enqueue_dma source(%dma_start3A_700 : memref<8x128xf32, #tpu.memory_space<hbm>>) target(%dma_start3A_698 : memref<8x128xf32, #tpu.memory_space<vmem>>) target_semaphore(%arg12 : memref<!tpu.dma_semaphore, #tpu.memory_space<semaphore_mem>>)
      %slice3A_701 = vector.extract_strided_slice %shift_left3A_687 {offsets = [1], sizes = [1], strides = [1]} : vector<16xi32> to vector<1xi32>
      %squeeze3A_702 = vector.extract %slice3A_701[0] : i32 from vector<1xi32>
      %multiple_of3A_703 = tpu.assume_multiple %squeeze3A_702, 128 : i32
      %dma_start3A_704 = arith.constant 136 : i32
      %dma_start3A_705 = arith.constant 0 : i32
      %dma_start3A_706 = tpu.memref_slice %arg8[%dma_start3A_704, %dma_start3A_705] : memref<256x128xf32, #tpu.memory_space<vmem>> -> memref<8x128xf32, #tpu.memory_space<vmem>>
      %dma_start3A_707 = arith.constant 0 : i32
      %dma_start3A_708 = tpu.memref_slice %arg3[%dma_start3A_707, %multiple_of3A_703] : memref<8x1000000xf32, #tpu.memory_space<hbm>> -> memref<8x128xf32, #tpu.memory_space<hbm>>
      %dma_start3A_709 = arith.constant 136 : i32
      %dma_start3A_710 = arith.constant 0 : i32
      %dma_start3A_711 = tpu.memref_slice %arg8[%dma_start3A_709, %dma_start3A_710] : memref<256x128xf32, #tpu.memory_space<vmem>> -> memref<8x128xf32, #tpu.memory_space<vmem>>
      %dma_start3A_712 = arith.constant 0 : i32
      %dma_start3A_713 = tpu.memref_slice %arg3[%dma_start3A_712, %multiple_of3A_703] : memref<8x1000000xf32, #tpu.memory_space<hbm>> -> memref<8x128xf32, #tpu.memory_space<hbm>>
      tpu.enqueue_dma source(%dma_start3A_713 : memref<8x128xf32, #tpu.memory_space<hbm>>) target(%dma_start3A_711 : memref<8x128xf32, #tpu.memory_space<vmem>>) target_semaphore(%arg12 : memref<!tpu.dma_semaphore, #tpu.memory_space<semaphore_mem>>)
      %slice3A_714 = vector.extract_strided_slice %shift_left3A_687 {offsets = [2], sizes = [1], strides = [1]} : vector<16xi32> to vector<1xi32>
      %squeeze3A_715 = vector.extract %slice3A_714[0] : i32 from vector<1xi32>
      %multiple_of3A_716 = tpu.assume_multiple %squeeze3A_715, 128 : i32
      %dma_start3A_717 = arith.constant 144 : i32
      %dma_start3A_718 = arith.constant 0 : i32
      %dma_start3A_719 = tpu.memref_slice %arg8[%dma_start3A_717, %dma_start3A_718] : memref<256x128xf32, #tpu.memory_space<vmem>> -> memref<8x128xf32, #tpu.memory_space<vmem>>
      %dma_start3A_720 = arith.constant 0 : i32
      %dma_start3A_721 = tpu.memref_slice %arg3[%dma_start3A_720, %multiple_of3A_716] : memref<8x1000000xf32, #tpu.memory_space<hbm>> -> memref<8x128xf32, #tpu.memory_space<hbm>>
      %dma_start3A_722 = arith.constant 144 : i32
      %dma_start3A_723 = arith.constant 0 : i32
      %dma_start3A_724 = tpu.memref_slice %arg8[%dma_start3A_722, %dma_start3A_723] : memref<256x128xf32, #tpu.memory_space<vmem>> -> memref<8x128xf32, #tpu.memory_space<vmem>>
      %dma_start3A_725 = arith.constant 0 : i32
      %dma_start3A_726 = tpu.memref_slice %arg3[%dma_start3A_725, %multiple_of3A_716] : memref<8x1000000xf32, #tpu.memory_space<hbm>> -> memref<8x128xf32, #tpu.memory_space<hbm>>
      tpu.enqueue_dma source(%dma_start3A_726 : memref<8x128xf32, #tpu.memory_space<hbm>>) target(%dma_start3A_724 : memref<8x128xf32, #tpu.memory_space<vmem>>) target_semaphore(%arg12 : memref<!tpu.dma_semaphore, #tpu.memory_space<semaphore_mem>>)
      %slice3A_727 = vector.extract_strided_slice %shift_left3A_687 {offsets = [3], sizes = [1], strides = [1]} : vector<16xi32> to vector<1xi32>
      %squeeze3A_728 = vector.extract %slice3A_727[0] : i32 from vector<1xi32>
      %multiple_of3A_729 = tpu.assume_multiple %squeeze3A_728, 128 : i32
      %dma_start3A_730 = arith.constant 152 : i32
      %dma_start3A_731 = arith.constant 0 : i32
      %dma_start3A_732 = tpu.memref_slice %arg8[%dma_start3A_730, %dma_start3A_731] : memref<256x128xf32, #tpu.memory_space<vmem>> -> memref<8x128xf32, #tpu.memory_space<vmem>>
      %dma_start3A_733 = arith.constant 0 : i32
      %dma_start3A_734 = tpu.memref_slice %arg3[%dma_start3A_733, %multiple_of3A_729] : memref<8x1000000xf32, #tpu.memory_space<hbm>> -> memref<8x128xf32, #tpu.memory_space<hbm>>
      %dma_start3A_735 = arith.constant 152 : i32
      %dma_start3A_736 = arith.constant 0 : i32
      %dma_start3A_737 = tpu.memref_slice %arg8[%dma_start3A_735, %dma_start3A_736] : memref<256x128xf32, #tpu.memory_space<vmem>> -> memref<8x128xf32, #tpu.memory_space<vmem>>
      %dma_start3A_738 = arith.constant 0 : i32
      %dma_start3A_739 = tpu.memref_slice %arg3[%dma_start3A_738, %multiple_of3A_729] : memref<8x1000000xf32, #tpu.memory_space<hbm>> -> memref<8x128xf32, #tpu.memory_space<hbm>>
      tpu.enqueue_dma source(%dma_start3A_739 : memref<8x128xf32, #tpu.memory_space<hbm>>) target(%dma_start3A_737 : memref<8x128xf32, #tpu.memory_space<vmem>>) target_semaphore(%arg12 : memref<!tpu.dma_semaphore, #tpu.memory_space<semaphore_mem>>)
      %slice3A_740 = vector.extract_strided_slice %shift_left3A_687 {offsets = [4], sizes = [1], strides = [1]} : vector<16xi32> to vector<1xi32>
      %squeeze3A_741 = vector.extract %slice3A_740[0] : i32 from vector<1xi32>
      %multiple_of3A_742 = tpu.assume_multiple %squeeze3A_741, 128 : i32
      %dma_start3A_743 = arith.constant 160 : i32
      %dma_start3A_744 = arith.constant 0 : i32
      %dma_start3A_745 = tpu.memref_slice %arg8[%dma_start3A_743, %dma_start3A_744] : memref<256x128xf32, #tpu.memory_space<vmem>> -> memref<8x128xf32, #tpu.memory_space<vmem>>
      %dma_start3A_746 = arith.constant 0 : i32
      %dma_start3A_747 = tpu.memref_slice %arg3[%dma_start3A_746, %multiple_of3A_742] : memref<8x1000000xf32, #tpu.memory_space<hbm>> -> memref<8x128xf32, #tpu.memory_space<hbm>>
      %dma_start3A_748 = arith.constant 160 : i32
      %dma_start3A_749 = arith.constant 0 : i32
      %dma_start3A_750 = tpu.memref_slice %arg8[%dma_start3A_748, %dma_start3A_749] : memref<256x128xf32, #tpu.memory_space<vmem>> -> memref<8x128xf32, #tpu.memory_space<vmem>>
      %dma_start3A_751 = arith.constant 0 : i32
      %dma_start3A_752 = tpu.memref_slice %arg3[%dma_start3A_751, %multiple_of3A_742] : memref<8x1000000xf32, #tpu.memory_space<hbm>> -> memref<8x128xf32, #tpu.memory_space<hbm>>
      tpu.enqueue_dma source(%dma_start3A_752 : memref<8x128xf32, #tpu.memory_space<hbm>>) target(%dma_start3A_750 : memref<8x128xf32, #tpu.memory_space<vmem>>) target_semaphore(%arg12 : memref<!tpu.dma_semaphore, #tpu.memory_space<semaphore_mem>>)
      %slice3A_753 = vector.extract_strided_slice %shift_left3A_687 {offsets = [5], sizes = [1], strides = [1]} : vector<16xi32> to vector<1xi32>
      %squeeze3A_754 = vector.extract %slice3A_753[0] : i32 from vector<1xi32>
      %multiple_of3A_755 = tpu.assume_multiple %squeeze3A_754, 128 : i32
      %dma_start3A_756 = arith.constant 168 : i32
      %dma_start3A_757 = arith.constant 0 : i32
      %dma_start3A_758 = tpu.memref_slice %arg8[%dma_start3A_756, %dma_start3A_757] : memref<256x128xf32, #tpu.memory_space<vmem>> -> memref<8x128xf32, #tpu.memory_space<vmem>>
      %dma_start3A_759 = arith.constant 0 : i32
      %dma_start3A_760 = tpu.memref_slice %arg3[%dma_start3A_759, %multiple_of3A_755] : memref<8x1000000xf32, #tpu.memory_space<hbm>> -> memref<8x128xf32, #tpu.memory_space<hbm>>
      %dma_start3A_761 = arith.constant 168 : i32
      %dma_start3A_762 = arith.constant 0 : i32
      %dma_start3A_763 = tpu.memref_slice %arg8[%dma_start3A_761, %dma_start3A_762] : memref<256x128xf32, #tpu.memory_space<vmem>> -> memref<8x128xf32, #tpu.memory_space<vmem>>
      %dma_start3A_764 = arith.constant 0 : i32
      %dma_start3A_765 = tpu.memref_slice %arg3[%dma_start3A_764, %multiple_of3A_755] : memref<8x1000000xf32, #tpu.memory_space<hbm>> -> memref<8x128xf32, #tpu.memory_space<hbm>>
      tpu.enqueue_dma source(%dma_start3A_765 : memref<8x128xf32, #tpu.memory_space<hbm>>) target(%dma_start3A_763 : memref<8x128xf32, #tpu.memory_space<vmem>>) target_semaphore(%arg12 : memref<!tpu.dma_semaphore, #tpu.memory_space<semaphore_mem>>)
      %slice3A_766 = vector.extract_strided_slice %shift_left3A_687 {offsets = [6], sizes = [1], strides = [1]} : vector<16xi32> to vector<1xi32>
      %squeeze3A_767 = vector.extract %slice3A_766[0] : i32 from vector<1xi32>
      %multiple_of3A_768 = tpu.assume_multiple %squeeze3A_767, 128 : i32
      %dma_start3A_769 = arith.constant 176 : i32
      %dma_start3A_770 = arith.constant 0 : i32
      %dma_start3A_771 = tpu.memref_slice %arg8[%dma_start3A_769, %dma_start3A_770] : memref<256x128xf32, #tpu.memory_space<vmem>> -> memref<8x128xf32, #tpu.memory_space<vmem>>
      %dma_start3A_772 = arith.constant 0 : i32
      %dma_start3A_773 = tpu.memref_slice %arg3[%dma_start3A_772, %multiple_of3A_768] : memref<8x1000000xf32, #tpu.memory_space<hbm>> -> memref<8x128xf32, #tpu.memory_space<hbm>>
      %dma_start3A_774 = arith.constant 176 : i32
      %dma_start3A_775 = arith.constant 0 : i32
      %dma_start3A_776 = tpu.memref_slice %arg8[%dma_start3A_774, %dma_start3A_775] : memref<256x128xf32, #tpu.memory_space<vmem>> -> memref<8x128xf32, #tpu.memory_space<vmem>>
      %dma_start3A_777 = arith.constant 0 : i32
      %dma_start3A_778 = tpu.memref_slice %arg3[%dma_start3A_777, %multiple_of3A_768] : memref<8x1000000xf32, #tpu.memory_space<hbm>> -> memref<8x128xf32, #tpu.memory_space<hbm>>
      tpu.enqueue_dma source(%dma_start3A_778 : memref<8x128xf32, #tpu.memory_space<hbm>>) target(%dma_start3A_776 : memref<8x128xf32, #tpu.memory_space<vmem>>) target_semaphore(%arg12 : memref<!tpu.dma_semaphore, #tpu.memory_space<semaphore_mem>>)
      %slice3A_779 = vector.extract_strided_slice %shift_left3A_687 {offsets = [7], sizes = [1], strides = [1]} : vector<16xi32> to vector<1xi32>
      %squeeze3A_780 = vector.extract %slice3A_779[0] : i32 from vector<1xi32>
      %multiple_of3A_781 = tpu.assume_multiple %squeeze3A_780, 128 : i32
      %dma_start3A_782 = arith.constant 184 : i32
      %dma_start3A_783 = arith.constant 0 : i32
      %dma_start3A_784 = tpu.memref_slice %arg8[%dma_start3A_782, %dma_start3A_783] : memref<256x128xf32, #tpu.memory_space<vmem>> -> memref<8x128xf32, #tpu.memory_space<vmem>>
      %dma_start3A_785 = arith.constant 0 : i32
      %dma_start3A_786 = tpu.memref_slice %arg3[%dma_start3A_785, %multiple_of3A_781] : memref<8x1000000xf32, #tpu.memory_space<hbm>> -> memref<8x128xf32, #tpu.memory_space<hbm>>
      %dma_start3A_787 = arith.constant 184 : i32
      %dma_start3A_788 = arith.constant 0 : i32
      %dma_start3A_789 = tpu.memref_slice %arg8[%dma_start3A_787, %dma_start3A_788] : memref<256x128xf32, #tpu.memory_space<vmem>> -> memref<8x128xf32, #tpu.memory_space<vmem>>
      %dma_start3A_790 = arith.constant 0 : i32
      %dma_start3A_791 = tpu.memref_slice %arg3[%dma_start3A_790, %multiple_of3A_781] : memref<8x1000000xf32, #tpu.memory_space<hbm>> -> memref<8x128xf32, #tpu.memory_space<hbm>>
      tpu.enqueue_dma source(%dma_start3A_791 : memref<8x128xf32, #tpu.memory_space<hbm>>) target(%dma_start3A_789 : memref<8x128xf32, #tpu.memory_space<vmem>>) target_semaphore(%arg12 : memref<!tpu.dma_semaphore, #tpu.memory_space<semaphore_mem>>)
      %slice3A_792 = vector.extract_strided_slice %shift_left3A_687 {offsets = [8], sizes = [1], strides = [1]} : vector<16xi32> to vector<1xi32>
      %squeeze3A_793 = vector.extract %slice3A_792[0] : i32 from vector<1xi32>
      %multiple_of3A_794 = tpu.assume_multiple %squeeze3A_793, 128 : i32
      %dma_start3A_795 = arith.constant 192 : i32
      %dma_start3A_796 = arith.constant 0 : i32
      %dma_start3A_797 = tpu.memref_slice %arg8[%dma_start3A_795, %dma_start3A_796] : memref<256x128xf32, #tpu.memory_space<vmem>> -> memref<8x128xf32, #tpu.memory_space<vmem>>
      %dma_start3A_798 = arith.constant 0 : i32
      %dma_start3A_799 = tpu.memref_slice %arg3[%dma_start3A_798, %multiple_of3A_794] : memref<8x1000000xf32, #tpu.memory_space<hbm>> -> memref<8x128xf32, #tpu.memory_space<hbm>>
      %dma_start3A_800 = arith.constant 192 : i32
      %dma_start3A_801 = arith.constant 0 : i32
      %dma_start3A_802 = tpu.memref_slice %arg8[%dma_start3A_800, %dma_start3A_801] : memref<256x128xf32, #tpu.memory_space<vmem>> -> memref<8x128xf32, #tpu.memory_space<vmem>>
      %dma_start3A_803 = arith.constant 0 : i32
      %dma_start3A_804 = tpu.memref_slice %arg3[%dma_start3A_803, %multiple_of3A_794] : memref<8x1000000xf32, #tpu.memory_space<hbm>> -> memref<8x128xf32, #tpu.memory_space<hbm>>
      tpu.enqueue_dma source(%dma_start3A_804 : memref<8x128xf32, #tpu.memory_space<hbm>>) target(%dma_start3A_802 : memref<8x128xf32, #tpu.memory_space<vmem>>) target_semaphore(%arg12 : memref<!tpu.dma_semaphore, #tpu.memory_space<semaphore_mem>>)
      %slice3A_805 = vector.extract_strided_slice %shift_left3A_687 {offsets = [9], sizes = [1], strides = [1]} : vector<16xi32> to vector<1xi32>
      %squeeze3A_806 = vector.extract %slice3A_805[0] : i32 from vector<1xi32>
      %multiple_of3A_807 = tpu.assume_multiple %squeeze3A_806, 128 : i32
      %dma_start3A_808 = arith.constant 200 : i32
      %dma_start3A_809 = arith.constant 0 : i32
      %dma_start3A_810 = tpu.memref_slice %arg8[%dma_start3A_808, %dma_start3A_809] : memref<256x128xf32, #tpu.memory_space<vmem>> -> memref<8x128xf32, #tpu.memory_space<vmem>>
      %dma_start3A_811 = arith.constant 0 : i32
      %dma_start3A_812 = tpu.memref_slice %arg3[%dma_start3A_811, %multiple_of3A_807] : memref<8x1000000xf32, #tpu.memory_space<hbm>> -> memref<8x128xf32, #tpu.memory_space<hbm>>
      %dma_start3A_813 = arith.constant 200 : i32
      %dma_start3A_814 = arith.constant 0 : i32
      %dma_start3A_815 = tpu.memref_slice %arg8[%dma_start3A_813, %dma_start3A_814] : memref<256x128xf32, #tpu.memory_space<vmem>> -> memref<8x128xf32, #tpu.memory_space<vmem>>
      %dma_start3A_816 = arith.constant 0 : i32
      %dma_start3A_817 = tpu.memref_slice %arg3[%dma_start3A_816, %multiple_of3A_807] : memref<8x1000000xf32, #tpu.memory_space<hbm>> -> memref<8x128xf32, #tpu.memory_space<hbm>>
      tpu.enqueue_dma source(%dma_start3A_817 : memref<8x128xf32, #tpu.memory_space<hbm>>) target(%dma_start3A_815 : memref<8x128xf32, #tpu.memory_space<vmem>>) target_semaphore(%arg12 : memref<!tpu.dma_semaphore, #tpu.memory_space<semaphore_mem>>)
      %slice3A_818 = vector.extract_strided_slice %shift_left3A_687 {offsets = [10], sizes = [1], strides = [1]} : vector<16xi32> to vector<1xi32>
      %squeeze3A_819 = vector.extract %slice3A_818[0] : i32 from vector<1xi32>
      %multiple_of3A_820 = tpu.assume_multiple %squeeze3A_819, 128 : i32
      %dma_start3A_821 = arith.constant 208 : i32
      %dma_start3A_822 = arith.constant 0 : i32
      %dma_start3A_823 = tpu.memref_slice %arg8[%dma_start3A_821, %dma_start3A_822] : memref<256x128xf32, #tpu.memory_space<vmem>> -> memref<8x128xf32, #tpu.memory_space<vmem>>
      %dma_start3A_824 = arith.constant 0 : i32
      %dma_start3A_825 = tpu.memref_slice %arg3[%dma_start3A_824, %multiple_of3A_820] : memref<8x1000000xf32, #tpu.memory_space<hbm>> -> memref<8x128xf32, #tpu.memory_space<hbm>>
      %dma_start3A_826 = arith.constant 208 : i32
      %dma_start3A_827 = arith.constant 0 : i32
      %dma_start3A_828 = tpu.memref_slice %arg8[%dma_start3A_826, %dma_start3A_827] : memref<256x128xf32, #tpu.memory_space<vmem>> -> memref<8x128xf32, #tpu.memory_space<vmem>>
      %dma_start3A_829 = arith.constant 0 : i32
      %dma_start3A_830 = tpu.memref_slice %arg3[%dma_start3A_829, %multiple_of3A_820] : memref<8x1000000xf32, #tpu.memory_space<hbm>> -> memref<8x128xf32, #tpu.memory_space<hbm>>
      tpu.enqueue_dma source(%dma_start3A_830 : memref<8x128xf32, #tpu.memory_space<hbm>>) target(%dma_start3A_828 : memref<8x128xf32, #tpu.memory_space<vmem>>) target_semaphore(%arg12 : memref<!tpu.dma_semaphore, #tpu.memory_space<semaphore_mem>>)
      %slice3A_831 = vector.extract_strided_slice %shift_left3A_687 {offsets = [11], sizes = [1], strides = [1]} : vector<16xi32> to vector<1xi32>
      %squeeze3A_832 = vector.extract %slice3A_831[0] : i32 from vector<1xi32>
      %multiple_of3A_833 = tpu.assume_multiple %squeeze3A_832, 128 : i32
      %dma_start3A_834 = arith.constant 216 : i32
      %dma_start3A_835 = arith.constant 0 : i32
      %dma_start3A_836 = tpu.memref_slice %arg8[%dma_start3A_834, %dma_start3A_835] : memref<256x128xf32, #tpu.memory_space<vmem>> -> memref<8x128xf32, #tpu.memory_space<vmem>>
      %dma_start3A_837 = arith.constant 0 : i32
      %dma_start3A_838 = tpu.memref_slice %arg3[%dma_start3A_837, %multiple_of3A_833] : memref<8x1000000xf32, #tpu.memory_space<hbm>> -> memref<8x128xf32, #tpu.memory_space<hbm>>
      %dma_start3A_839 = arith.constant 216 : i32
      %dma_start3A_840 = arith.constant 0 : i32
      %dma_start3A_841 = tpu.memref_slice %arg8[%dma_start3A_839, %dma_start3A_840] : memref<256x128xf32, #tpu.memory_space<vmem>> -> memref<8x128xf32, #tpu.memory_space<vmem>>
      %dma_start3A_842 = arith.constant 0 : i32
      %dma_start3A_843 = tpu.memref_slice %arg3[%dma_start3A_842, %multiple_of3A_833] : memref<8x1000000xf32, #tpu.memory_space<hbm>> -> memref<8x128xf32, #tpu.memory_space<hbm>>
      tpu.enqueue_dma source(%dma_start3A_843 : memref<8x128xf32, #tpu.memory_space<hbm>>) target(%dma_start3A_841 : memref<8x128xf32, #tpu.memory_space<vmem>>) target_semaphore(%arg12 : memref<!tpu.dma_semaphore, #tpu.memory_space<semaphore_mem>>)
      %slice3A_844 = vector.extract_strided_slice %shift_left3A_687 {offsets = [12], sizes = [1], strides = [1]} : vector<16xi32> to vector<1xi32>
      %squeeze3A_845 = vector.extract %slice3A_844[0] : i32 from vector<1xi32>
      %multiple_of3A_846 = tpu.assume_multiple %squeeze3A_845, 128 : i32
      %dma_start3A_847 = arith.constant 224 : i32
      %dma_start3A_848 = arith.constant 0 : i32
      %dma_start3A_849 = tpu.memref_slice %arg8[%dma_start3A_847, %dma_start3A_848] : memref<256x128xf32, #tpu.memory_space<vmem>> -> memref<8x128xf32, #tpu.memory_space<vmem>>
      %dma_start3A_850 = arith.constant 0 : i32
      %dma_start3A_851 = tpu.memref_slice %arg3[%dma_start3A_850, %multiple_of3A_846] : memref<8x1000000xf32, #tpu.memory_space<hbm>> -> memref<8x128xf32, #tpu.memory_space<hbm>>
      %dma_start3A_852 = arith.constant 224 : i32
      %dma_start3A_853 = arith.constant 0 : i32
      %dma_start3A_854 = tpu.memref_slice %arg8[%dma_start3A_852, %dma_start3A_853] : memref<256x128xf32, #tpu.memory_space<vmem>> -> memref<8x128xf32, #tpu.memory_space<vmem>>
      %dma_start3A_855 = arith.constant 0 : i32
      %dma_start3A_856 = tpu.memref_slice %arg3[%dma_start3A_855, %multiple_of3A_846] : memref<8x1000000xf32, #tpu.memory_space<hbm>> -> memref<8x128xf32, #tpu.memory_space<hbm>>
      tpu.enqueue_dma source(%dma_start3A_856 : memref<8x128xf32, #tpu.memory_space<hbm>>) target(%dma_start3A_854 : memref<8x128xf32, #tpu.memory_space<vmem>>) target_semaphore(%arg12 : memref<!tpu.dma_semaphore, #tpu.memory_space<semaphore_mem>>)
      %slice3A_857 = vector.extract_strided_slice %shift_left3A_687 {offsets = [13], sizes = [1], strides = [1]} : vector<16xi32> to vector<1xi32>
      %squeeze3A_858 = vector.extract %slice3A_857[0] : i32 from vector<1xi32>
      %multiple_of3A_859 = tpu.assume_multiple %squeeze3A_858, 128 : i32
      %dma_start3A_860 = arith.constant 232 : i32
      %dma_start3A_861 = arith.constant 0 : i32
      %dma_start3A_862 = tpu.memref_slice %arg8[%dma_start3A_860, %dma_start3A_861] : memref<256x128xf32, #tpu.memory_space<vmem>> -> memref<8x128xf32, #tpu.memory_space<vmem>>
      %dma_start3A_863 = arith.constant 0 : i32
      %dma_start3A_864 = tpu.memref_slice %arg3[%dma_start3A_863, %multiple_of3A_859] : memref<8x1000000xf32, #tpu.memory_space<hbm>> -> memref<8x128xf32, #tpu.memory_space<hbm>>
      %dma_start3A_865 = arith.constant 232 : i32
      %dma_start3A_866 = arith.constant 0 : i32
      %dma_start3A_867 = tpu.memref_slice %arg8[%dma_start3A_865, %dma_start3A_866] : memref<256x128xf32, #tpu.memory_space<vmem>> -> memref<8x128xf32, #tpu.memory_space<vmem>>
      %dma_start3A_868 = arith.constant 0 : i32
      %dma_start3A_869 = tpu.memref_slice %arg3[%dma_start3A_868, %multiple_of3A_859] : memref<8x1000000xf32, #tpu.memory_space<hbm>> -> memref<8x128xf32, #tpu.memory_space<hbm>>
      tpu.enqueue_dma source(%dma_start3A_869 : memref<8x128xf32, #tpu.memory_space<hbm>>) target(%dma_start3A_867 : memref<8x128xf32, #tpu.memory_space<vmem>>) target_semaphore(%arg12 : memref<!tpu.dma_semaphore, #tpu.memory_space<semaphore_mem>>)
      %slice3A_870 = vector.extract_strided_slice %shift_left3A_687 {offsets = [14], sizes = [1], strides = [1]} : vector<16xi32> to vector<1xi32>
      %squeeze3A_871 = vector.extract %slice3A_870[0] : i32 from vector<1xi32>
      %multiple_of3A_872 = tpu.assume_multiple %squeeze3A_871, 128 : i32
      %dma_start3A_873 = arith.constant 240 : i32
      %dma_start3A_874 = arith.constant 0 : i32
      %dma_start3A_875 = tpu.memref_slice %arg8[%dma_start3A_873, %dma_start3A_874] : memref<256x128xf32, #tpu.memory_space<vmem>> -> memref<8x128xf32, #tpu.memory_space<vmem>>
      %dma_start3A_876 = arith.constant 0 : i32
      %dma_start3A_877 = tpu.memref_slice %arg3[%dma_start3A_876, %multiple_of3A_872] : memref<8x1000000xf32, #tpu.memory_space<hbm>> -> memref<8x128xf32, #tpu.memory_space<hbm>>
      %dma_start3A_878 = arith.constant 240 : i32
      %dma_start3A_879 = arith.constant 0 : i32
      %dma_start3A_880 = tpu.memref_slice %arg8[%dma_start3A_878, %dma_start3A_879] : memref<256x128xf32, #tpu.memory_space<vmem>> -> memref<8x128xf32, #tpu.memory_space<vmem>>
      %dma_start3A_881 = arith.constant 0 : i32
      %dma_start3A_882 = tpu.memref_slice %arg3[%dma_start3A_881, %multiple_of3A_872] : memref<8x1000000xf32, #tpu.memory_space<hbm>> -> memref<8x128xf32, #tpu.memory_space<hbm>>
      tpu.enqueue_dma source(%dma_start3A_882 : memref<8x128xf32, #tpu.memory_space<hbm>>) target(%dma_start3A_880 : memref<8x128xf32, #tpu.memory_space<vmem>>) target_semaphore(%arg12 : memref<!tpu.dma_semaphore, #tpu.memory_space<semaphore_mem>>)
      %slice3A_883 = vector.extract_strided_slice %shift_left3A_687 {offsets = [15], sizes = [1], strides = [1]} : vector<16xi32> to vector<1xi32>
      %squeeze3A_884 = vector.extract %slice3A_883[0] : i32 from vector<1xi32>
      %multiple_of3A_885 = tpu.assume_multiple %squeeze3A_884, 128 : i32
      %dma_start3A_886 = arith.constant 248 : i32
      %dma_start3A_887 = arith.constant 0 : i32
      %dma_start3A_888 = tpu.memref_slice %arg8[%dma_start3A_886, %dma_start3A_887] : memref<256x128xf32, #tpu.memory_space<vmem>> -> memref<8x128xf32, #tpu.memory_space<vmem>>
      %dma_start3A_889 = arith.constant 0 : i32
      %dma_start3A_890 = tpu.memref_slice %arg3[%dma_start3A_889, %multiple_of3A_885] : memref<8x1000000xf32, #tpu.memory_space<hbm>> -> memref<8x128xf32, #tpu.memory_space<hbm>>
      %dma_start3A_891 = arith.constant 248 : i32
      %dma_start3A_892 = arith.constant 0 : i32
      %dma_start3A_893 = tpu.memref_slice %arg8[%dma_start3A_891, %dma_start3A_892] : memref<256x128xf32, #tpu.memory_space<vmem>> -> memref<8x128xf32, #tpu.memory_space<vmem>>
      %dma_start3A_894 = arith.constant 0 : i32
      %dma_start3A_895 = tpu.memref_slice %arg3[%dma_start3A_894, %multiple_of3A_885] : memref<8x1000000xf32, #tpu.memory_space<hbm>> -> memref<8x128xf32, #tpu.memory_space<hbm>>
      tpu.enqueue_dma source(%dma_start3A_895 : memref<8x128xf32, #tpu.memory_space<hbm>>) target(%dma_start3A_893 : memref<8x128xf32, #tpu.memory_space<vmem>>) target_semaphore(%arg12 : memref<!tpu.dma_semaphore, #tpu.memory_space<semaphore_mem>>)
      %dma_wait3A = arith.constant 0 : i32
      %dma_wait3A_896 = arith.constant 0 : i32
      %dma_wait3A_897 = tpu.memref_slice %arg7[%dma_wait3A, %dma_wait3A_896] : memref<256x128xf32, #tpu.memory_space<vmem>> -> memref<8x128xf32, #tpu.memory_space<vmem>>
      %dma_wait3A_898 = arith.constant 0 : i32
      %dma_wait3A_899 = tpu.memref_slice %arg3[%dma_wait3A_898, %multiple_of3A] : memref<8x1000000xf32, #tpu.memory_space<hbm>> -> memref<8x128xf32, #tpu.memory_space<hbm>>
      %dma_wait3A_900 = arith.constant 0 : i32
      %dma_wait3A_901 = arith.constant 0 : i32
      %dma_wait3A_902 = tpu.memref_slice %arg7[%dma_wait3A_900, %dma_wait3A_901] : memref<256x128xf32, #tpu.memory_space<vmem>> -> memref<8x128xf32, #tpu.memory_space<vmem>>
      %dma_wait3A_903 = arith.constant 0 : i32
      %dma_wait3A_904 = tpu.memref_slice %arg3[%dma_wait3A_903, %multiple_of3A] : memref<8x1000000xf32, #tpu.memory_space<hbm>> -> memref<8x128xf32, #tpu.memory_space<hbm>>
      tpu.wait_dma2 semaphore(%arg11 : memref<!tpu.dma_semaphore, #tpu.memory_space<semaphore_mem>>) src(%dma_wait3A_904 : memref<8x128xf32, #tpu.memory_space<hbm>>) dst(%dma_wait3A_902 : memref<8x128xf32, #tpu.memory_space<vmem>>)
      %dma_wait3A_905 = arith.constant 8 : i32
      %dma_wait3A_906 = arith.constant 0 : i32
      %dma_wait3A_907 = tpu.memref_slice %arg7[%dma_wait3A_905, %dma_wait3A_906] : memref<256x128xf32, #tpu.memory_space<vmem>> -> memref<8x128xf32, #tpu.memory_space<vmem>>
      %dma_wait3A_908 = arith.constant 0 : i32
      %dma_wait3A_909 = tpu.memref_slice %arg3[%dma_wait3A_908, %multiple_of3A_41] : memref<8x1000000xf32, #tpu.memory_space<hbm>> -> memref<8x128xf32, #tpu.memory_space<hbm>>
      %dma_wait3A_910 = arith.constant 8 : i32
      %dma_wait3A_911 = arith.constant 0 : i32
      %dma_wait3A_912 = tpu.memref_slice %arg7[%dma_wait3A_910, %dma_wait3A_911] : memref<256x128xf32, #tpu.memory_space<vmem>> -> memref<8x128xf32, #tpu.memory_space<vmem>>
      %dma_wait3A_913 = arith.constant 0 : i32
      %dma_wait3A_914 = tpu.memref_slice %arg3[%dma_wait3A_913, %multiple_of3A_41] : memref<8x1000000xf32, #tpu.memory_space<hbm>> -> memref<8x128xf32, #tpu.memory_space<hbm>>
      tpu.wait_dma2 semaphore(%arg11 : memref<!tpu.dma_semaphore, #tpu.memory_space<semaphore_mem>>) src(%dma_wait3A_914 : memref<8x128xf32, #tpu.memory_space<hbm>>) dst(%dma_wait3A_912 : memref<8x128xf32, #tpu.memory_space<vmem>>)
      %dma_wait3A_915 = arith.constant 16 : i32
      %dma_wait3A_916 = arith.constant 0 : i32
      %dma_wait3A_917 = tpu.memref_slice %arg7[%dma_wait3A_915, %dma_wait3A_916] : memref<256x128xf32, #tpu.memory_space<vmem>> -> memref<8x128xf32, #tpu.memory_space<vmem>>
      %dma_wait3A_918 = arith.constant 0 : i32
      %dma_wait3A_919 = tpu.memref_slice %arg3[%dma_wait3A_918, %multiple_of3A_54] : memref<8x1000000xf32, #tpu.memory_space<hbm>> -> memref<8x128xf32, #tpu.memory_space<hbm>>
      %dma_wait3A_920 = arith.constant 16 : i32
      %dma_wait3A_921 = arith.constant 0 : i32
      %dma_wait3A_922 = tpu.memref_slice %arg7[%dma_wait3A_920, %dma_wait3A_921] : memref<256x128xf32, #tpu.memory_space<vmem>> -> memref<8x128xf32, #tpu.memory_space<vmem>>
      %dma_wait3A_923 = arith.constant 0 : i32
      %dma_wait3A_924 = tpu.memref_slice %arg3[%dma_wait3A_923, %multiple_of3A_54] : memref<8x1000000xf32, #tpu.memory_space<hbm>> -> memref<8x128xf32, #tpu.memory_space<hbm>>
      tpu.wait_dma2 semaphore(%arg11 : memref<!tpu.dma_semaphore, #tpu.memory_space<semaphore_mem>>) src(%dma_wait3A_924 : memref<8x128xf32, #tpu.memory_space<hbm>>) dst(%dma_wait3A_922 : memref<8x128xf32, #tpu.memory_space<vmem>>)
      %dma_wait3A_925 = arith.constant 24 : i32
      %dma_wait3A_926 = arith.constant 0 : i32
      %dma_wait3A_927 = tpu.memref_slice %arg7[%dma_wait3A_925, %dma_wait3A_926] : memref<256x128xf32, #tpu.memory_space<vmem>> -> memref<8x128xf32, #tpu.memory_space<vmem>>
      %dma_wait3A_928 = arith.constant 0 : i32
      %dma_wait3A_929 = tpu.memref_slice %arg3[%dma_wait3A_928, %multiple_of3A_67] : memref<8x1000000xf32, #tpu.memory_space<hbm>> -> memref<8x128xf32, #tpu.memory_space<hbm>>
      %dma_wait3A_930 = arith.constant 24 : i32
      %dma_wait3A_931 = arith.constant 0 : i32
      %dma_wait3A_932 = tpu.memref_slice %arg7[%dma_wait3A_930, %dma_wait3A_931] : memref<256x128xf32, #tpu.memory_space<vmem>> -> memref<8x128xf32, #tpu.memory_space<vmem>>
      %dma_wait3A_933 = arith.constant 0 : i32
      %dma_wait3A_934 = tpu.memref_slice %arg3[%dma_wait3A_933, %multiple_of3A_67] : memref<8x1000000xf32, #tpu.memory_space<hbm>> -> memref<8x128xf32, #tpu.memory_space<hbm>>
      tpu.wait_dma2 semaphore(%arg11 : memref<!tpu.dma_semaphore, #tpu.memory_space<semaphore_mem>>) src(%dma_wait3A_934 : memref<8x128xf32, #tpu.memory_space<hbm>>) dst(%dma_wait3A_932 : memref<8x128xf32, #tpu.memory_space<vmem>>)
      %dma_wait3A_935 = arith.constant 32 : i32
      %dma_wait3A_936 = arith.constant 0 : i32
      %dma_wait3A_937 = tpu.memref_slice %arg7[%dma_wait3A_935, %dma_wait3A_936] : memref<256x128xf32, #tpu.memory_space<vmem>> -> memref<8x128xf32, #tpu.memory_space<vmem>>
      %dma_wait3A_938 = arith.constant 0 : i32
      %dma_wait3A_939 = tpu.memref_slice %arg3[%dma_wait3A_938, %multiple_of3A_80] : memref<8x1000000xf32, #tpu.memory_space<hbm>> -> memref<8x128xf32, #tpu.memory_space<hbm>>
      %dma_wait3A_940 = arith.constant 32 : i32
      %dma_wait3A_941 = arith.constant 0 : i32
      %dma_wait3A_942 = tpu.memref_slice %arg7[%dma_wait3A_940, %dma_wait3A_941] : memref<256x128xf32, #tpu.memory_space<vmem>> -> memref<8x128xf32, #tpu.memory_space<vmem>>
      %dma_wait3A_943 = arith.constant 0 : i32
      %dma_wait3A_944 = tpu.memref_slice %arg3[%dma_wait3A_943, %multiple_of3A_80] : memref<8x1000000xf32, #tpu.memory_space<hbm>> -> memref<8x128xf32, #tpu.memory_space<hbm>>
      tpu.wait_dma2 semaphore(%arg11 : memref<!tpu.dma_semaphore, #tpu.memory_space<semaphore_mem>>) src(%dma_wait3A_944 : memref<8x128xf32, #tpu.memory_space<hbm>>) dst(%dma_wait3A_942 : memref<8x128xf32, #tpu.memory_space<vmem>>)
      %dma_wait3A_945 = arith.constant 40 : i32
      %dma_wait3A_946 = arith.constant 0 : i32
      %dma_wait3A_947 = tpu.memref_slice %arg7[%dma_wait3A_945, %dma_wait3A_946] : memref<256x128xf32, #tpu.memory_space<vmem>> -> memref<8x128xf32, #tpu.memory_space<vmem>>
      %dma_wait3A_948 = arith.constant 0 : i32
      %dma_wait3A_949 = tpu.memref_slice %arg3[%dma_wait3A_948, %multiple_of3A_93] : memref<8x1000000xf32, #tpu.memory_space<hbm>> -> memref<8x128xf32, #tpu.memory_space<hbm>>
      %dma_wait3A_950 = arith.constant 40 : i32
      %dma_wait3A_951 = arith.constant 0 : i32
      %dma_wait3A_952 = tpu.memref_slice %arg7[%dma_wait3A_950, %dma_wait3A_951] : memref<256x128xf32, #tpu.memory_space<vmem>> -> memref<8x128xf32, #tpu.memory_space<vmem>>
      %dma_wait3A_953 = arith.constant 0 : i32
      %dma_wait3A_954 = tpu.memref_slice %arg3[%dma_wait3A_953, %multiple_of3A_93] : memref<8x1000000xf32, #tpu.memory_space<hbm>> -> memref<8x128xf32, #tpu.memory_space<hbm>>
      tpu.wait_dma2 semaphore(%arg11 : memref<!tpu.dma_semaphore, #tpu.memory_space<semaphore_mem>>) src(%dma_wait3A_954 : memref<8x128xf32, #tpu.memory_space<hbm>>) dst(%dma_wait3A_952 : memref<8x128xf32, #tpu.memory_space<vmem>>)
      %dma_wait3A_955 = arith.constant 48 : i32
      %dma_wait3A_956 = arith.constant 0 : i32
      %dma_wait3A_957 = tpu.memref_slice %arg7[%dma_wait3A_955, %dma_wait3A_956] : memref<256x128xf32, #tpu.memory_space<vmem>> -> memref<8x128xf32, #tpu.memory_space<vmem>>
      %dma_wait3A_958 = arith.constant 0 : i32
      %dma_wait3A_959 = tpu.memref_slice %arg3[%dma_wait3A_958, %multiple_of3A_106] : memref<8x1000000xf32, #tpu.memory_space<hbm>> -> memref<8x128xf32, #tpu.memory_space<hbm>>
      %dma_wait3A_960 = arith.constant 48 : i32
      %dma_wait3A_961 = arith.constant 0 : i32
      %dma_wait3A_962 = tpu.memref_slice %arg7[%dma_wait3A_960, %dma_wait3A_961] : memref<256x128xf32, #tpu.memory_space<vmem>> -> memref<8x128xf32, #tpu.memory_space<vmem>>
      %dma_wait3A_963 = arith.constant 0 : i32
      %dma_wait3A_964 = tpu.memref_slice %arg3[%dma_wait3A_963, %multiple_of3A_106] : memref<8x1000000xf32, #tpu.memory_space<hbm>> -> memref<8x128xf32, #tpu.memory_space<hbm>>
      tpu.wait_dma2 semaphore(%arg11 : memref<!tpu.dma_semaphore, #tpu.memory_space<semaphore_mem>>) src(%dma_wait3A_964 : memref<8x128xf32, #tpu.memory_space<hbm>>) dst(%dma_wait3A_962 : memref<8x128xf32, #tpu.memory_space<vmem>>)
      %dma_wait3A_965 = arith.constant 56 : i32
      %dma_wait3A_966 = arith.constant 0 : i32
      %dma_wait3A_967 = tpu.memref_slice %arg7[%dma_wait3A_965, %dma_wait3A_966] : memref<256x128xf32, #tpu.memory_space<vmem>> -> memref<8x128xf32, #tpu.memory_space<vmem>>
      %dma_wait3A_968 = arith.constant 0 : i32
      %dma_wait3A_969 = tpu.memref_slice %arg3[%dma_wait3A_968, %multiple_of3A_119] : memref<8x1000000xf32, #tpu.memory_space<hbm>> -> memref<8x128xf32, #tpu.memory_space<hbm>>
      %dma_wait3A_970 = arith.constant 56 : i32
      %dma_wait3A_971 = arith.constant 0 : i32
      %dma_wait3A_972 = tpu.memref_slice %arg7[%dma_wait3A_970, %dma_wait3A_971] : memref<256x128xf32, #tpu.memory_space<vmem>> -> memref<8x128xf32, #tpu.memory_space<vmem>>
      %dma_wait3A_973 = arith.constant 0 : i32
      %dma_wait3A_974 = tpu.memref_slice %arg3[%dma_wait3A_973, %multiple_of3A_119] : memref<8x1000000xf32, #tpu.memory_space<hbm>> -> memref<8x128xf32, #tpu.memory_space<hbm>>
      tpu.wait_dma2 semaphore(%arg11 : memref<!tpu.dma_semaphore, #tpu.memory_space<semaphore_mem>>) src(%dma_wait3A_974 : memref<8x128xf32, #tpu.memory_space<hbm>>) dst(%dma_wait3A_972 : memref<8x128xf32, #tpu.memory_space<vmem>>)
      %dma_wait3A_975 = arith.constant 64 : i32
      %dma_wait3A_976 = arith.constant 0 : i32
      %dma_wait3A_977 = tpu.memref_slice %arg7[%dma_wait3A_975, %dma_wait3A_976] : memref<256x128xf32, #tpu.memory_space<vmem>> -> memref<8x128xf32, #tpu.memory_space<vmem>>
      %dma_wait3A_978 = arith.constant 0 : i32
      %dma_wait3A_979 = tpu.memref_slice %arg3[%dma_wait3A_978, %multiple_of3A_132] : memref<8x1000000xf32, #tpu.memory_space<hbm>> -> memref<8x128xf32, #tpu.memory_space<hbm>>
      %dma_wait3A_980 = arith.constant 64 : i32
      %dma_wait3A_981 = arith.constant 0 : i32
      %dma_wait3A_982 = tpu.memref_slice %arg7[%dma_wait3A_980, %dma_wait3A_981] : memref<256x128xf32, #tpu.memory_space<vmem>> -> memref<8x128xf32, #tpu.memory_space<vmem>>
      %dma_wait3A_983 = arith.constant 0 : i32
      %dma_wait3A_984 = tpu.memref_slice %arg3[%dma_wait3A_983, %multiple_of3A_132] : memref<8x1000000xf32, #tpu.memory_space<hbm>> -> memref<8x128xf32, #tpu.memory_space<hbm>>
      tpu.wait_dma2 semaphore(%arg11 : memref<!tpu.dma_semaphore, #tpu.memory_space<semaphore_mem>>) src(%dma_wait3A_984 : memref<8x128xf32, #tpu.memory_space<hbm>>) dst(%dma_wait3A_982 : memref<8x128xf32, #tpu.memory_space<vmem>>)
      %dma_wait3A_985 = arith.constant 72 : i32
      %dma_wait3A_986 = arith.constant 0 : i32
      %dma_wait3A_987 = tpu.memref_slice %arg7[%dma_wait3A_985, %dma_wait3A_986] : memref<256x128xf32, #tpu.memory_space<vmem>> -> memref<8x128xf32, #tpu.memory_space<vmem>>
      %dma_wait3A_988 = arith.constant 0 : i32
      %dma_wait3A_989 = tpu.memref_slice %arg3[%dma_wait3A_988, %multiple_of3A_145] : memref<8x1000000xf32, #tpu.memory_space<hbm>> -> memref<8x128xf32, #tpu.memory_space<hbm>>
      %dma_wait3A_990 = arith.constant 72 : i32
      %dma_wait3A_991 = arith.constant 0 : i32
      %dma_wait3A_992 = tpu.memref_slice %arg7[%dma_wait3A_990, %dma_wait3A_991] : memref<256x128xf32, #tpu.memory_space<vmem>> -> memref<8x128xf32, #tpu.memory_space<vmem>>
      %dma_wait3A_993 = arith.constant 0 : i32
      %dma_wait3A_994 = tpu.memref_slice %arg3[%dma_wait3A_993, %multiple_of3A_145] : memref<8x1000000xf32, #tpu.memory_space<hbm>> -> memref<8x128xf32, #tpu.memory_space<hbm>>
      tpu.wait_dma2 semaphore(%arg11 : memref<!tpu.dma_semaphore, #tpu.memory_space<semaphore_mem>>) src(%dma_wait3A_994 : memref<8x128xf32, #tpu.memory_space<hbm>>) dst(%dma_wait3A_992 : memref<8x128xf32, #tpu.memory_space<vmem>>)
      %dma_wait3A_995 = arith.constant 80 : i32
      %dma_wait3A_996 = arith.constant 0 : i32
      %dma_wait3A_997 = tpu.memref_slice %arg7[%dma_wait3A_995, %dma_wait3A_996] : memref<256x128xf32, #tpu.memory_space<vmem>> -> memref<8x128xf32, #tpu.memory_space<vmem>>
      %dma_wait3A_998 = arith.constant 0 : i32
      %dma_wait3A_999 = tpu.memref_slice %arg3[%dma_wait3A_998, %multiple_of3A_158] : memref<8x1000000xf32, #tpu.memory_space<hbm>> -> memref<8x128xf32, #tpu.memory_space<hbm>>
      %dma_wait3A_1000 = arith.constant 80 : i32
      %dma_wait3A_1001 = arith.constant 0 : i32
      %dma_wait3A_1002 = tpu.memref_slice %arg7[%dma_wait3A_1000, %dma_wait3A_1001] : memref<256x128xf32, #tpu.memory_space<vmem>> -> memref<8x128xf32, #tpu.memory_space<vmem>>
      %dma_wait3A_1003 = arith.constant 0 : i32
      %dma_wait3A_1004 = tpu.memref_slice %arg3[%dma_wait3A_1003, %multiple_of3A_158] : memref<8x1000000xf32, #tpu.memory_space<hbm>> -> memref<8x128xf32, #tpu.memory_space<hbm>>
      tpu.wait_dma2 semaphore(%arg11 : memref<!tpu.dma_semaphore, #tpu.memory_space<semaphore_mem>>) src(%dma_wait3A_1004 : memref<8x128xf32, #tpu.memory_space<hbm>>) dst(%dma_wait3A_1002 : memref<8x128xf32, #tpu.memory_space<vmem>>)
      %dma_wait3A_1005 = arith.constant 88 : i32
      %dma_wait3A_1006 = arith.constant 0 : i32
      %dma_wait3A_1007 = tpu.memref_slice %arg7[%dma_wait3A_1005, %dma_wait3A_1006] : memref<256x128xf32, #tpu.memory_space<vmem>> -> memref<8x128xf32, #tpu.memory_space<vmem>>
      %dma_wait3A_1008 = arith.constant 0 : i32
      %dma_wait3A_1009 = tpu.memref_slice %arg3[%dma_wait3A_1008, %multiple_of3A_171] : memref<8x1000000xf32, #tpu.memory_space<hbm>> -> memref<8x128xf32, #tpu.memory_space<hbm>>
      %dma_wait3A_1010 = arith.constant 88 : i32
      %dma_wait3A_1011 = arith.constant 0 : i32
      %dma_wait3A_1012 = tpu.memref_slice %arg7[%dma_wait3A_1010, %dma_wait3A_1011] : memref<256x128xf32, #tpu.memory_space<vmem>> -> memref<8x128xf32, #tpu.memory_space<vmem>>
      %dma_wait3A_1013 = arith.constant 0 : i32
      %dma_wait3A_1014 = tpu.memref_slice %arg3[%dma_wait3A_1013, %multiple_of3A_171] : memref<8x1000000xf32, #tpu.memory_space<hbm>> -> memref<8x128xf32, #tpu.memory_space<hbm>>
      tpu.wait_dma2 semaphore(%arg11 : memref<!tpu.dma_semaphore, #tpu.memory_space<semaphore_mem>>) src(%dma_wait3A_1014 : memref<8x128xf32, #tpu.memory_space<hbm>>) dst(%dma_wait3A_1012 : memref<8x128xf32, #tpu.memory_space<vmem>>)
      %dma_wait3A_1015 = arith.constant 96 : i32
      %dma_wait3A_1016 = arith.constant 0 : i32
      %dma_wait3A_1017 = tpu.memref_slice %arg7[%dma_wait3A_1015, %dma_wait3A_1016] : memref<256x128xf32, #tpu.memory_space<vmem>> -> memref<8x128xf32, #tpu.memory_space<vmem>>
      %dma_wait3A_1018 = arith.constant 0 : i32
      %dma_wait3A_1019 = tpu.memref_slice %arg3[%dma_wait3A_1018, %multiple_of3A_184] : memref<8x1000000xf32, #tpu.memory_space<hbm>> -> memref<8x128xf32, #tpu.memory_space<hbm>>
      %dma_wait3A_1020 = arith.constant 96 : i32
      %dma_wait3A_1021 = arith.constant 0 : i32
      %dma_wait3A_1022 = tpu.memref_slice %arg7[%dma_wait3A_1020, %dma_wait3A_1021] : memref<256x128xf32, #tpu.memory_space<vmem>> -> memref<8x128xf32, #tpu.memory_space<vmem>>
      %dma_wait3A_1023 = arith.constant 0 : i32
      %dma_wait3A_1024 = tpu.memref_slice %arg3[%dma_wait3A_1023, %multiple_of3A_184] : memref<8x1000000xf32, #tpu.memory_space<hbm>> -> memref<8x128xf32, #tpu.memory_space<hbm>>
      tpu.wait_dma2 semaphore(%arg11 : memref<!tpu.dma_semaphore, #tpu.memory_space<semaphore_mem>>) src(%dma_wait3A_1024 : memref<8x128xf32, #tpu.memory_space<hbm>>) dst(%dma_wait3A_1022 : memref<8x128xf32, #tpu.memory_space<vmem>>)
      %dma_wait3A_1025 = arith.constant 104 : i32
      %dma_wait3A_1026 = arith.constant 0 : i32
      %dma_wait3A_1027 = tpu.memref_slice %arg7[%dma_wait3A_1025, %dma_wait3A_1026] : memref<256x128xf32, #tpu.memory_space<vmem>> -> memref<8x128xf32, #tpu.memory_space<vmem>>
      %dma_wait3A_1028 = arith.constant 0 : i32
      %dma_wait3A_1029 = tpu.memref_slice %arg3[%dma_wait3A_1028, %multiple_of3A_197] : memref<8x1000000xf32, #tpu.memory_space<hbm>> -> memref<8x128xf32, #tpu.memory_space<hbm>>
      %dma_wait3A_1030 = arith.constant 104 : i32
      %dma_wait3A_1031 = arith.constant 0 : i32
      %dma_wait3A_1032 = tpu.memref_slice %arg7[%dma_wait3A_1030, %dma_wait3A_1031] : memref<256x128xf32, #tpu.memory_space<vmem>> -> memref<8x128xf32, #tpu.memory_space<vmem>>
      %dma_wait3A_1033 = arith.constant 0 : i32
      %dma_wait3A_1034 = tpu.memref_slice %arg3[%dma_wait3A_1033, %multiple_of3A_197] : memref<8x1000000xf32, #tpu.memory_space<hbm>> -> memref<8x128xf32, #tpu.memory_space<hbm>>
      tpu.wait_dma2 semaphore(%arg11 : memref<!tpu.dma_semaphore, #tpu.memory_space<semaphore_mem>>) src(%dma_wait3A_1034 : memref<8x128xf32, #tpu.memory_space<hbm>>) dst(%dma_wait3A_1032 : memref<8x128xf32, #tpu.memory_space<vmem>>)
      %dma_wait3A_1035 = arith.constant 112 : i32
      %dma_wait3A_1036 = arith.constant 0 : i32
      %dma_wait3A_1037 = tpu.memref_slice %arg7[%dma_wait3A_1035, %dma_wait3A_1036] : memref<256x128xf32, #tpu.memory_space<vmem>> -> memref<8x128xf32, #tpu.memory_space<vmem>>
      %dma_wait3A_1038 = arith.constant 0 : i32
      %dma_wait3A_1039 = tpu.memref_slice %arg3[%dma_wait3A_1038, %multiple_of3A_210] : memref<8x1000000xf32, #tpu.memory_space<hbm>> -> memref<8x128xf32, #tpu.memory_space<hbm>>
      %dma_wait3A_1040 = arith.constant 112 : i32
      %dma_wait3A_1041 = arith.constant 0 : i32
      %dma_wait3A_1042 = tpu.memref_slice %arg7[%dma_wait3A_1040, %dma_wait3A_1041] : memref<256x128xf32, #tpu.memory_space<vmem>> -> memref<8x128xf32, #tpu.memory_space<vmem>>
      %dma_wait3A_1043 = arith.constant 0 : i32
      %dma_wait3A_1044 = tpu.memref_slice %arg3[%dma_wait3A_1043, %multiple_of3A_210] : memref<8x1000000xf32, #tpu.memory_space<hbm>> -> memref<8x128xf32, #tpu.memory_space<hbm>>
      tpu.wait_dma2 semaphore(%arg11 : memref<!tpu.dma_semaphore, #tpu.memory_space<semaphore_mem>>) src(%dma_wait3A_1044 : memref<8x128xf32, #tpu.memory_space<hbm>>) dst(%dma_wait3A_1042 : memref<8x128xf32, #tpu.memory_space<vmem>>)
      %dma_wait3A_1045 = arith.constant 120 : i32
      %dma_wait3A_1046 = arith.constant 0 : i32
      %dma_wait3A_1047 = tpu.memref_slice %arg7[%dma_wait3A_1045, %dma_wait3A_1046] : memref<256x128xf32, #tpu.memory_space<vmem>> -> memref<8x128xf32, #tpu.memory_space<vmem>>
      %dma_wait3A_1048 = arith.constant 0 : i32
      %dma_wait3A_1049 = tpu.memref_slice %arg3[%dma_wait3A_1048, %multiple_of3A_223] : memref<8x1000000xf32, #tpu.memory_space<hbm>> -> memref<8x128xf32, #tpu.memory_space<hbm>>
      %dma_wait3A_1050 = arith.constant 120 : i32
      %dma_wait3A_1051 = arith.constant 0 : i32
      %dma_wait3A_1052 = tpu.memref_slice %arg7[%dma_wait3A_1050, %dma_wait3A_1051] : memref<256x128xf32, #tpu.memory_space<vmem>> -> memref<8x128xf32, #tpu.memory_space<vmem>>
      %dma_wait3A_1053 = arith.constant 0 : i32
      %dma_wait3A_1054 = tpu.memref_slice %arg3[%dma_wait3A_1053, %multiple_of3A_223] : memref<8x1000000xf32, #tpu.memory_space<hbm>> -> memref<8x128xf32, #tpu.memory_space<hbm>>
      tpu.wait_dma2 semaphore(%arg11 : memref<!tpu.dma_semaphore, #tpu.memory_space<semaphore_mem>>) src(%dma_wait3A_1054 : memref<8x128xf32, #tpu.memory_space<hbm>>) dst(%dma_wait3A_1052 : memref<8x128xf32, #tpu.memory_space<vmem>>)
      %dma_wait3A_1055 = arith.constant 128 : i32
      %dma_wait3A_1056 = arith.constant 0 : i32
      %dma_wait3A_1057 = tpu.memref_slice %arg7[%dma_wait3A_1055, %dma_wait3A_1056] : memref<256x128xf32, #tpu.memory_space<vmem>> -> memref<8x128xf32, #tpu.memory_space<vmem>>
      %dma_wait3A_1058 = arith.constant 0 : i32
      %dma_wait3A_1059 = tpu.memref_slice %arg3[%dma_wait3A_1058, %multiple_of3A_248] : memref<8x1000000xf32, #tpu.memory_space<hbm>> -> memref<8x128xf32, #tpu.memory_space<hbm>>
      %dma_wait3A_1060 = arith.constant 128 : i32
      %dma_wait3A_1061 = arith.constant 0 : i32
      %dma_wait3A_1062 = tpu.memref_slice %arg7[%dma_wait3A_1060, %dma_wait3A_1061] : memref<256x128xf32, #tpu.memory_space<vmem>> -> memref<8x128xf32, #tpu.memory_space<vmem>>
      %dma_wait3A_1063 = arith.constant 0 : i32
      %dma_wait3A_1064 = tpu.memref_slice %arg3[%dma_wait3A_1063, %multiple_of3A_248] : memref<8x1000000xf32, #tpu.memory_space<hbm>> -> memref<8x128xf32, #tpu.memory_space<hbm>>
      tpu.wait_dma2 semaphore(%arg11 : memref<!tpu.dma_semaphore, #tpu.memory_space<semaphore_mem>>) src(%dma_wait3A_1064 : memref<8x128xf32, #tpu.memory_space<hbm>>) dst(%dma_wait3A_1062 : memref<8x128xf32, #tpu.memory_space<vmem>>)
      %dma_wait3A_1065 = arith.constant 136 : i32
      %dma_wait3A_1066 = arith.constant 0 : i32
      %dma_wait3A_1067 = tpu.memref_slice %arg7[%dma_wait3A_1065, %dma_wait3A_1066] : memref<256x128xf32, #tpu.memory_space<vmem>> -> memref<8x128xf32, #tpu.memory_space<vmem>>
      %dma_wait3A_1068 = arith.constant 0 : i32
      %dma_wait3A_1069 = tpu.memref_slice %arg3[%dma_wait3A_1068, %multiple_of3A_261] : memref<8x1000000xf32, #tpu.memory_space<hbm>> -> memref<8x128xf32, #tpu.memory_space<hbm>>
      %dma_wait3A_1070 = arith.constant 136 : i32
      %dma_wait3A_1071 = arith.constant 0 : i32
      %dma_wait3A_1072 = tpu.memref_slice %arg7[%dma_wait3A_1070, %dma_wait3A_1071] : memref<256x128xf32, #tpu.memory_space<vmem>> -> memref<8x128xf32, #tpu.memory_space<vmem>>
      %dma_wait3A_1073 = arith.constant 0 : i32
      %dma_wait3A_1074 = tpu.memref_slice %arg3[%dma_wait3A_1073, %multiple_of3A_261] : memref<8x1000000xf32, #tpu.memory_space<hbm>> -> memref<8x128xf32, #tpu.memory_space<hbm>>
      tpu.wait_dma2 semaphore(%arg11 : memref<!tpu.dma_semaphore, #tpu.memory_space<semaphore_mem>>) src(%dma_wait3A_1074 : memref<8x128xf32, #tpu.memory_space<hbm>>) dst(%dma_wait3A_1072 : memref<8x128xf32, #tpu.memory_space<vmem>>)
      %dma_wait3A_1075 = arith.constant 144 : i32
      %dma_wait3A_1076 = arith.constant 0 : i32
      %dma_wait3A_1077 = tpu.memref_slice %arg7[%dma_wait3A_1075, %dma_wait3A_1076] : memref<256x128xf32, #tpu.memory_space<vmem>> -> memref<8x128xf32, #tpu.memory_space<vmem>>
      %dma_wait3A_1078 = arith.constant 0 : i32
      %dma_wait3A_1079 = tpu.memref_slice %arg3[%dma_wait3A_1078, %multiple_of3A_274] : memref<8x1000000xf32, #tpu.memory_space<hbm>> -> memref<8x128xf32, #tpu.memory_space<hbm>>
      %dma_wait3A_1080 = arith.constant 144 : i32
      %dma_wait3A_1081 = arith.constant 0 : i32
      %dma_wait3A_1082 = tpu.memref_slice %arg7[%dma_wait3A_1080, %dma_wait3A_1081] : memref<256x128xf32, #tpu.memory_space<vmem>> -> memref<8x128xf32, #tpu.memory_space<vmem>>
      %dma_wait3A_1083 = arith.constant 0 : i32
      %dma_wait3A_1084 = tpu.memref_slice %arg3[%dma_wait3A_1083, %multiple_of3A_274] : memref<8x1000000xf32, #tpu.memory_space<hbm>> -> memref<8x128xf32, #tpu.memory_space<hbm>>
      tpu.wait_dma2 semaphore(%arg11 : memref<!tpu.dma_semaphore, #tpu.memory_space<semaphore_mem>>) src(%dma_wait3A_1084 : memref<8x128xf32, #tpu.memory_space<hbm>>) dst(%dma_wait3A_1082 : memref<8x128xf32, #tpu.memory_space<vmem>>)
      %dma_wait3A_1085 = arith.constant 152 : i32
      %dma_wait3A_1086 = arith.constant 0 : i32
      %dma_wait3A_1087 = tpu.memref_slice %arg7[%dma_wait3A_1085, %dma_wait3A_1086] : memref<256x128xf32, #tpu.memory_space<vmem>> -> memref<8x128xf32, #tpu.memory_space<vmem>>
      %dma_wait3A_1088 = arith.constant 0 : i32
      %dma_wait3A_1089 = tpu.memref_slice %arg3[%dma_wait3A_1088, %multiple_of3A_287] : memref<8x1000000xf32, #tpu.memory_space<hbm>> -> memref<8x128xf32, #tpu.memory_space<hbm>>
      %dma_wait3A_1090 = arith.constant 152 : i32
      %dma_wait3A_1091 = arith.constant 0 : i32
      %dma_wait3A_1092 = tpu.memref_slice %arg7[%dma_wait3A_1090, %dma_wait3A_1091] : memref<256x128xf32, #tpu.memory_space<vmem>> -> memref<8x128xf32, #tpu.memory_space<vmem>>
      %dma_wait3A_1093 = arith.constant 0 : i32
      %dma_wait3A_1094 = tpu.memref_slice %arg3[%dma_wait3A_1093, %multiple_of3A_287] : memref<8x1000000xf32, #tpu.memory_space<hbm>> -> memref<8x128xf32, #tpu.memory_space<hbm>>
      tpu.wait_dma2 semaphore(%arg11 : memref<!tpu.dma_semaphore, #tpu.memory_space<semaphore_mem>>) src(%dma_wait3A_1094 : memref<8x128xf32, #tpu.memory_space<hbm>>) dst(%dma_wait3A_1092 : memref<8x128xf32, #tpu.memory_space<vmem>>)
      %dma_wait3A_1095 = arith.constant 160 : i32
      %dma_wait3A_1096 = arith.constant 0 : i32
      %dma_wait3A_1097 = tpu.memref_slice %arg7[%dma_wait3A_1095, %dma_wait3A_1096] : memref<256x128xf32, #tpu.memory_space<vmem>> -> memref<8x128xf32, #tpu.memory_space<vmem>>
      %dma_wait3A_1098 = arith.constant 0 : i32
      %dma_wait3A_1099 = tpu.memref_slice %arg3[%dma_wait3A_1098, %multiple_of3A_300] : memref<8x1000000xf32, #tpu.memory_space<hbm>> -> memref<8x128xf32, #tpu.memory_space<hbm>>
      %dma_wait3A_1100 = arith.constant 160 : i32
      %dma_wait3A_1101 = arith.constant 0 : i32
      %dma_wait3A_1102 = tpu.memref_slice %arg7[%dma_wait3A_1100, %dma_wait3A_1101] : memref<256x128xf32, #tpu.memory_space<vmem>> -> memref<8x128xf32, #tpu.memory_space<vmem>>
      %dma_wait3A_1103 = arith.constant 0 : i32
      %dma_wait3A_1104 = tpu.memref_slice %arg3[%dma_wait3A_1103, %multiple_of3A_300] : memref<8x1000000xf32, #tpu.memory_space<hbm>> -> memref<8x128xf32, #tpu.memory_space<hbm>>
      tpu.wait_dma2 semaphore(%arg11 : memref<!tpu.dma_semaphore, #tpu.memory_space<semaphore_mem>>) src(%dma_wait3A_1104 : memref<8x128xf32, #tpu.memory_space<hbm>>) dst(%dma_wait3A_1102 : memref<8x128xf32, #tpu.memory_space<vmem>>)
      %dma_wait3A_1105 = arith.constant 168 : i32
      %dma_wait3A_1106 = arith.constant 0 : i32
      %dma_wait3A_1107 = tpu.memref_slice %arg7[%dma_wait3A_1105, %dma_wait3A_1106] : memref<256x128xf32, #tpu.memory_space<vmem>> -> memref<8x128xf32, #tpu.memory_space<vmem>>
      %dma_wait3A_1108 = arith.constant 0 : i32
      %dma_wait3A_1109 = tpu.memref_slice %arg3[%dma_wait3A_1108, %multiple_of3A_313] : memref<8x1000000xf32, #tpu.memory_space<hbm>> -> memref<8x128xf32, #tpu.memory_space<hbm>>
      %dma_wait3A_1110 = arith.constant 168 : i32
      %dma_wait3A_1111 = arith.constant 0 : i32
      %dma_wait3A_1112 = tpu.memref_slice %arg7[%dma_wait3A_1110, %dma_wait3A_1111] : memref<256x128xf32, #tpu.memory_space<vmem>> -> memref<8x128xf32, #tpu.memory_space<vmem>>
      %dma_wait3A_1113 = arith.constant 0 : i32
      %dma_wait3A_1114 = tpu.memref_slice %arg3[%dma_wait3A_1113, %multiple_of3A_313] : memref<8x1000000xf32, #tpu.memory_space<hbm>> -> memref<8x128xf32, #tpu.memory_space<hbm>>
      tpu.wait_dma2 semaphore(%arg11 : memref<!tpu.dma_semaphore, #tpu.memory_space<semaphore_mem>>) src(%dma_wait3A_1114 : memref<8x128xf32, #tpu.memory_space<hbm>>) dst(%dma_wait3A_1112 : memref<8x128xf32, #tpu.memory_space<vmem>>)
      %dma_wait3A_1115 = arith.constant 176 : i32
      %dma_wait3A_1116 = arith.constant 0 : i32
      %dma_wait3A_1117 = tpu.memref_slice %arg7[%dma_wait3A_1115, %dma_wait3A_1116] : memref<256x128xf32, #tpu.memory_space<vmem>> -> memref<8x128xf32, #tpu.memory_space<vmem>>
      %dma_wait3A_1118 = arith.constant 0 : i32
      %dma_wait3A_1119 = tpu.memref_slice %arg3[%dma_wait3A_1118, %multiple_of3A_326] : memref<8x1000000xf32, #tpu.memory_space<hbm>> -> memref<8x128xf32, #tpu.memory_space<hbm>>
      %dma_wait3A_1120 = arith.constant 176 : i32
      %dma_wait3A_1121 = arith.constant 0 : i32
      %dma_wait3A_1122 = tpu.memref_slice %arg7[%dma_wait3A_1120, %dma_wait3A_1121] : memref<256x128xf32, #tpu.memory_space<vmem>> -> memref<8x128xf32, #tpu.memory_space<vmem>>
      %dma_wait3A_1123 = arith.constant 0 : i32
      %dma_wait3A_1124 = tpu.memref_slice %arg3[%dma_wait3A_1123, %multiple_of3A_326] : memref<8x1000000xf32, #tpu.memory_space<hbm>> -> memref<8x128xf32, #tpu.memory_space<hbm>>
      tpu.wait_dma2 semaphore(%arg11 : memref<!tpu.dma_semaphore, #tpu.memory_space<semaphore_mem>>) src(%dma_wait3A_1124 : memref<8x128xf32, #tpu.memory_space<hbm>>) dst(%dma_wait3A_1122 : memref<8x128xf32, #tpu.memory_space<vmem>>)
      %dma_wait3A_1125 = arith.constant 184 : i32
      %dma_wait3A_1126 = arith.constant 0 : i32
      %dma_wait3A_1127 = tpu.memref_slice %arg7[%dma_wait3A_1125, %dma_wait3A_1126] : memref<256x128xf32, #tpu.memory_space<vmem>> -> memref<8x128xf32, #tpu.memory_space<vmem>>
      %dma_wait3A_1128 = arith.constant 0 : i32
      %dma_wait3A_1129 = tpu.memref_slice %arg3[%dma_wait3A_1128, %multiple_of3A_339] : memref<8x1000000xf32, #tpu.memory_space<hbm>> -> memref<8x128xf32, #tpu.memory_space<hbm>>
      %dma_wait3A_1130 = arith.constant 184 : i32
      %dma_wait3A_1131 = arith.constant 0 : i32
      %dma_wait3A_1132 = tpu.memref_slice %arg7[%dma_wait3A_1130, %dma_wait3A_1131] : memref<256x128xf32, #tpu.memory_space<vmem>> -> memref<8x128xf32, #tpu.memory_space<vmem>>
      %dma_wait3A_1133 = arith.constant 0 : i32
      %dma_wait3A_1134 = tpu.memref_slice %arg3[%dma_wait3A_1133, %multiple_of3A_339] : memref<8x1000000xf32, #tpu.memory_space<hbm>> -> memref<8x128xf32, #tpu.memory_space<hbm>>
      tpu.wait_dma2 semaphore(%arg11 : memref<!tpu.dma_semaphore, #tpu.memory_space<semaphore_mem>>) src(%dma_wait3A_1134 : memref<8x128xf32, #tpu.memory_space<hbm>>) dst(%dma_wait3A_1132 : memref<8x128xf32, #tpu.memory_space<vmem>>)
      %dma_wait3A_1135 = arith.constant 192 : i32
      %dma_wait3A_1136 = arith.constant 0 : i32
      %dma_wait3A_1137 = tpu.memref_slice %arg7[%dma_wait3A_1135, %dma_wait3A_1136] : memref<256x128xf32, #tpu.memory_space<vmem>> -> memref<8x128xf32, #tpu.memory_space<vmem>>
      %dma_wait3A_1138 = arith.constant 0 : i32
      %dma_wait3A_1139 = tpu.memref_slice %arg3[%dma_wait3A_1138, %multiple_of3A_352] : memref<8x1000000xf32, #tpu.memory_space<hbm>> -> memref<8x128xf32, #tpu.memory_space<hbm>>
      %dma_wait3A_1140 = arith.constant 192 : i32
      %dma_wait3A_1141 = arith.constant 0 : i32
      %dma_wait3A_1142 = tpu.memref_slice %arg7[%dma_wait3A_1140, %dma_wait3A_1141] : memref<256x128xf32, #tpu.memory_space<vmem>> -> memref<8x128xf32, #tpu.memory_space<vmem>>
      %dma_wait3A_1143 = arith.constant 0 : i32
      %dma_wait3A_1144 = tpu.memref_slice %arg3[%dma_wait3A_1143, %multiple_of3A_352] : memref<8x1000000xf32, #tpu.memory_space<hbm>> -> memref<8x128xf32, #tpu.memory_space<hbm>>
      tpu.wait_dma2 semaphore(%arg11 : memref<!tpu.dma_semaphore, #tpu.memory_space<semaphore_mem>>) src(%dma_wait3A_1144 : memref<8x128xf32, #tpu.memory_space<hbm>>) dst(%dma_wait3A_1142 : memref<8x128xf32, #tpu.memory_space<vmem>>)
      %dma_wait3A_1145 = arith.constant 200 : i32
      %dma_wait3A_1146 = arith.constant 0 : i32
      %dma_wait3A_1147 = tpu.memref_slice %arg7[%dma_wait3A_1145, %dma_wait3A_1146] : memref<256x128xf32, #tpu.memory_space<vmem>> -> memref<8x128xf32, #tpu.memory_space<vmem>>
      %dma_wait3A_1148 = arith.constant 0 : i32
      %dma_wait3A_1149 = tpu.memref_slice %arg3[%dma_wait3A_1148, %multiple_of3A_365] : memref<8x1000000xf32, #tpu.memory_space<hbm>> -> memref<8x128xf32, #tpu.memory_space<hbm>>
      %dma_wait3A_1150 = arith.constant 200 : i32
      %dma_wait3A_1151 = arith.constant 0 : i32
      %dma_wait3A_1152 = tpu.memref_slice %arg7[%dma_wait3A_1150, %dma_wait3A_1151] : memref<256x128xf32, #tpu.memory_space<vmem>> -> memref<8x128xf32, #tpu.memory_space<vmem>>
      %dma_wait3A_1153 = arith.constant 0 : i32
      %dma_wait3A_1154 = tpu.memref_slice %arg3[%dma_wait3A_1153, %multiple_of3A_365] : memref<8x1000000xf32, #tpu.memory_space<hbm>> -> memref<8x128xf32, #tpu.memory_space<hbm>>
      tpu.wait_dma2 semaphore(%arg11 : memref<!tpu.dma_semaphore, #tpu.memory_space<semaphore_mem>>) src(%dma_wait3A_1154 : memref<8x128xf32, #tpu.memory_space<hbm>>) dst(%dma_wait3A_1152 : memref<8x128xf32, #tpu.memory_space<vmem>>)
      %dma_wait3A_1155 = arith.constant 208 : i32
      %dma_wait3A_1156 = arith.constant 0 : i32
      %dma_wait3A_1157 = tpu.memref_slice %arg7[%dma_wait3A_1155, %dma_wait3A_1156] : memref<256x128xf32, #tpu.memory_space<vmem>> -> memref<8x128xf32, #tpu.memory_space<vmem>>
      %dma_wait3A_1158 = arith.constant 0 : i32
      %dma_wait3A_1159 = tpu.memref_slice %arg3[%dma_wait3A_1158, %multiple_of3A_378] : memref<8x1000000xf32, #tpu.memory_space<hbm>> -> memref<8x128xf32, #tpu.memory_space<hbm>>
      %dma_wait3A_1160 = arith.constant 208 : i32
      %dma_wait3A_1161 = arith.constant 0 : i32
      %dma_wait3A_1162 = tpu.memref_slice %arg7[%dma_wait3A_1160, %dma_wait3A_1161] : memref<256x128xf32, #tpu.memory_space<vmem>> -> memref<8x128xf32, #tpu.memory_space<vmem>>
      %dma_wait3A_1163 = arith.constant 0 : i32
      %dma_wait3A_1164 = tpu.memref_slice %arg3[%dma_wait3A_1163, %multiple_of3A_378] : memref<8x1000000xf32, #tpu.memory_space<hbm>> -> memref<8x128xf32, #tpu.memory_space<hbm>>
      tpu.wait_dma2 semaphore(%arg11 : memref<!tpu.dma_semaphore, #tpu.memory_space<semaphore_mem>>) src(%dma_wait3A_1164 : memref<8x128xf32, #tpu.memory_space<hbm>>) dst(%dma_wait3A_1162 : memref<8x128xf32, #tpu.memory_space<vmem>>)
      %dma_wait3A_1165 = arith.constant 216 : i32
      %dma_wait3A_1166 = arith.constant 0 : i32
      %dma_wait3A_1167 = tpu.memref_slice %arg7[%dma_wait3A_1165, %dma_wait3A_1166] : memref<256x128xf32, #tpu.memory_space<vmem>> -> memref<8x128xf32, #tpu.memory_space<vmem>>
      %dma_wait3A_1168 = arith.constant 0 : i32
      %dma_wait3A_1169 = tpu.memref_slice %arg3[%dma_wait3A_1168, %multiple_of3A_391] : memref<8x1000000xf32, #tpu.memory_space<hbm>> -> memref<8x128xf32, #tpu.memory_space<hbm>>
      %dma_wait3A_1170 = arith.constant 216 : i32
      %dma_wait3A_1171 = arith.constant 0 : i32
      %dma_wait3A_1172 = tpu.memref_slice %arg7[%dma_wait3A_1170, %dma_wait3A_1171] : memref<256x128xf32, #tpu.memory_space<vmem>> -> memref<8x128xf32, #tpu.memory_space<vmem>>
      %dma_wait3A_1173 = arith.constant 0 : i32
      %dma_wait3A_1174 = tpu.memref_slice %arg3[%dma_wait3A_1173, %multiple_of3A_391] : memref<8x1000000xf32, #tpu.memory_space<hbm>> -> memref<8x128xf32, #tpu.memory_space<hbm>>
      tpu.wait_dma2 semaphore(%arg11 : memref<!tpu.dma_semaphore, #tpu.memory_space<semaphore_mem>>) src(%dma_wait3A_1174 : memref<8x128xf32, #tpu.memory_space<hbm>>) dst(%dma_wait3A_1172 : memref<8x128xf32, #tpu.memory_space<vmem>>)
      %dma_wait3A_1175 = arith.constant 224 : i32
      %dma_wait3A_1176 = arith.constant 0 : i32
      %dma_wait3A_1177 = tpu.memref_slice %arg7[%dma_wait3A_1175, %dma_wait3A_1176] : memref<256x128xf32, #tpu.memory_space<vmem>> -> memref<8x128xf32, #tpu.memory_space<vmem>>
      %dma_wait3A_1178 = arith.constant 0 : i32
      %dma_wait3A_1179 = tpu.memref_slice %arg3[%dma_wait3A_1178, %multiple_of3A_404] : memref<8x1000000xf32, #tpu.memory_space<hbm>> -> memref<8x128xf32, #tpu.memory_space<hbm>>
      %dma_wait3A_1180 = arith.constant 224 : i32
      %dma_wait3A_1181 = arith.constant 0 : i32
      %dma_wait3A_1182 = tpu.memref_slice %arg7[%dma_wait3A_1180, %dma_wait3A_1181] : memref<256x128xf32, #tpu.memory_space<vmem>> -> memref<8x128xf32, #tpu.memory_space<vmem>>
      %dma_wait3A_1183 = arith.constant 0 : i32
      %dma_wait3A_1184 = tpu.memref_slice %arg3[%dma_wait3A_1183, %multiple_of3A_404] : memref<8x1000000xf32, #tpu.memory_space<hbm>> -> memref<8x128xf32, #tpu.memory_space<hbm>>
      tpu.wait_dma2 semaphore(%arg11 : memref<!tpu.dma_semaphore, #tpu.memory_space<semaphore_mem>>) src(%dma_wait3A_1184 : memref<8x128xf32, #tpu.memory_space<hbm>>) dst(%dma_wait3A_1182 : memref<8x128xf32, #tpu.memory_space<vmem>>)
      %dma_wait3A_1185 = arith.constant 232 : i32
      %dma_wait3A_1186 = arith.constant 0 : i32
      %dma_wait3A_1187 = tpu.memref_slice %arg7[%dma_wait3A_1185, %dma_wait3A_1186] : memref<256x128xf32, #tpu.memory_space<vmem>> -> memref<8x128xf32, #tpu.memory_space<vmem>>
      %dma_wait3A_1188 = arith.constant 0 : i32
      %dma_wait3A_1189 = tpu.memref_slice %arg3[%dma_wait3A_1188, %multiple_of3A_417] : memref<8x1000000xf32, #tpu.memory_space<hbm>> -> memref<8x128xf32, #tpu.memory_space<hbm>>
      %dma_wait3A_1190 = arith.constant 232 : i32
      %dma_wait3A_1191 = arith.constant 0 : i32
      %dma_wait3A_1192 = tpu.memref_slice %arg7[%dma_wait3A_1190, %dma_wait3A_1191] : memref<256x128xf32, #tpu.memory_space<vmem>> -> memref<8x128xf32, #tpu.memory_space<vmem>>
      %dma_wait3A_1193 = arith.constant 0 : i32
      %dma_wait3A_1194 = tpu.memref_slice %arg3[%dma_wait3A_1193, %multiple_of3A_417] : memref<8x1000000xf32, #tpu.memory_space<hbm>> -> memref<8x128xf32, #tpu.memory_space<hbm>>
      tpu.wait_dma2 semaphore(%arg11 : memref<!tpu.dma_semaphore, #tpu.memory_space<semaphore_mem>>) src(%dma_wait3A_1194 : memref<8x128xf32, #tpu.memory_space<hbm>>) dst(%dma_wait3A_1192 : memref<8x128xf32, #tpu.memory_space<vmem>>)
      %dma_wait3A_1195 = arith.constant 240 : i32
      %dma_wait3A_1196 = arith.constant 0 : i32
      %dma_wait3A_1197 = tpu.memref_slice %arg7[%dma_wait3A_1195, %dma_wait3A_1196] : memref<256x128xf32, #tpu.memory_space<vmem>> -> memref<8x128xf32, #tpu.memory_space<vmem>>
      %dma_wait3A_1198 = arith.constant 0 : i32
      %dma_wait3A_1199 = tpu.memref_slice %arg3[%dma_wait3A_1198, %multiple_of3A_430] : memref<8x1000000xf32, #tpu.memory_space<hbm>> -> memref<8x128xf32, #tpu.memory_space<hbm>>
      %dma_wait3A_1200 = arith.constant 240 : i32
      %dma_wait3A_1201 = arith.constant 0 : i32
      %dma_wait3A_1202 = tpu.memref_slice %arg7[%dma_wait3A_1200, %dma_wait3A_1201] : memref<256x128xf32, #tpu.memory_space<vmem>> -> memref<8x128xf32, #tpu.memory_space<vmem>>
      %dma_wait3A_1203 = arith.constant 0 : i32
      %dma_wait3A_1204 = tpu.memref_slice %arg3[%dma_wait3A_1203, %multiple_of3A_430] : memref<8x1000000xf32, #tpu.memory_space<hbm>> -> memref<8x128xf32, #tpu.memory_space<hbm>>
      tpu.wait_dma2 semaphore(%arg11 : memref<!tpu.dma_semaphore, #tpu.memory_space<semaphore_mem>>) src(%dma_wait3A_1204 : memref<8x128xf32, #tpu.memory_space<hbm>>) dst(%dma_wait3A_1202 : memref<8x128xf32, #tpu.memory_space<vmem>>)
      %dma_wait3A_1205 = arith.constant 248 : i32
      %dma_wait3A_1206 = arith.constant 0 : i32
      %dma_wait3A_1207 = tpu.memref_slice %arg7[%dma_wait3A_1205, %dma_wait3A_1206] : memref<256x128xf32, #tpu.memory_space<vmem>> -> memref<8x128xf32, #tpu.memory_space<vmem>>
      %dma_wait3A_1208 = arith.constant 0 : i32
      %dma_wait3A_1209 = tpu.memref_slice %arg3[%dma_wait3A_1208, %multiple_of3A_443] : memref<8x1000000xf32, #tpu.memory_space<hbm>> -> memref<8x128xf32, #tpu.memory_space<hbm>>
      %dma_wait3A_1210 = arith.constant 248 : i32
      %dma_wait3A_1211 = arith.constant 0 : i32
      %dma_wait3A_1212 = tpu.memref_slice %arg7[%dma_wait3A_1210, %dma_wait3A_1211] : memref<256x128xf32, #tpu.memory_space<vmem>> -> memref<8x128xf32, #tpu.memory_space<vmem>>
      %dma_wait3A_1213 = arith.constant 0 : i32
      %dma_wait3A_1214 = tpu.memref_slice %arg3[%dma_wait3A_1213, %multiple_of3A_443] : memref<8x1000000xf32, #tpu.memory_space<hbm>> -> memref<8x128xf32, #tpu.memory_space<hbm>>
      tpu.wait_dma2 semaphore(%arg11 : memref<!tpu.dma_semaphore, #tpu.memory_space<semaphore_mem>>) src(%dma_wait3A_1214 : memref<8x128xf32, #tpu.memory_space<hbm>>) dst(%dma_wait3A_1212 : memref<8x128xf32, #tpu.memory_space<vmem>>)
      %mul3A_1215 = arith.constant 32 : i32
      %mul3A_1216 = arith.muli %mul3A_13, %mul3A_1215 : i32
      %add3A_1217 = arith.constant 0 : i32
      %add3A_1218 = arith.addi %mul3A_1216, %add3A_1217 : i32
      %get3A_1219 = arith.constant 0 : i32
      %get3A_1220 = arith.index_cast %get3A_1219 : i32 to index
      %get3A_1221 = arith.index_cast %add3A_1218 : i32 to index
      %get3A_1222 = tpu.vector_load %arg6[%get3A_1220, %get3A_1221] {strides = array<i32>} : memref<1x512xi32, #tpu.memory_space<vmem>>, vector<16xi32>,
      %and3A = arith.constant 127 : i32
      %and3A_1223 = vector.broadcast %and3A : i32 to vector<16xi32>
      %and3A_1224 = arith.andi %get3A_1222, %and3A_1223 : vector<16xi32>
      %add3A_1225 = arith.constant 0 : i32
      %add3A_1226 = vector.broadcast %add3A_1225 : i32 to vector<16xi32>
      %add3A_1227 = arith.addi %add3A_1226, %iota3A : vector<16xi32>
      %mul3A_1228 = arith.constant 8 : i32
      %mul3A_1229 = vector.broadcast %mul3A_1228 : i32 to vector<16xi32>
      %mul3A_1230 = arith.muli %add3A_1227, %mul3A_1229 : vector<16xi32>
      %add3A_1231 = arith.constant 0 : i32
      %add3A_1232 = vector.broadcast %add3A_1231 : i32 to vector<16xi32>
      %add3A_1233 = arith.addi %mul3A_1230, %add3A_1232 : vector<16xi32>
      %gather3A = tpu.vector_load_idx %arg7[%add3A_1233, %and3A_1224] : memref<256x128xf32, #tpu.memory_space<vmem>>[vector<16xi32>, vector<16xi32>], vector<16xf32>,
      %slice3A_1234 = vector.extract_strided_slice %get3A_1 {offsets = [0], sizes = [1], strides = [1]} : vector<16xf32> to vector<1xf32>
      %squeeze3A_1235 = vector.extract %slice3A_1234[0] : f32 from vector<1xf32>
      %broadcast_in_dim3A = vector.broadcast %squeeze3A_1235 : f32 to vector<16xf32>
      %mul3A_1236 = arith.mulf %gather3A, %broadcast_in_dim3A : vector<16xf32>
      %add3A_1237 = arith.constant 0 : i32
      %add3A_1238 = arith.addi %mul3A_1216, %add3A_1237 : i32
      %swap3A = arith.constant 0 : i32
      %swap3A_1239 = arith.index_cast %swap3A : i32 to index
      %swap3A_1240 = arith.index_cast %add3A_1238 : i32 to index
      %swap3A_1241 = tpu.vector_load %arg9[%swap3A_1239, %swap3A_1240] {strides = array<i32>} : memref<8x512xf32, #tpu.memory_space<vmem>>, vector<16xf32>,
      tpu.vector_store %arg9[%swap3A_1239, %swap3A_1240], %mul3A_1236 {strides = array<i32>} : memref<8x512xf32, #tpu.memory_space<vmem>>, vector<16xf32>,
      %add3A_1242 = arith.constant 1 : i32
      %add3A_1243 = vector.broadcast %add3A_1242 : i32 to vector<16xi32>
      %add3A_1244 = arith.addi %mul3A_1230, %add3A_1243 : vector<16xi32>
      %gather3A_1245 = tpu.vector_load_idx %arg7[%add3A_1244, %and3A_1224] : memref<256x128xf32, #tpu.memory_space<vmem>>[vector<16xi32>, vector<16xi32>], vector<16xf32>,
      %slice3A_1246 = vector.extract_strided_slice %get3A_1 {offsets = [1], sizes = [1], strides = [1]} : vector<16xf32> to vector<1xf32>
      %squeeze3A_1247 = vector.extract %slice3A_1246[0] : f32 from vector<1xf32>
      %broadcast_in_dim3A_1248 = vector.broadcast %squeeze3A_1247 : f32 to vector<16xf32>
      %mul3A_1249 = arith.mulf %gather3A_1245, %broadcast_in_dim3A_1248 : vector<16xf32>
      %add3A_1250 = arith.constant 0 : i32
      %add3A_1251 = arith.addi %mul3A_1216, %add3A_1250 : i32
      %swap3A_1252 = arith.constant 1 : i32
      %swap3A_1253 = arith.index_cast %swap3A_1252 : i32 to index
      %swap3A_1254 = arith.index_cast %add3A_1251 : i32 to index
      %swap3A_1255 = tpu.vector_load %arg9[%swap3A_1253, %swap3A_1254] {strides = array<i32>} : memref<8x512xf32, #tpu.memory_space<vmem>>, vector<16xf32>,
      tpu.vector_store %arg9[%swap3A_1253, %swap3A_1254], %mul3A_1249 {strides = array<i32>} : memref<8x512xf32, #tpu.memory_space<vmem>>, vector<16xf32>,
      %add3A_1256 = arith.constant 2 : i32
      %add3A_1257 = vector.broadcast %add3A_1256 : i32 to vector<16xi32>
      %add3A_1258 = arith.addi %mul3A_1230, %add3A_1257 : vector<16xi32>
      %gather3A_1259 = tpu.vector_load_idx %arg7[%add3A_1258, %and3A_1224] : memref<256x128xf32, #tpu.memory_space<vmem>>[vector<16xi32>, vector<16xi32>], vector<16xf32>,
      %slice3A_1260 = vector.extract_strided_slice %get3A_1 {offsets = [2], sizes = [1], strides = [1]} : vector<16xf32> to vector<1xf32>
      %squeeze3A_1261 = vector.extract %slice3A_1260[0] : f32 from vector<1xf32>
      %broadcast_in_dim3A_1262 = vector.broadcast %squeeze3A_1261 : f32 to vector<16xf32>
      %mul3A_1263 = arith.mulf %gather3A_1259, %broadcast_in_dim3A_1262 : vector<16xf32>
      %add3A_1264 = arith.constant 0 : i32
      %add3A_1265 = arith.addi %mul3A_1216, %add3A_1264 : i32
      %swap3A_1266 = arith.constant 2 : i32
      %swap3A_1267 = arith.index_cast %swap3A_1266 : i32 to index
      %swap3A_1268 = arith.index_cast %add3A_1265 : i32 to index
      %swap3A_1269 = tpu.vector_load %arg9[%swap3A_1267, %swap3A_1268] {strides = array<i32>} : memref<8x512xf32, #tpu.memory_space<vmem>>, vector<16xf32>,
      tpu.vector_store %arg9[%swap3A_1267, %swap3A_1268], %mul3A_1263 {strides = array<i32>} : memref<8x512xf32, #tpu.memory_space<vmem>>, vector<16xf32>,
      %add3A_1270 = arith.constant 3 : i32
      %add3A_1271 = vector.broadcast %add3A_1270 : i32 to vector<16xi32>
      %add3A_1272 = arith.addi %mul3A_1230, %add3A_1271 : vector<16xi32>
      %gather3A_1273 = tpu.vector_load_idx %arg7[%add3A_1272, %and3A_1224] : memref<256x128xf32, #tpu.memory_space<vmem>>[vector<16xi32>, vector<16xi32>], vector<16xf32>,
      %slice3A_1274 = vector.extract_strided_slice %get3A_1 {offsets = [3], sizes = [1], strides = [1]} : vector<16xf32> to vector<1xf32>
      %squeeze3A_1275 = vector.extract %slice3A_1274[0] : f32 from vector<1xf32>
      %broadcast_in_dim3A_1276 = vector.broadcast %squeeze3A_1275 : f32 to vector<16xf32>
      %mul3A_1277 = arith.mulf %gather3A_1273, %broadcast_in_dim3A_1276 : vector<16xf32>
      %add3A_1278 = arith.constant 0 : i32
      %add3A_1279 = arith.addi %mul3A_1216, %add3A_1278 : i32
      %swap3A_1280 = arith.constant 3 : i32
      %swap3A_1281 = arith.index_cast %swap3A_1280 : i32 to index
      %swap3A_1282 = arith.index_cast %add3A_1279 : i32 to index
      %swap3A_1283 = tpu.vector_load %arg9[%swap3A_1281, %swap3A_1282] {strides = array<i32>} : memref<8x512xf32, #tpu.memory_space<vmem>>, vector<16xf32>,
      tpu.vector_store %arg9[%swap3A_1281, %swap3A_1282], %mul3A_1277 {strides = array<i32>} : memref<8x512xf32, #tpu.memory_space<vmem>>, vector<16xf32>,
      %add3A_1284 = arith.constant 4 : i32
      %add3A_1285 = vector.broadcast %add3A_1284 : i32 to vector<16xi32>
      %add3A_1286 = arith.addi %mul3A_1230, %add3A_1285 : vector<16xi32>
      %gather3A_1287 = tpu.vector_load_idx %arg7[%add3A_1286, %and3A_1224] : memref<256x128xf32, #tpu.memory_space<vmem>>[vector<16xi32>, vector<16xi32>], vector<16xf32>,
      %slice3A_1288 = vector.extract_strided_slice %get3A_1 {offsets = [4], sizes = [1], strides = [1]} : vector<16xf32> to vector<1xf32>
      %squeeze3A_1289 = vector.extract %slice3A_1288[0] : f32 from vector<1xf32>
      %broadcast_in_dim3A_1290 = vector.broadcast %squeeze3A_1289 : f32 to vector<16xf32>
      %mul3A_1291 = arith.mulf %gather3A_1287, %broadcast_in_dim3A_1290 : vector<16xf32>
      %add3A_1292 = arith.constant 0 : i32
      %add3A_1293 = arith.addi %mul3A_1216, %add3A_1292 : i32
      %swap3A_1294 = arith.constant 4 : i32
      %swap3A_1295 = arith.index_cast %swap3A_1294 : i32 to index
      %swap3A_1296 = arith.index_cast %add3A_1293 : i32 to index
      %swap3A_1297 = tpu.vector_load %arg9[%swap3A_1295, %swap3A_1296] {strides = array<i32>} : memref<8x512xf32, #tpu.memory_space<vmem>>, vector<16xf32>,
      tpu.vector_store %arg9[%swap3A_1295, %swap3A_1296], %mul3A_1291 {strides = array<i32>} : memref<8x512xf32, #tpu.memory_space<vmem>>, vector<16xf32>,
      %add3A_1298 = arith.constant 5 : i32
      %add3A_1299 = vector.broadcast %add3A_1298 : i32 to vector<16xi32>
      %add3A_1300 = arith.addi %mul3A_1230, %add3A_1299 : vector<16xi32>
      %gather3A_1301 = tpu.vector_load_idx %arg7[%add3A_1300, %and3A_1224] : memref<256x128xf32, #tpu.memory_space<vmem>>[vector<16xi32>, vector<16xi32>], vector<16xf32>,
      %slice3A_1302 = vector.extract_strided_slice %get3A_1 {offsets = [5], sizes = [1], strides = [1]} : vector<16xf32> to vector<1xf32>
      %squeeze3A_1303 = vector.extract %slice3A_1302[0] : f32 from vector<1xf32>
      %broadcast_in_dim3A_1304 = vector.broadcast %squeeze3A_1303 : f32 to vector<16xf32>
      %mul3A_1305 = arith.mulf %gather3A_1301, %broadcast_in_dim3A_1304 : vector<16xf32>
      %add3A_1306 = arith.constant 0 : i32
      %add3A_1307 = arith.addi %mul3A_1216, %add3A_1306 : i32
      %swap3A_1308 = arith.constant 5 : i32
      %swap3A_1309 = arith.index_cast %swap3A_1308 : i32 to index
      %swap3A_1310 = arith.index_cast %add3A_1307 : i32 to index
      %swap3A_1311 = tpu.vector_load %arg9[%swap3A_1309, %swap3A_1310] {strides = array<i32>} : memref<8x512xf32, #tpu.memory_space<vmem>>, vector<16xf32>,
      tpu.vector_store %arg9[%swap3A_1309, %swap3A_1310], %mul3A_1305 {strides = array<i32>} : memref<8x512xf32, #tpu.memory_space<vmem>>, vector<16xf32>,
      %add3A_1312 = arith.constant 6 : i32
      %add3A_1313 = vector.broadcast %add3A_1312 : i32 to vector<16xi32>
      %add3A_1314 = arith.addi %mul3A_1230, %add3A_1313 : vector<16xi32>
      %gather3A_1315 = tpu.vector_load_idx %arg7[%add3A_1314, %and3A_1224] : memref<256x128xf32, #tpu.memory_space<vmem>>[vector<16xi32>, vector<16xi32>], vector<16xf32>,
      %slice3A_1316 = vector.extract_strided_slice %get3A_1 {offsets = [6], sizes = [1], strides = [1]} : vector<16xf32> to vector<1xf32>
      %squeeze3A_1317 = vector.extract %slice3A_1316[0] : f32 from vector<1xf32>
      %broadcast_in_dim3A_1318 = vector.broadcast %squeeze3A_1317 : f32 to vector<16xf32>
      %mul3A_1319 = arith.mulf %gather3A_1315, %broadcast_in_dim3A_1318 : vector<16xf32>
      %add3A_1320 = arith.constant 0 : i32
      %add3A_1321 = arith.addi %mul3A_1216, %add3A_1320 : i32
      %swap3A_1322 = arith.constant 6 : i32
      %swap3A_1323 = arith.index_cast %swap3A_1322 : i32 to index
      %swap3A_1324 = arith.index_cast %add3A_1321 : i32 to index
      %swap3A_1325 = tpu.vector_load %arg9[%swap3A_1323, %swap3A_1324] {strides = array<i32>} : memref<8x512xf32, #tpu.memory_space<vmem>>, vector<16xf32>,
      tpu.vector_store %arg9[%swap3A_1323, %swap3A_1324], %mul3A_1319 {strides = array<i32>} : memref<8x512xf32, #tpu.memory_space<vmem>>, vector<16xf32>,
      %add3A_1326 = arith.constant 7 : i32
      %add3A_1327 = vector.broadcast %add3A_1326 : i32 to vector<16xi32>
      %add3A_1328 = arith.addi %mul3A_1230, %add3A_1327 : vector<16xi32>
      %gather3A_1329 = tpu.vector_load_idx %arg7[%add3A_1328, %and3A_1224] : memref<256x128xf32, #tpu.memory_space<vmem>>[vector<16xi32>, vector<16xi32>], vector<16xf32>,
      %slice3A_1330 = vector.extract_strided_slice %get3A_1 {offsets = [7], sizes = [1], strides = [1]} : vector<16xf32> to vector<1xf32>
      %squeeze3A_1331 = vector.extract %slice3A_1330[0] : f32 from vector<1xf32>
      %broadcast_in_dim3A_1332 = vector.broadcast %squeeze3A_1331 : f32 to vector<16xf32>
      %mul3A_1333 = arith.mulf %gather3A_1329, %broadcast_in_dim3A_1332 : vector<16xf32>
      %add3A_1334 = arith.constant 0 : i32
      %add3A_1335 = arith.addi %mul3A_1216, %add3A_1334 : i32
      %swap3A_1336 = arith.constant 7 : i32
      %swap3A_1337 = arith.index_cast %swap3A_1336 : i32 to index
      %swap3A_1338 = arith.index_cast %add3A_1335 : i32 to index
      %swap3A_1339 = tpu.vector_load %arg9[%swap3A_1337, %swap3A_1338] {strides = array<i32>} : memref<8x512xf32, #tpu.memory_space<vmem>>, vector<16xf32>,
      tpu.vector_store %arg9[%swap3A_1337, %swap3A_1338], %mul3A_1333 {strides = array<i32>} : memref<8x512xf32, #tpu.memory_space<vmem>>, vector<16xf32>,
      %add3A_1340 = arith.constant 16 : i32
      %add3A_1341 = arith.addi %mul3A_1216, %add3A_1340 : i32
      %get3A_1342 = arith.constant 0 : i32
      %get3A_1343 = arith.index_cast %get3A_1342 : i32 to index
      %get3A_1344 = arith.index_cast %add3A_1341 : i32 to index
      %get3A_1345 = tpu.vector_load %arg6[%get3A_1343, %get3A_1344] {strides = array<i32>} : memref<1x512xi32, #tpu.memory_space<vmem>>, vector<16xi32>,
      %and3A_1346 = arith.constant 127 : i32
      %and3A_1347 = vector.broadcast %and3A_1346 : i32 to vector<16xi32>
      %and3A_1348 = arith.andi %get3A_1345, %and3A_1347 : vector<16xi32>
      %add3A_1349 = arith.constant 16 : i32
      %add3A_1350 = vector.broadcast %add3A_1349 : i32 to vector<16xi32>
      %add3A_1351 = arith.addi %add3A_1350, %iota3A : vector<16xi32>
      %mul3A_1352 = arith.constant 8 : i32
      %mul3A_1353 = vector.broadcast %mul3A_1352 : i32 to vector<16xi32>
      %mul3A_1354 = arith.muli %add3A_1351, %mul3A_1353 : vector<16xi32>
      %add3A_1355 = arith.constant 0 : i32
      %add3A_1356 = vector.broadcast %add3A_1355 : i32 to vector<16xi32>
      %add3A_1357 = arith.addi %mul3A_1354, %add3A_1356 : vector<16xi32>
      %gather3A_1358 = tpu.vector_load_idx %arg7[%add3A_1357, %and3A_1348] : memref<256x128xf32, #tpu.memory_space<vmem>>[vector<16xi32>, vector<16xi32>], vector<16xf32>,
      %slice3A_1359 = vector.extract_strided_slice %get3A_1 {offsets = [0], sizes = [1], strides = [1]} : vector<16xf32> to vector<1xf32>
      %squeeze3A_1360 = vector.extract %slice3A_1359[0] : f32 from vector<1xf32>
      %broadcast_in_dim3A_1361 = vector.broadcast %squeeze3A_1360 : f32 to vector<16xf32>
      %mul3A_1362 = arith.mulf %gather3A_1358, %broadcast_in_dim3A_1361 : vector<16xf32>
      %add3A_1363 = arith.constant 16 : i32
      %add3A_1364 = arith.addi %mul3A_1216, %add3A_1363 : i32
      %swap3A_1365 = arith.constant 0 : i32
      %swap3A_1366 = arith.index_cast %swap3A_1365 : i32 to index
      %swap3A_1367 = arith.index_cast %add3A_1364 : i32 to index
      %swap3A_1368 = tpu.vector_load %arg9[%swap3A_1366, %swap3A_1367] {strides = array<i32>} : memref<8x512xf32, #tpu.memory_space<vmem>>, vector<16xf32>,
      tpu.vector_store %arg9[%swap3A_1366, %swap3A_1367], %mul3A_1362 {strides = array<i32>} : memref<8x512xf32, #tpu.memory_space<vmem>>, vector<16xf32>,
      %add3A_1369 = arith.constant 1 : i32
      %add3A_1370 = vector.broadcast %add3A_1369 : i32 to vector<16xi32>
      %add3A_1371 = arith.addi %mul3A_1354, %add3A_1370 : vector<16xi32>
      %gather3A_1372 = tpu.vector_load_idx %arg7[%add3A_1371, %and3A_1348] : memref<256x128xf32, #tpu.memory_space<vmem>>[vector<16xi32>, vector<16xi32>], vector<16xf32>,
      %slice3A_1373 = vector.extract_strided_slice %get3A_1 {offsets = [1], sizes = [1], strides = [1]} : vector<16xf32> to vector<1xf32>
      %squeeze3A_1374 = vector.extract %slice3A_1373[0] : f32 from vector<1xf32>
      %broadcast_in_dim3A_1375 = vector.broadcast %squeeze3A_1374 : f32 to vector<16xf32>
      %mul3A_1376 = arith.mulf %gather3A_1372, %broadcast_in_dim3A_1375 : vector<16xf32>
      %add3A_1377 = arith.constant 16 : i32
      %add3A_1378 = arith.addi %mul3A_1216, %add3A_1377 : i32
      %swap3A_1379 = arith.constant 1 : i32
      %swap3A_1380 = arith.index_cast %swap3A_1379 : i32 to index
      %swap3A_1381 = arith.index_cast %add3A_1378 : i32 to index
      %swap3A_1382 = tpu.vector_load %arg9[%swap3A_1380, %swap3A_1381] {strides = array<i32>} : memref<8x512xf32, #tpu.memory_space<vmem>>, vector<16xf32>,
      tpu.vector_store %arg9[%swap3A_1380, %swap3A_1381], %mul3A_1376 {strides = array<i32>} : memref<8x512xf32, #tpu.memory_space<vmem>>, vector<16xf32>,
      %add3A_1383 = arith.constant 2 : i32
      %add3A_1384 = vector.broadcast %add3A_1383 : i32 to vector<16xi32>
      %add3A_1385 = arith.addi %mul3A_1354, %add3A_1384 : vector<16xi32>
      %gather3A_1386 = tpu.vector_load_idx %arg7[%add3A_1385, %and3A_1348] : memref<256x128xf32, #tpu.memory_space<vmem>>[vector<16xi32>, vector<16xi32>], vector<16xf32>,
      %slice3A_1387 = vector.extract_strided_slice %get3A_1 {offsets = [2], sizes = [1], strides = [1]} : vector<16xf32> to vector<1xf32>
      %squeeze3A_1388 = vector.extract %slice3A_1387[0] : f32 from vector<1xf32>
      %broadcast_in_dim3A_1389 = vector.broadcast %squeeze3A_1388 : f32 to vector<16xf32>
      %mul3A_1390 = arith.mulf %gather3A_1386, %broadcast_in_dim3A_1389 : vector<16xf32>
      %add3A_1391 = arith.constant 16 : i32
      %add3A_1392 = arith.addi %mul3A_1216, %add3A_1391 : i32
      %swap3A_1393 = arith.constant 2 : i32
      %swap3A_1394 = arith.index_cast %swap3A_1393 : i32 to index
      %swap3A_1395 = arith.index_cast %add3A_1392 : i32 to index
      %swap3A_1396 = tpu.vector_load %arg9[%swap3A_1394, %swap3A_1395] {strides = array<i32>} : memref<8x512xf32, #tpu.memory_space<vmem>>, vector<16xf32>,
      tpu.vector_store %arg9[%swap3A_1394, %swap3A_1395], %mul3A_1390 {strides = array<i32>} : memref<8x512xf32, #tpu.memory_space<vmem>>, vector<16xf32>,
      %add3A_1397 = arith.constant 3 : i32
      %add3A_1398 = vector.broadcast %add3A_1397 : i32 to vector<16xi32>
      %add3A_1399 = arith.addi %mul3A_1354, %add3A_1398 : vector<16xi32>
      %gather3A_1400 = tpu.vector_load_idx %arg7[%add3A_1399, %and3A_1348] : memref<256x128xf32, #tpu.memory_space<vmem>>[vector<16xi32>, vector<16xi32>], vector<16xf32>,
      %slice3A_1401 = vector.extract_strided_slice %get3A_1 {offsets = [3], sizes = [1], strides = [1]} : vector<16xf32> to vector<1xf32>
      %squeeze3A_1402 = vector.extract %slice3A_1401[0] : f32 from vector<1xf32>
      %broadcast_in_dim3A_1403 = vector.broadcast %squeeze3A_1402 : f32 to vector<16xf32>
      %mul3A_1404 = arith.mulf %gather3A_1400, %broadcast_in_dim3A_1403 : vector<16xf32>
      %add3A_1405 = arith.constant 16 : i32
      %add3A_1406 = arith.addi %mul3A_1216, %add3A_1405 : i32
      %swap3A_1407 = arith.constant 3 : i32
      %swap3A_1408 = arith.index_cast %swap3A_1407 : i32 to index
      %swap3A_1409 = arith.index_cast %add3A_1406 : i32 to index
      %swap3A_1410 = tpu.vector_load %arg9[%swap3A_1408, %swap3A_1409] {strides = array<i32>} : memref<8x512xf32, #tpu.memory_space<vmem>>, vector<16xf32>,
      tpu.vector_store %arg9[%swap3A_1408, %swap3A_1409], %mul3A_1404 {strides = array<i32>} : memref<8x512xf32, #tpu.memory_space<vmem>>, vector<16xf32>,
      %add3A_1411 = arith.constant 4 : i32
      %add3A_1412 = vector.broadcast %add3A_1411 : i32 to vector<16xi32>
      %add3A_1413 = arith.addi %mul3A_1354, %add3A_1412 : vector<16xi32>
      %gather3A_1414 = tpu.vector_load_idx %arg7[%add3A_1413, %and3A_1348] : memref<256x128xf32, #tpu.memory_space<vmem>>[vector<16xi32>, vector<16xi32>], vector<16xf32>,
      %slice3A_1415 = vector.extract_strided_slice %get3A_1 {offsets = [4], sizes = [1], strides = [1]} : vector<16xf32> to vector<1xf32>
      %squeeze3A_1416 = vector.extract %slice3A_1415[0] : f32 from vector<1xf32>
      %broadcast_in_dim3A_1417 = vector.broadcast %squeeze3A_1416 : f32 to vector<16xf32>
      %mul3A_1418 = arith.mulf %gather3A_1414, %broadcast_in_dim3A_1417 : vector<16xf32>
      %add3A_1419 = arith.constant 16 : i32
      %add3A_1420 = arith.addi %mul3A_1216, %add3A_1419 : i32
      %swap3A_1421 = arith.constant 4 : i32
      %swap3A_1422 = arith.index_cast %swap3A_1421 : i32 to index
      %swap3A_1423 = arith.index_cast %add3A_1420 : i32 to index
      %swap3A_1424 = tpu.vector_load %arg9[%swap3A_1422, %swap3A_1423] {strides = array<i32>} : memref<8x512xf32, #tpu.memory_space<vmem>>, vector<16xf32>,
      tpu.vector_store %arg9[%swap3A_1422, %swap3A_1423], %mul3A_1418 {strides = array<i32>} : memref<8x512xf32, #tpu.memory_space<vmem>>, vector<16xf32>,
      %add3A_1425 = arith.constant 5 : i32
      %add3A_1426 = vector.broadcast %add3A_1425 : i32 to vector<16xi32>
      %add3A_1427 = arith.addi %mul3A_1354, %add3A_1426 : vector<16xi32>
      %gather3A_1428 = tpu.vector_load_idx %arg7[%add3A_1427, %and3A_1348] : memref<256x128xf32, #tpu.memory_space<vmem>>[vector<16xi32>, vector<16xi32>], vector<16xf32>,
      %slice3A_1429 = vector.extract_strided_slice %get3A_1 {offsets = [5], sizes = [1], strides = [1]} : vector<16xf32> to vector<1xf32>
      %squeeze3A_1430 = vector.extract %slice3A_1429[0] : f32 from vector<1xf32>
      %broadcast_in_dim3A_1431 = vector.broadcast %squeeze3A_1430 : f32 to vector<16xf32>
      %mul3A_1432 = arith.mulf %gather3A_1428, %broadcast_in_dim3A_1431 : vector<16xf32>
      %add3A_1433 = arith.constant 16 : i32
      %add3A_1434 = arith.addi %mul3A_1216, %add3A_1433 : i32
      %swap3A_1435 = arith.constant 5 : i32
      %swap3A_1436 = arith.index_cast %swap3A_1435 : i32 to index
      %swap3A_1437 = arith.index_cast %add3A_1434 : i32 to index
      %swap3A_1438 = tpu.vector_load %arg9[%swap3A_1436, %swap3A_1437] {strides = array<i32>} : memref<8x512xf32, #tpu.memory_space<vmem>>, vector<16xf32>,
      tpu.vector_store %arg9[%swap3A_1436, %swap3A_1437], %mul3A_1432 {strides = array<i32>} : memref<8x512xf32, #tpu.memory_space<vmem>>, vector<16xf32>,
      %add3A_1439 = arith.constant 6 : i32
      %add3A_1440 = vector.broadcast %add3A_1439 : i32 to vector<16xi32>
      %add3A_1441 = arith.addi %mul3A_1354, %add3A_1440 : vector<16xi32>
      %gather3A_1442 = tpu.vector_load_idx %arg7[%add3A_1441, %and3A_1348] : memref<256x128xf32, #tpu.memory_space<vmem>>[vector<16xi32>, vector<16xi32>], vector<16xf32>,
      %slice3A_1443 = vector.extract_strided_slice %get3A_1 {offsets = [6], sizes = [1], strides = [1]} : vector<16xf32> to vector<1xf32>
      %squeeze3A_1444 = vector.extract %slice3A_1443[0] : f32 from vector<1xf32>
      %broadcast_in_dim3A_1445 = vector.broadcast %squeeze3A_1444 : f32 to vector<16xf32>
      %mul3A_1446 = arith.mulf %gather3A_1442, %broadcast_in_dim3A_1445 : vector<16xf32>
      %add3A_1447 = arith.constant 16 : i32
      %add3A_1448 = arith.addi %mul3A_1216, %add3A_1447 : i32
      %swap3A_1449 = arith.constant 6 : i32
      %swap3A_1450 = arith.index_cast %swap3A_1449 : i32 to index
      %swap3A_1451 = arith.index_cast %add3A_1448 : i32 to index
      %swap3A_1452 = tpu.vector_load %arg9[%swap3A_1450, %swap3A_1451] {strides = array<i32>} : memref<8x512xf32, #tpu.memory_space<vmem>>, vector<16xf32>,
      tpu.vector_store %arg9[%swap3A_1450, %swap3A_1451], %mul3A_1446 {strides = array<i32>} : memref<8x512xf32, #tpu.memory_space<vmem>>, vector<16xf32>,
      %add3A_1453 = arith.constant 7 : i32
      %add3A_1454 = vector.broadcast %add3A_1453 : i32 to vector<16xi32>
      %add3A_1455 = arith.addi %mul3A_1354, %add3A_1454 : vector<16xi32>
      %gather3A_1456 = tpu.vector_load_idx %arg7[%add3A_1455, %and3A_1348] : memref<256x128xf32, #tpu.memory_space<vmem>>[vector<16xi32>, vector<16xi32>], vector<16xf32>,
      %slice3A_1457 = vector.extract_strided_slice %get3A_1 {offsets = [7], sizes = [1], strides = [1]} : vector<16xf32> to vector<1xf32>
      %squeeze3A_1458 = vector.extract %slice3A_1457[0] : f32 from vector<1xf32>
      %broadcast_in_dim3A_1459 = vector.broadcast %squeeze3A_1458 : f32 to vector<16xf32>
      %mul3A_1460 = arith.mulf %gather3A_1456, %broadcast_in_dim3A_1459 : vector<16xf32>
      %add3A_1461 = arith.constant 16 : i32
      %add3A_1462 = arith.addi %mul3A_1216, %add3A_1461 : i32
      %swap3A_1463 = arith.constant 7 : i32
      %swap3A_1464 = arith.index_cast %swap3A_1463 : i32 to index
      %swap3A_1465 = arith.index_cast %add3A_1462 : i32 to index
      %swap3A_1466 = tpu.vector_load %arg9[%swap3A_1464, %swap3A_1465] {strides = array<i32>} : memref<8x512xf32, #tpu.memory_space<vmem>>, vector<16xf32>,
      tpu.vector_store %arg9[%swap3A_1464, %swap3A_1465], %mul3A_1460 {strides = array<i32>} : memref<8x512xf32, #tpu.memory_space<vmem>>, vector<16xf32>,
      %dma_wait3A_1467 = arith.constant 0 : i32
      %dma_wait3A_1468 = arith.constant 0 : i32
      %dma_wait3A_1469 = tpu.memref_slice %arg8[%dma_wait3A_1467, %dma_wait3A_1468] : memref<256x128xf32, #tpu.memory_space<vmem>> -> memref<8x128xf32, #tpu.memory_space<vmem>>
      %dma_wait3A_1470 = arith.constant 0 : i32
      %dma_wait3A_1471 = tpu.memref_slice %arg3[%dma_wait3A_1470, %multiple_of3A_470] : memref<8x1000000xf32, #tpu.memory_space<hbm>> -> memref<8x128xf32, #tpu.memory_space<hbm>>
      %dma_wait3A_1472 = arith.constant 0 : i32
      %dma_wait3A_1473 = arith.constant 0 : i32
      %dma_wait3A_1474 = tpu.memref_slice %arg8[%dma_wait3A_1472, %dma_wait3A_1473] : memref<256x128xf32, #tpu.memory_space<vmem>> -> memref<8x128xf32, #tpu.memory_space<vmem>>
      %dma_wait3A_1475 = arith.constant 0 : i32
      %dma_wait3A_1476 = tpu.memref_slice %arg3[%dma_wait3A_1475, %multiple_of3A_470] : memref<8x1000000xf32, #tpu.memory_space<hbm>> -> memref<8x128xf32, #tpu.memory_space<hbm>>
      tpu.wait_dma2 semaphore(%arg12 : memref<!tpu.dma_semaphore, #tpu.memory_space<semaphore_mem>>) src(%dma_wait3A_1476 : memref<8x128xf32, #tpu.memory_space<hbm>>) dst(%dma_wait3A_1474 : memref<8x128xf32, #tpu.memory_space<vmem>>)
      %dma_wait3A_1477 = arith.constant 8 : i32
      %dma_wait3A_1478 = arith.constant 0 : i32
      %dma_wait3A_1479 = tpu.memref_slice %arg8[%dma_wait3A_1477, %dma_wait3A_1478] : memref<256x128xf32, #tpu.memory_space<vmem>> -> memref<8x128xf32, #tpu.memory_space<vmem>>
      %dma_wait3A_1480 = arith.constant 0 : i32
      %dma_wait3A_1481 = tpu.memref_slice %arg3[%dma_wait3A_1480, %multiple_of3A_483] : memref<8x1000000xf32, #tpu.memory_space<hbm>> -> memref<8x128xf32, #tpu.memory_space<hbm>>
      %dma_wait3A_1482 = arith.constant 8 : i32
      %dma_wait3A_1483 = arith.constant 0 : i32
      %dma_wait3A_1484 = tpu.memref_slice %arg8[%dma_wait3A_1482, %dma_wait3A_1483] : memref<256x128xf32, #tpu.memory_space<vmem>> -> memref<8x128xf32, #tpu.memory_space<vmem>>
      %dma_wait3A_1485 = arith.constant 0 : i32
      %dma_wait3A_1486 = tpu.memref_slice %arg3[%dma_wait3A_1485, %multiple_of3A_483] : memref<8x1000000xf32, #tpu.memory_space<hbm>> -> memref<8x128xf32, #tpu.memory_space<hbm>>
      tpu.wait_dma2 semaphore(%arg12 : memref<!tpu.dma_semaphore, #tpu.memory_space<semaphore_mem>>) src(%dma_wait3A_1486 : memref<8x128xf32, #tpu.memory_space<hbm>>) dst(%dma_wait3A_1484 : memref<8x128xf32, #tpu.memory_space<vmem>>)
      %dma_wait3A_1487 = arith.constant 16 : i32
      %dma_wait3A_1488 = arith.constant 0 : i32
      %dma_wait3A_1489 = tpu.memref_slice %arg8[%dma_wait3A_1487, %dma_wait3A_1488] : memref<256x128xf32, #tpu.memory_space<vmem>> -> memref<8x128xf32, #tpu.memory_space<vmem>>
      %dma_wait3A_1490 = arith.constant 0 : i32
      %dma_wait3A_1491 = tpu.memref_slice %arg3[%dma_wait3A_1490, %multiple_of3A_496] : memref<8x1000000xf32, #tpu.memory_space<hbm>> -> memref<8x128xf32, #tpu.memory_space<hbm>>
      %dma_wait3A_1492 = arith.constant 16 : i32
      %dma_wait3A_1493 = arith.constant 0 : i32
      %dma_wait3A_1494 = tpu.memref_slice %arg8[%dma_wait3A_1492, %dma_wait3A_1493] : memref<256x128xf32, #tpu.memory_space<vmem>> -> memref<8x128xf32, #tpu.memory_space<vmem>>
      %dma_wait3A_1495 = arith.constant 0 : i32
      %dma_wait3A_1496 = tpu.memref_slice %arg3[%dma_wait3A_1495, %multiple_of3A_496] : memref<8x1000000xf32, #tpu.memory_space<hbm>> -> memref<8x128xf32, #tpu.memory_space<hbm>>
      tpu.wait_dma2 semaphore(%arg12 : memref<!tpu.dma_semaphore, #tpu.memory_space<semaphore_mem>>) src(%dma_wait3A_1496 : memref<8x128xf32, #tpu.memory_space<hbm>>) dst(%dma_wait3A_1494 : memref<8x128xf32, #tpu.memory_space<vmem>>)
      %dma_wait3A_1497 = arith.constant 24 : i32
      %dma_wait3A_1498 = arith.constant 0 : i32
      %dma_wait3A_1499 = tpu.memref_slice %arg8[%dma_wait3A_1497, %dma_wait3A_1498] : memref<256x128xf32, #tpu.memory_space<vmem>> -> memref<8x128xf32, #tpu.memory_space<vmem>>
      %dma_wait3A_1500 = arith.constant 0 : i32
      %dma_wait3A_1501 = tpu.memref_slice %arg3[%dma_wait3A_1500, %multiple_of3A_509] : memref<8x1000000xf32, #tpu.memory_space<hbm>> -> memref<8x128xf32, #tpu.memory_space<hbm>>
      %dma_wait3A_1502 = arith.constant 24 : i32
      %dma_wait3A_1503 = arith.constant 0 : i32
      %dma_wait3A_1504 = tpu.memref_slice %arg8[%dma_wait3A_1502, %dma_wait3A_1503] : memref<256x128xf32, #tpu.memory_space<vmem>> -> memref<8x128xf32, #tpu.memory_space<vmem>>
      %dma_wait3A_1505 = arith.constant 0 : i32
      %dma_wait3A_1506 = tpu.memref_slice %arg3[%dma_wait3A_1505, %multiple_of3A_509] : memref<8x1000000xf32, #tpu.memory_space<hbm>> -> memref<8x128xf32, #tpu.memory_space<hbm>>
      tpu.wait_dma2 semaphore(%arg12 : memref<!tpu.dma_semaphore, #tpu.memory_space<semaphore_mem>>) src(%dma_wait3A_1506 : memref<8x128xf32, #tpu.memory_space<hbm>>) dst(%dma_wait3A_1504 : memref<8x128xf32, #tpu.memory_space<vmem>>)
      %dma_wait3A_1507 = arith.constant 32 : i32
      %dma_wait3A_1508 = arith.constant 0 : i32
      %dma_wait3A_1509 = tpu.memref_slice %arg8[%dma_wait3A_1507, %dma_wait3A_1508] : memref<256x128xf32, #tpu.memory_space<vmem>> -> memref<8x128xf32, #tpu.memory_space<vmem>>
      %dma_wait3A_1510 = arith.constant 0 : i32
      %dma_wait3A_1511 = tpu.memref_slice %arg3[%dma_wait3A_1510, %multiple_of3A_522] : memref<8x1000000xf32, #tpu.memory_space<hbm>> -> memref<8x128xf32, #tpu.memory_space<hbm>>
      %dma_wait3A_1512 = arith.constant 32 : i32
      %dma_wait3A_1513 = arith.constant 0 : i32
      %dma_wait3A_1514 = tpu.memref_slice %arg8[%dma_wait3A_1512, %dma_wait3A_1513] : memref<256x128xf32, #tpu.memory_space<vmem>> -> memref<8x128xf32, #tpu.memory_space<vmem>>
      %dma_wait3A_1515 = arith.constant 0 : i32
      %dma_wait3A_1516 = tpu.memref_slice %arg3[%dma_wait3A_1515, %multiple_of3A_522] : memref<8x1000000xf32, #tpu.memory_space<hbm>> -> memref<8x128xf32, #tpu.memory_space<hbm>>
      tpu.wait_dma2 semaphore(%arg12 : memref<!tpu.dma_semaphore, #tpu.memory_space<semaphore_mem>>) src(%dma_wait3A_1516 : memref<8x128xf32, #tpu.memory_space<hbm>>) dst(%dma_wait3A_1514 : memref<8x128xf32, #tpu.memory_space<vmem>>)
      %dma_wait3A_1517 = arith.constant 40 : i32
      %dma_wait3A_1518 = arith.constant 0 : i32
      %dma_wait3A_1519 = tpu.memref_slice %arg8[%dma_wait3A_1517, %dma_wait3A_1518] : memref<256x128xf32, #tpu.memory_space<vmem>> -> memref<8x128xf32, #tpu.memory_space<vmem>>
      %dma_wait3A_1520 = arith.constant 0 : i32
      %dma_wait3A_1521 = tpu.memref_slice %arg3[%dma_wait3A_1520, %multiple_of3A_535] : memref<8x1000000xf32, #tpu.memory_space<hbm>> -> memref<8x128xf32, #tpu.memory_space<hbm>>
      %dma_wait3A_1522 = arith.constant 40 : i32
      %dma_wait3A_1523 = arith.constant 0 : i32
      %dma_wait3A_1524 = tpu.memref_slice %arg8[%dma_wait3A_1522, %dma_wait3A_1523] : memref<256x128xf32, #tpu.memory_space<vmem>> -> memref<8x128xf32, #tpu.memory_space<vmem>>
      %dma_wait3A_1525 = arith.constant 0 : i32
      %dma_wait3A_1526 = tpu.memref_slice %arg3[%dma_wait3A_1525, %multiple_of3A_535] : memref<8x1000000xf32, #tpu.memory_space<hbm>> -> memref<8x128xf32, #tpu.memory_space<hbm>>
      tpu.wait_dma2 semaphore(%arg12 : memref<!tpu.dma_semaphore, #tpu.memory_space<semaphore_mem>>) src(%dma_wait3A_1526 : memref<8x128xf32, #tpu.memory_space<hbm>>) dst(%dma_wait3A_1524 : memref<8x128xf32, #tpu.memory_space<vmem>>)
      %dma_wait3A_1527 = arith.constant 48 : i32
      %dma_wait3A_1528 = arith.constant 0 : i32
      %dma_wait3A_1529 = tpu.memref_slice %arg8[%dma_wait3A_1527, %dma_wait3A_1528] : memref<256x128xf32, #tpu.memory_space<vmem>> -> memref<8x128xf32, #tpu.memory_space<vmem>>
      %dma_wait3A_1530 = arith.constant 0 : i32
      %dma_wait3A_1531 = tpu.memref_slice %arg3[%dma_wait3A_1530, %multiple_of3A_548] : memref<8x1000000xf32, #tpu.memory_space<hbm>> -> memref<8x128xf32, #tpu.memory_space<hbm>>
      %dma_wait3A_1532 = arith.constant 48 : i32
      %dma_wait3A_1533 = arith.constant 0 : i32
      %dma_wait3A_1534 = tpu.memref_slice %arg8[%dma_wait3A_1532, %dma_wait3A_1533] : memref<256x128xf32, #tpu.memory_space<vmem>> -> memref<8x128xf32, #tpu.memory_space<vmem>>
      %dma_wait3A_1535 = arith.constant 0 : i32
      %dma_wait3A_1536 = tpu.memref_slice %arg3[%dma_wait3A_1535, %multiple_of3A_548] : memref<8x1000000xf32, #tpu.memory_space<hbm>> -> memref<8x128xf32, #tpu.memory_space<hbm>>
      tpu.wait_dma2 semaphore(%arg12 : memref<!tpu.dma_semaphore, #tpu.memory_space<semaphore_mem>>) src(%dma_wait3A_1536 : memref<8x128xf32, #tpu.memory_space<hbm>>) dst(%dma_wait3A_1534 : memref<8x128xf32, #tpu.memory_space<vmem>>)
      %dma_wait3A_1537 = arith.constant 56 : i32
      %dma_wait3A_1538 = arith.constant 0 : i32
      %dma_wait3A_1539 = tpu.memref_slice %arg8[%dma_wait3A_1537, %dma_wait3A_1538] : memref<256x128xf32, #tpu.memory_space<vmem>> -> memref<8x128xf32, #tpu.memory_space<vmem>>
      %dma_wait3A_1540 = arith.constant 0 : i32
      %dma_wait3A_1541 = tpu.memref_slice %arg3[%dma_wait3A_1540, %multiple_of3A_561] : memref<8x1000000xf32, #tpu.memory_space<hbm>> -> memref<8x128xf32, #tpu.memory_space<hbm>>
      %dma_wait3A_1542 = arith.constant 56 : i32
      %dma_wait3A_1543 = arith.constant 0 : i32
      %dma_wait3A_1544 = tpu.memref_slice %arg8[%dma_wait3A_1542, %dma_wait3A_1543] : memref<256x128xf32, #tpu.memory_space<vmem>> -> memref<8x128xf32, #tpu.memory_space<vmem>>
      %dma_wait3A_1545 = arith.constant 0 : i32
      %dma_wait3A_1546 = tpu.memref_slice %arg3[%dma_wait3A_1545, %multiple_of3A_561] : memref<8x1000000xf32, #tpu.memory_space<hbm>> -> memref<8x128xf32, #tpu.memory_space<hbm>>
      tpu.wait_dma2 semaphore(%arg12 : memref<!tpu.dma_semaphore, #tpu.memory_space<semaphore_mem>>) src(%dma_wait3A_1546 : memref<8x128xf32, #tpu.memory_space<hbm>>) dst(%dma_wait3A_1544 : memref<8x128xf32, #tpu.memory_space<vmem>>)
      %dma_wait3A_1547 = arith.constant 64 : i32
      %dma_wait3A_1548 = arith.constant 0 : i32
      %dma_wait3A_1549 = tpu.memref_slice %arg8[%dma_wait3A_1547, %dma_wait3A_1548] : memref<256x128xf32, #tpu.memory_space<vmem>> -> memref<8x128xf32, #tpu.memory_space<vmem>>
      %dma_wait3A_1550 = arith.constant 0 : i32
      %dma_wait3A_1551 = tpu.memref_slice %arg3[%dma_wait3A_1550, %multiple_of3A_574] : memref<8x1000000xf32, #tpu.memory_space<hbm>> -> memref<8x128xf32, #tpu.memory_space<hbm>>
      %dma_wait3A_1552 = arith.constant 64 : i32
      %dma_wait3A_1553 = arith.constant 0 : i32
      %dma_wait3A_1554 = tpu.memref_slice %arg8[%dma_wait3A_1552, %dma_wait3A_1553] : memref<256x128xf32, #tpu.memory_space<vmem>> -> memref<8x128xf32, #tpu.memory_space<vmem>>
      %dma_wait3A_1555 = arith.constant 0 : i32
      %dma_wait3A_1556 = tpu.memref_slice %arg3[%dma_wait3A_1555, %multiple_of3A_574] : memref<8x1000000xf32, #tpu.memory_space<hbm>> -> memref<8x128xf32, #tpu.memory_space<hbm>>
      tpu.wait_dma2 semaphore(%arg12 : memref<!tpu.dma_semaphore, #tpu.memory_space<semaphore_mem>>) src(%dma_wait3A_1556 : memref<8x128xf32, #tpu.memory_space<hbm>>) dst(%dma_wait3A_1554 : memref<8x128xf32, #tpu.memory_space<vmem>>)
      %dma_wait3A_1557 = arith.constant 72 : i32
      %dma_wait3A_1558 = arith.constant 0 : i32
      %dma_wait3A_1559 = tpu.memref_slice %arg8[%dma_wait3A_1557, %dma_wait3A_1558] : memref<256x128xf32, #tpu.memory_space<vmem>> -> memref<8x128xf32, #tpu.memory_space<vmem>>
      %dma_wait3A_1560 = arith.constant 0 : i32
      %dma_wait3A_1561 = tpu.memref_slice %arg3[%dma_wait3A_1560, %multiple_of3A_587] : memref<8x1000000xf32, #tpu.memory_space<hbm>> -> memref<8x128xf32, #tpu.memory_space<hbm>>
      %dma_wait3A_1562 = arith.constant 72 : i32
      %dma_wait3A_1563 = arith.constant 0 : i32
      %dma_wait3A_1564 = tpu.memref_slice %arg8[%dma_wait3A_1562, %dma_wait3A_1563] : memref<256x128xf32, #tpu.memory_space<vmem>> -> memref<8x128xf32, #tpu.memory_space<vmem>>
      %dma_wait3A_1565 = arith.constant 0 : i32
      %dma_wait3A_1566 = tpu.memref_slice %arg3[%dma_wait3A_1565, %multiple_of3A_587] : memref<8x1000000xf32, #tpu.memory_space<hbm>> -> memref<8x128xf32, #tpu.memory_space<hbm>>
      tpu.wait_dma2 semaphore(%arg12 : memref<!tpu.dma_semaphore, #tpu.memory_space<semaphore_mem>>) src(%dma_wait3A_1566 : memref<8x128xf32, #tpu.memory_space<hbm>>) dst(%dma_wait3A_1564 : memref<8x128xf32, #tpu.memory_space<vmem>>)
      %dma_wait3A_1567 = arith.constant 80 : i32
      %dma_wait3A_1568 = arith.constant 0 : i32
      %dma_wait3A_1569 = tpu.memref_slice %arg8[%dma_wait3A_1567, %dma_wait3A_1568] : memref<256x128xf32, #tpu.memory_space<vmem>> -> memref<8x128xf32, #tpu.memory_space<vmem>>
      %dma_wait3A_1570 = arith.constant 0 : i32
      %dma_wait3A_1571 = tpu.memref_slice %arg3[%dma_wait3A_1570, %multiple_of3A_600] : memref<8x1000000xf32, #tpu.memory_space<hbm>> -> memref<8x128xf32, #tpu.memory_space<hbm>>
      %dma_wait3A_1572 = arith.constant 80 : i32
      %dma_wait3A_1573 = arith.constant 0 : i32
      %dma_wait3A_1574 = tpu.memref_slice %arg8[%dma_wait3A_1572, %dma_wait3A_1573] : memref<256x128xf32, #tpu.memory_space<vmem>> -> memref<8x128xf32, #tpu.memory_space<vmem>>
      %dma_wait3A_1575 = arith.constant 0 : i32
      %dma_wait3A_1576 = tpu.memref_slice %arg3[%dma_wait3A_1575, %multiple_of3A_600] : memref<8x1000000xf32, #tpu.memory_space<hbm>> -> memref<8x128xf32, #tpu.memory_space<hbm>>
      tpu.wait_dma2 semaphore(%arg12 : memref<!tpu.dma_semaphore, #tpu.memory_space<semaphore_mem>>) src(%dma_wait3A_1576 : memref<8x128xf32, #tpu.memory_space<hbm>>) dst(%dma_wait3A_1574 : memref<8x128xf32, #tpu.memory_space<vmem>>)
      %dma_wait3A_1577 = arith.constant 88 : i32
      %dma_wait3A_1578 = arith.constant 0 : i32
      %dma_wait3A_1579 = tpu.memref_slice %arg8[%dma_wait3A_1577, %dma_wait3A_1578] : memref<256x128xf32, #tpu.memory_space<vmem>> -> memref<8x128xf32, #tpu.memory_space<vmem>>
      %dma_wait3A_1580 = arith.constant 0 : i32
      %dma_wait3A_1581 = tpu.memref_slice %arg3[%dma_wait3A_1580, %multiple_of3A_613] : memref<8x1000000xf32, #tpu.memory_space<hbm>> -> memref<8x128xf32, #tpu.memory_space<hbm>>
      %dma_wait3A_1582 = arith.constant 88 : i32
      %dma_wait3A_1583 = arith.constant 0 : i32
      %dma_wait3A_1584 = tpu.memref_slice %arg8[%dma_wait3A_1582, %dma_wait3A_1583] : memref<256x128xf32, #tpu.memory_space<vmem>> -> memref<8x128xf32, #tpu.memory_space<vmem>>
      %dma_wait3A_1585 = arith.constant 0 : i32
      %dma_wait3A_1586 = tpu.memref_slice %arg3[%dma_wait3A_1585, %multiple_of3A_613] : memref<8x1000000xf32, #tpu.memory_space<hbm>> -> memref<8x128xf32, #tpu.memory_space<hbm>>
      tpu.wait_dma2 semaphore(%arg12 : memref<!tpu.dma_semaphore, #tpu.memory_space<semaphore_mem>>) src(%dma_wait3A_1586 : memref<8x128xf32, #tpu.memory_space<hbm>>) dst(%dma_wait3A_1584 : memref<8x128xf32, #tpu.memory_space<vmem>>)
      %dma_wait3A_1587 = arith.constant 96 : i32
      %dma_wait3A_1588 = arith.constant 0 : i32
      %dma_wait3A_1589 = tpu.memref_slice %arg8[%dma_wait3A_1587, %dma_wait3A_1588] : memref<256x128xf32, #tpu.memory_space<vmem>> -> memref<8x128xf32, #tpu.memory_space<vmem>>
      %dma_wait3A_1590 = arith.constant 0 : i32
      %dma_wait3A_1591 = tpu.memref_slice %arg3[%dma_wait3A_1590, %multiple_of3A_626] : memref<8x1000000xf32, #tpu.memory_space<hbm>> -> memref<8x128xf32, #tpu.memory_space<hbm>>
      %dma_wait3A_1592 = arith.constant 96 : i32
      %dma_wait3A_1593 = arith.constant 0 : i32
      %dma_wait3A_1594 = tpu.memref_slice %arg8[%dma_wait3A_1592, %dma_wait3A_1593] : memref<256x128xf32, #tpu.memory_space<vmem>> -> memref<8x128xf32, #tpu.memory_space<vmem>>
      %dma_wait3A_1595 = arith.constant 0 : i32
      %dma_wait3A_1596 = tpu.memref_slice %arg3[%dma_wait3A_1595, %multiple_of3A_626] : memref<8x1000000xf32, #tpu.memory_space<hbm>> -> memref<8x128xf32, #tpu.memory_space<hbm>>
      tpu.wait_dma2 semaphore(%arg12 : memref<!tpu.dma_semaphore, #tpu.memory_space<semaphore_mem>>) src(%dma_wait3A_1596 : memref<8x128xf32, #tpu.memory_space<hbm>>) dst(%dma_wait3A_1594 : memref<8x128xf32, #tpu.memory_space<vmem>>)
      %dma_wait3A_1597 = arith.constant 104 : i32
      %dma_wait3A_1598 = arith.constant 0 : i32
      %dma_wait3A_1599 = tpu.memref_slice %arg8[%dma_wait3A_1597, %dma_wait3A_1598] : memref<256x128xf32, #tpu.memory_space<vmem>> -> memref<8x128xf32, #tpu.memory_space<vmem>>
      %dma_wait3A_1600 = arith.constant 0 : i32
      %dma_wait3A_1601 = tpu.memref_slice %arg3[%dma_wait3A_1600, %multiple_of3A_639] : memref<8x1000000xf32, #tpu.memory_space<hbm>> -> memref<8x128xf32, #tpu.memory_space<hbm>>
      %dma_wait3A_1602 = arith.constant 104 : i32
      %dma_wait3A_1603 = arith.constant 0 : i32
      %dma_wait3A_1604 = tpu.memref_slice %arg8[%dma_wait3A_1602, %dma_wait3A_1603] : memref<256x128xf32, #tpu.memory_space<vmem>> -> memref<8x128xf32, #tpu.memory_space<vmem>>
      %dma_wait3A_1605 = arith.constant 0 : i32
      %dma_wait3A_1606 = tpu.memref_slice %arg3[%dma_wait3A_1605, %multiple_of3A_639] : memref<8x1000000xf32, #tpu.memory_space<hbm>> -> memref<8x128xf32, #tpu.memory_space<hbm>>
      tpu.wait_dma2 semaphore(%arg12 : memref<!tpu.dma_semaphore, #tpu.memory_space<semaphore_mem>>) src(%dma_wait3A_1606 : memref<8x128xf32, #tpu.memory_space<hbm>>) dst(%dma_wait3A_1604 : memref<8x128xf32, #tpu.memory_space<vmem>>)
      %dma_wait3A_1607 = arith.constant 112 : i32
      %dma_wait3A_1608 = arith.constant 0 : i32
      %dma_wait3A_1609 = tpu.memref_slice %arg8[%dma_wait3A_1607, %dma_wait3A_1608] : memref<256x128xf32, #tpu.memory_space<vmem>> -> memref<8x128xf32, #tpu.memory_space<vmem>>
      %dma_wait3A_1610 = arith.constant 0 : i32
      %dma_wait3A_1611 = tpu.memref_slice %arg3[%dma_wait3A_1610, %multiple_of3A_652] : memref<8x1000000xf32, #tpu.memory_space<hbm>> -> memref<8x128xf32, #tpu.memory_space<hbm>>
      %dma_wait3A_1612 = arith.constant 112 : i32
      %dma_wait3A_1613 = arith.constant 0 : i32
      %dma_wait3A_1614 = tpu.memref_slice %arg8[%dma_wait3A_1612, %dma_wait3A_1613] : memref<256x128xf32, #tpu.memory_space<vmem>> -> memref<8x128xf32, #tpu.memory_space<vmem>>
      %dma_wait3A_1615 = arith.constant 0 : i32
      %dma_wait3A_1616 = tpu.memref_slice %arg3[%dma_wait3A_1615, %multiple_of3A_652] : memref<8x1000000xf32, #tpu.memory_space<hbm>> -> memref<8x128xf32, #tpu.memory_space<hbm>>
      tpu.wait_dma2 semaphore(%arg12 : memref<!tpu.dma_semaphore, #tpu.memory_space<semaphore_mem>>) src(%dma_wait3A_1616 : memref<8x128xf32, #tpu.memory_space<hbm>>) dst(%dma_wait3A_1614 : memref<8x128xf32, #tpu.memory_space<vmem>>)
      %dma_wait3A_1617 = arith.constant 120 : i32
      %dma_wait3A_1618 = arith.constant 0 : i32
      %dma_wait3A_1619 = tpu.memref_slice %arg8[%dma_wait3A_1617, %dma_wait3A_1618] : memref<256x128xf32, #tpu.memory_space<vmem>> -> memref<8x128xf32, #tpu.memory_space<vmem>>
      %dma_wait3A_1620 = arith.constant 0 : i32
      %dma_wait3A_1621 = tpu.memref_slice %arg3[%dma_wait3A_1620, %multiple_of3A_665] : memref<8x1000000xf32, #tpu.memory_space<hbm>> -> memref<8x128xf32, #tpu.memory_space<hbm>>
      %dma_wait3A_1622 = arith.constant 120 : i32
      %dma_wait3A_1623 = arith.constant 0 : i32
      %dma_wait3A_1624 = tpu.memref_slice %arg8[%dma_wait3A_1622, %dma_wait3A_1623] : memref<256x128xf32, #tpu.memory_space<vmem>> -> memref<8x128xf32, #tpu.memory_space<vmem>>
      %dma_wait3A_1625 = arith.constant 0 : i32
      %dma_wait3A_1626 = tpu.memref_slice %arg3[%dma_wait3A_1625, %multiple_of3A_665] : memref<8x1000000xf32, #tpu.memory_space<hbm>> -> memref<8x128xf32, #tpu.memory_space<hbm>>
      tpu.wait_dma2 semaphore(%arg12 : memref<!tpu.dma_semaphore, #tpu.memory_space<semaphore_mem>>) src(%dma_wait3A_1626 : memref<8x128xf32, #tpu.memory_space<hbm>>) dst(%dma_wait3A_1624 : memref<8x128xf32, #tpu.memory_space<vmem>>)
      %dma_wait3A_1627 = arith.constant 128 : i32
      %dma_wait3A_1628 = arith.constant 0 : i32
      %dma_wait3A_1629 = tpu.memref_slice %arg8[%dma_wait3A_1627, %dma_wait3A_1628] : memref<256x128xf32, #tpu.memory_space<vmem>> -> memref<8x128xf32, #tpu.memory_space<vmem>>
      %dma_wait3A_1630 = arith.constant 0 : i32
      %dma_wait3A_1631 = tpu.memref_slice %arg3[%dma_wait3A_1630, %multiple_of3A_690] : memref<8x1000000xf32, #tpu.memory_space<hbm>> -> memref<8x128xf32, #tpu.memory_space<hbm>>
      %dma_wait3A_1632 = arith.constant 128 : i32
      %dma_wait3A_1633 = arith.constant 0 : i32
      %dma_wait3A_1634 = tpu.memref_slice %arg8[%dma_wait3A_1632, %dma_wait3A_1633] : memref<256x128xf32, #tpu.memory_space<vmem>> -> memref<8x128xf32, #tpu.memory_space<vmem>>
      %dma_wait3A_1635 = arith.constant 0 : i32
      %dma_wait3A_1636 = tpu.memref_slice %arg3[%dma_wait3A_1635, %multiple_of3A_690] : memref<8x1000000xf32, #tpu.memory_space<hbm>> -> memref<8x128xf32, #tpu.memory_space<hbm>>
      tpu.wait_dma2 semaphore(%arg12 : memref<!tpu.dma_semaphore, #tpu.memory_space<semaphore_mem>>) src(%dma_wait3A_1636 : memref<8x128xf32, #tpu.memory_space<hbm>>) dst(%dma_wait3A_1634 : memref<8x128xf32, #tpu.memory_space<vmem>>)
      %dma_wait3A_1637 = arith.constant 136 : i32
      %dma_wait3A_1638 = arith.constant 0 : i32
      %dma_wait3A_1639 = tpu.memref_slice %arg8[%dma_wait3A_1637, %dma_wait3A_1638] : memref<256x128xf32, #tpu.memory_space<vmem>> -> memref<8x128xf32, #tpu.memory_space<vmem>>
      %dma_wait3A_1640 = arith.constant 0 : i32
      %dma_wait3A_1641 = tpu.memref_slice %arg3[%dma_wait3A_1640, %multiple_of3A_703] : memref<8x1000000xf32, #tpu.memory_space<hbm>> -> memref<8x128xf32, #tpu.memory_space<hbm>>
      %dma_wait3A_1642 = arith.constant 136 : i32
      %dma_wait3A_1643 = arith.constant 0 : i32
      %dma_wait3A_1644 = tpu.memref_slice %arg8[%dma_wait3A_1642, %dma_wait3A_1643] : memref<256x128xf32, #tpu.memory_space<vmem>> -> memref<8x128xf32, #tpu.memory_space<vmem>>
      %dma_wait3A_1645 = arith.constant 0 : i32
      %dma_wait3A_1646 = tpu.memref_slice %arg3[%dma_wait3A_1645, %multiple_of3A_703] : memref<8x1000000xf32, #tpu.memory_space<hbm>> -> memref<8x128xf32, #tpu.memory_space<hbm>>
      tpu.wait_dma2 semaphore(%arg12 : memref<!tpu.dma_semaphore, #tpu.memory_space<semaphore_mem>>) src(%dma_wait3A_1646 : memref<8x128xf32, #tpu.memory_space<hbm>>) dst(%dma_wait3A_1644 : memref<8x128xf32, #tpu.memory_space<vmem>>)
      %dma_wait3A_1647 = arith.constant 144 : i32
      %dma_wait3A_1648 = arith.constant 0 : i32
      %dma_wait3A_1649 = tpu.memref_slice %arg8[%dma_wait3A_1647, %dma_wait3A_1648] : memref<256x128xf32, #tpu.memory_space<vmem>> -> memref<8x128xf32, #tpu.memory_space<vmem>>
      %dma_wait3A_1650 = arith.constant 0 : i32
      %dma_wait3A_1651 = tpu.memref_slice %arg3[%dma_wait3A_1650, %multiple_of3A_716] : memref<8x1000000xf32, #tpu.memory_space<hbm>> -> memref<8x128xf32, #tpu.memory_space<hbm>>
      %dma_wait3A_1652 = arith.constant 144 : i32
      %dma_wait3A_1653 = arith.constant 0 : i32
      %dma_wait3A_1654 = tpu.memref_slice %arg8[%dma_wait3A_1652, %dma_wait3A_1653] : memref<256x128xf32, #tpu.memory_space<vmem>> -> memref<8x128xf32, #tpu.memory_space<vmem>>
      %dma_wait3A_1655 = arith.constant 0 : i32
      %dma_wait3A_1656 = tpu.memref_slice %arg3[%dma_wait3A_1655, %multiple_of3A_716] : memref<8x1000000xf32, #tpu.memory_space<hbm>> -> memref<8x128xf32, #tpu.memory_space<hbm>>
      tpu.wait_dma2 semaphore(%arg12 : memref<!tpu.dma_semaphore, #tpu.memory_space<semaphore_mem>>) src(%dma_wait3A_1656 : memref<8x128xf32, #tpu.memory_space<hbm>>) dst(%dma_wait3A_1654 : memref<8x128xf32, #tpu.memory_space<vmem>>)
      %dma_wait3A_1657 = arith.constant 152 : i32
      %dma_wait3A_1658 = arith.constant 0 : i32
      %dma_wait3A_1659 = tpu.memref_slice %arg8[%dma_wait3A_1657, %dma_wait3A_1658] : memref<256x128xf32, #tpu.memory_space<vmem>> -> memref<8x128xf32, #tpu.memory_space<vmem>>
      %dma_wait3A_1660 = arith.constant 0 : i32
      %dma_wait3A_1661 = tpu.memref_slice %arg3[%dma_wait3A_1660, %multiple_of3A_729] : memref<8x1000000xf32, #tpu.memory_space<hbm>> -> memref<8x128xf32, #tpu.memory_space<hbm>>
      %dma_wait3A_1662 = arith.constant 152 : i32
      %dma_wait3A_1663 = arith.constant 0 : i32
      %dma_wait3A_1664 = tpu.memref_slice %arg8[%dma_wait3A_1662, %dma_wait3A_1663] : memref<256x128xf32, #tpu.memory_space<vmem>> -> memref<8x128xf32, #tpu.memory_space<vmem>>
      %dma_wait3A_1665 = arith.constant 0 : i32
      %dma_wait3A_1666 = tpu.memref_slice %arg3[%dma_wait3A_1665, %multiple_of3A_729] : memref<8x1000000xf32, #tpu.memory_space<hbm>> -> memref<8x128xf32, #tpu.memory_space<hbm>>
      tpu.wait_dma2 semaphore(%arg12 : memref<!tpu.dma_semaphore, #tpu.memory_space<semaphore_mem>>) src(%dma_wait3A_1666 : memref<8x128xf32, #tpu.memory_space<hbm>>) dst(%dma_wait3A_1664 : memref<8x128xf32, #tpu.memory_space<vmem>>)
      %dma_wait3A_1667 = arith.constant 160 : i32
      %dma_wait3A_1668 = arith.constant 0 : i32
      %dma_wait3A_1669 = tpu.memref_slice %arg8[%dma_wait3A_1667, %dma_wait3A_1668] : memref<256x128xf32, #tpu.memory_space<vmem>> -> memref<8x128xf32, #tpu.memory_space<vmem>>
      %dma_wait3A_1670 = arith.constant 0 : i32
      %dma_wait3A_1671 = tpu.memref_slice %arg3[%dma_wait3A_1670, %multiple_of3A_742] : memref<8x1000000xf32, #tpu.memory_space<hbm>> -> memref<8x128xf32, #tpu.memory_space<hbm>>
      %dma_wait3A_1672 = arith.constant 160 : i32
      %dma_wait3A_1673 = arith.constant 0 : i32
      %dma_wait3A_1674 = tpu.memref_slice %arg8[%dma_wait3A_1672, %dma_wait3A_1673] : memref<256x128xf32, #tpu.memory_space<vmem>> -> memref<8x128xf32, #tpu.memory_space<vmem>>
      %dma_wait3A_1675 = arith.constant 0 : i32
      %dma_wait3A_1676 = tpu.memref_slice %arg3[%dma_wait3A_1675, %multiple_of3A_742] : memref<8x1000000xf32, #tpu.memory_space<hbm>> -> memref<8x128xf32, #tpu.memory_space<hbm>>
      tpu.wait_dma2 semaphore(%arg12 : memref<!tpu.dma_semaphore, #tpu.memory_space<semaphore_mem>>) src(%dma_wait3A_1676 : memref<8x128xf32, #tpu.memory_space<hbm>>) dst(%dma_wait3A_1674 : memref<8x128xf32, #tpu.memory_space<vmem>>)
      %dma_wait3A_1677 = arith.constant 168 : i32
      %dma_wait3A_1678 = arith.constant 0 : i32
      %dma_wait3A_1679 = tpu.memref_slice %arg8[%dma_wait3A_1677, %dma_wait3A_1678] : memref<256x128xf32, #tpu.memory_space<vmem>> -> memref<8x128xf32, #tpu.memory_space<vmem>>
      %dma_wait3A_1680 = arith.constant 0 : i32
      %dma_wait3A_1681 = tpu.memref_slice %arg3[%dma_wait3A_1680, %multiple_of3A_755] : memref<8x1000000xf32, #tpu.memory_space<hbm>> -> memref<8x128xf32, #tpu.memory_space<hbm>>
      %dma_wait3A_1682 = arith.constant 168 : i32
      %dma_wait3A_1683 = arith.constant 0 : i32
      %dma_wait3A_1684 = tpu.memref_slice %arg8[%dma_wait3A_1682, %dma_wait3A_1683] : memref<256x128xf32, #tpu.memory_space<vmem>> -> memref<8x128xf32, #tpu.memory_space<vmem>>
      %dma_wait3A_1685 = arith.constant 0 : i32
      %dma_wait3A_1686 = tpu.memref_slice %arg3[%dma_wait3A_1685, %multiple_of3A_755] : memref<8x1000000xf32, #tpu.memory_space<hbm>> -> memref<8x128xf32, #tpu.memory_space<hbm>>
      tpu.wait_dma2 semaphore(%arg12 : memref<!tpu.dma_semaphore, #tpu.memory_space<semaphore_mem>>) src(%dma_wait3A_1686 : memref<8x128xf32, #tpu.memory_space<hbm>>) dst(%dma_wait3A_1684 : memref<8x128xf32, #tpu.memory_space<vmem>>)
      %dma_wait3A_1687 = arith.constant 176 : i32
      %dma_wait3A_1688 = arith.constant 0 : i32
      %dma_wait3A_1689 = tpu.memref_slice %arg8[%dma_wait3A_1687, %dma_wait3A_1688] : memref<256x128xf32, #tpu.memory_space<vmem>> -> memref<8x128xf32, #tpu.memory_space<vmem>>
      %dma_wait3A_1690 = arith.constant 0 : i32
      %dma_wait3A_1691 = tpu.memref_slice %arg3[%dma_wait3A_1690, %multiple_of3A_768] : memref<8x1000000xf32, #tpu.memory_space<hbm>> -> memref<8x128xf32, #tpu.memory_space<hbm>>
      %dma_wait3A_1692 = arith.constant 176 : i32
      %dma_wait3A_1693 = arith.constant 0 : i32
      %dma_wait3A_1694 = tpu.memref_slice %arg8[%dma_wait3A_1692, %dma_wait3A_1693] : memref<256x128xf32, #tpu.memory_space<vmem>> -> memref<8x128xf32, #tpu.memory_space<vmem>>
      %dma_wait3A_1695 = arith.constant 0 : i32
      %dma_wait3A_1696 = tpu.memref_slice %arg3[%dma_wait3A_1695, %multiple_of3A_768] : memref<8x1000000xf32, #tpu.memory_space<hbm>> -> memref<8x128xf32, #tpu.memory_space<hbm>>
      tpu.wait_dma2 semaphore(%arg12 : memref<!tpu.dma_semaphore, #tpu.memory_space<semaphore_mem>>) src(%dma_wait3A_1696 : memref<8x128xf32, #tpu.memory_space<hbm>>) dst(%dma_wait3A_1694 : memref<8x128xf32, #tpu.memory_space<vmem>>)
      %dma_wait3A_1697 = arith.constant 184 : i32
      %dma_wait3A_1698 = arith.constant 0 : i32
      %dma_wait3A_1699 = tpu.memref_slice %arg8[%dma_wait3A_1697, %dma_wait3A_1698] : memref<256x128xf32, #tpu.memory_space<vmem>> -> memref<8x128xf32, #tpu.memory_space<vmem>>
      %dma_wait3A_1700 = arith.constant 0 : i32
      %dma_wait3A_1701 = tpu.memref_slice %arg3[%dma_wait3A_1700, %multiple_of3A_781] : memref<8x1000000xf32, #tpu.memory_space<hbm>> -> memref<8x128xf32, #tpu.memory_space<hbm>>
      %dma_wait3A_1702 = arith.constant 184 : i32
      %dma_wait3A_1703 = arith.constant 0 : i32
      %dma_wait3A_1704 = tpu.memref_slice %arg8[%dma_wait3A_1702, %dma_wait3A_1703] : memref<256x128xf32, #tpu.memory_space<vmem>> -> memref<8x128xf32, #tpu.memory_space<vmem>>
      %dma_wait3A_1705 = arith.constant 0 : i32
      %dma_wait3A_1706 = tpu.memref_slice %arg3[%dma_wait3A_1705, %multiple_of3A_781] : memref<8x1000000xf32, #tpu.memory_space<hbm>> -> memref<8x128xf32, #tpu.memory_space<hbm>>
      tpu.wait_dma2 semaphore(%arg12 : memref<!tpu.dma_semaphore, #tpu.memory_space<semaphore_mem>>) src(%dma_wait3A_1706 : memref<8x128xf32, #tpu.memory_space<hbm>>) dst(%dma_wait3A_1704 : memref<8x128xf32, #tpu.memory_space<vmem>>)
      %dma_wait3A_1707 = arith.constant 192 : i32
      %dma_wait3A_1708 = arith.constant 0 : i32
      %dma_wait3A_1709 = tpu.memref_slice %arg8[%dma_wait3A_1707, %dma_wait3A_1708] : memref<256x128xf32, #tpu.memory_space<vmem>> -> memref<8x128xf32, #tpu.memory_space<vmem>>
      %dma_wait3A_1710 = arith.constant 0 : i32
      %dma_wait3A_1711 = tpu.memref_slice %arg3[%dma_wait3A_1710, %multiple_of3A_794] : memref<8x1000000xf32, #tpu.memory_space<hbm>> -> memref<8x128xf32, #tpu.memory_space<hbm>>
      %dma_wait3A_1712 = arith.constant 192 : i32
      %dma_wait3A_1713 = arith.constant 0 : i32
      %dma_wait3A_1714 = tpu.memref_slice %arg8[%dma_wait3A_1712, %dma_wait3A_1713] : memref<256x128xf32, #tpu.memory_space<vmem>> -> memref<8x128xf32, #tpu.memory_space<vmem>>
      %dma_wait3A_1715 = arith.constant 0 : i32
      %dma_wait3A_1716 = tpu.memref_slice %arg3[%dma_wait3A_1715, %multiple_of3A_794] : memref<8x1000000xf32, #tpu.memory_space<hbm>> -> memref<8x128xf32, #tpu.memory_space<hbm>>
      tpu.wait_dma2 semaphore(%arg12 : memref<!tpu.dma_semaphore, #tpu.memory_space<semaphore_mem>>) src(%dma_wait3A_1716 : memref<8x128xf32, #tpu.memory_space<hbm>>) dst(%dma_wait3A_1714 : memref<8x128xf32, #tpu.memory_space<vmem>>)
      %dma_wait3A_1717 = arith.constant 200 : i32
      %dma_wait3A_1718 = arith.constant 0 : i32
      %dma_wait3A_1719 = tpu.memref_slice %arg8[%dma_wait3A_1717, %dma_wait3A_1718] : memref<256x128xf32, #tpu.memory_space<vmem>> -> memref<8x128xf32, #tpu.memory_space<vmem>>
      %dma_wait3A_1720 = arith.constant 0 : i32
      %dma_wait3A_1721 = tpu.memref_slice %arg3[%dma_wait3A_1720, %multiple_of3A_807] : memref<8x1000000xf32, #tpu.memory_space<hbm>> -> memref<8x128xf32, #tpu.memory_space<hbm>>
      %dma_wait3A_1722 = arith.constant 200 : i32
      %dma_wait3A_1723 = arith.constant 0 : i32
      %dma_wait3A_1724 = tpu.memref_slice %arg8[%dma_wait3A_1722, %dma_wait3A_1723] : memref<256x128xf32, #tpu.memory_space<vmem>> -> memref<8x128xf32, #tpu.memory_space<vmem>>
      %dma_wait3A_1725 = arith.constant 0 : i32
      %dma_wait3A_1726 = tpu.memref_slice %arg3[%dma_wait3A_1725, %multiple_of3A_807] : memref<8x1000000xf32, #tpu.memory_space<hbm>> -> memref<8x128xf32, #tpu.memory_space<hbm>>
      tpu.wait_dma2 semaphore(%arg12 : memref<!tpu.dma_semaphore, #tpu.memory_space<semaphore_mem>>) src(%dma_wait3A_1726 : memref<8x128xf32, #tpu.memory_space<hbm>>) dst(%dma_wait3A_1724 : memref<8x128xf32, #tpu.memory_space<vmem>>)
      %dma_wait3A_1727 = arith.constant 208 : i32
      %dma_wait3A_1728 = arith.constant 0 : i32
      %dma_wait3A_1729 = tpu.memref_slice %arg8[%dma_wait3A_1727, %dma_wait3A_1728] : memref<256x128xf32, #tpu.memory_space<vmem>> -> memref<8x128xf32, #tpu.memory_space<vmem>>
      %dma_wait3A_1730 = arith.constant 0 : i32
      %dma_wait3A_1731 = tpu.memref_slice %arg3[%dma_wait3A_1730, %multiple_of3A_820] : memref<8x1000000xf32, #tpu.memory_space<hbm>> -> memref<8x128xf32, #tpu.memory_space<hbm>>
      %dma_wait3A_1732 = arith.constant 208 : i32
      %dma_wait3A_1733 = arith.constant 0 : i32
      %dma_wait3A_1734 = tpu.memref_slice %arg8[%dma_wait3A_1732, %dma_wait3A_1733] : memref<256x128xf32, #tpu.memory_space<vmem>> -> memref<8x128xf32, #tpu.memory_space<vmem>>
      %dma_wait3A_1735 = arith.constant 0 : i32
      %dma_wait3A_1736 = tpu.memref_slice %arg3[%dma_wait3A_1735, %multiple_of3A_820] : memref<8x1000000xf32, #tpu.memory_space<hbm>> -> memref<8x128xf32, #tpu.memory_space<hbm>>
      tpu.wait_dma2 semaphore(%arg12 : memref<!tpu.dma_semaphore, #tpu.memory_space<semaphore_mem>>) src(%dma_wait3A_1736 : memref<8x128xf32, #tpu.memory_space<hbm>>) dst(%dma_wait3A_1734 : memref<8x128xf32, #tpu.memory_space<vmem>>)
      %dma_wait3A_1737 = arith.constant 216 : i32
      %dma_wait3A_1738 = arith.constant 0 : i32
      %dma_wait3A_1739 = tpu.memref_slice %arg8[%dma_wait3A_1737, %dma_wait3A_1738] : memref<256x128xf32, #tpu.memory_space<vmem>> -> memref<8x128xf32, #tpu.memory_space<vmem>>
      %dma_wait3A_1740 = arith.constant 0 : i32
      %dma_wait3A_1741 = tpu.memref_slice %arg3[%dma_wait3A_1740, %multiple_of3A_833] : memref<8x1000000xf32, #tpu.memory_space<hbm>> -> memref<8x128xf32, #tpu.memory_space<hbm>>
      %dma_wait3A_1742 = arith.constant 216 : i32
      %dma_wait3A_1743 = arith.constant 0 : i32
      %dma_wait3A_1744 = tpu.memref_slice %arg8[%dma_wait3A_1742, %dma_wait3A_1743] : memref<256x128xf32, #tpu.memory_space<vmem>> -> memref<8x128xf32, #tpu.memory_space<vmem>>
      %dma_wait3A_1745 = arith.constant 0 : i32
      %dma_wait3A_1746 = tpu.memref_slice %arg3[%dma_wait3A_1745, %multiple_of3A_833] : memref<8x1000000xf32, #tpu.memory_space<hbm>> -> memref<8x128xf32, #tpu.memory_space<hbm>>
      tpu.wait_dma2 semaphore(%arg12 : memref<!tpu.dma_semaphore, #tpu.memory_space<semaphore_mem>>) src(%dma_wait3A_1746 : memref<8x128xf32, #tpu.memory_space<hbm>>) dst(%dma_wait3A_1744 : memref<8x128xf32, #tpu.memory_space<vmem>>)
      %dma_wait3A_1747 = arith.constant 224 : i32
      %dma_wait3A_1748 = arith.constant 0 : i32
      %dma_wait3A_1749 = tpu.memref_slice %arg8[%dma_wait3A_1747, %dma_wait3A_1748] : memref<256x128xf32, #tpu.memory_space<vmem>> -> memref<8x128xf32, #tpu.memory_space<vmem>>
      %dma_wait3A_1750 = arith.constant 0 : i32
      %dma_wait3A_1751 = tpu.memref_slice %arg3[%dma_wait3A_1750, %multiple_of3A_846] : memref<8x1000000xf32, #tpu.memory_space<hbm>> -> memref<8x128xf32, #tpu.memory_space<hbm>>
      %dma_wait3A_1752 = arith.constant 224 : i32
      %dma_wait3A_1753 = arith.constant 0 : i32
      %dma_wait3A_1754 = tpu.memref_slice %arg8[%dma_wait3A_1752, %dma_wait3A_1753] : memref<256x128xf32, #tpu.memory_space<vmem>> -> memref<8x128xf32, #tpu.memory_space<vmem>>
      %dma_wait3A_1755 = arith.constant 0 : i32
      %dma_wait3A_1756 = tpu.memref_slice %arg3[%dma_wait3A_1755, %multiple_of3A_846] : memref<8x1000000xf32, #tpu.memory_space<hbm>> -> memref<8x128xf32, #tpu.memory_space<hbm>>
      tpu.wait_dma2 semaphore(%arg12 : memref<!tpu.dma_semaphore, #tpu.memory_space<semaphore_mem>>) src(%dma_wait3A_1756 : memref<8x128xf32, #tpu.memory_space<hbm>>) dst(%dma_wait3A_1754 : memref<8x128xf32, #tpu.memory_space<vmem>>)
      %dma_wait3A_1757 = arith.constant 232 : i32
      %dma_wait3A_1758 = arith.constant 0 : i32
      %dma_wait3A_1759 = tpu.memref_slice %arg8[%dma_wait3A_1757, %dma_wait3A_1758] : memref<256x128xf32, #tpu.memory_space<vmem>> -> memref<8x128xf32, #tpu.memory_space<vmem>>
      %dma_wait3A_1760 = arith.constant 0 : i32
      %dma_wait3A_1761 = tpu.memref_slice %arg3[%dma_wait3A_1760, %multiple_of3A_859] : memref<8x1000000xf32, #tpu.memory_space<hbm>> -> memref<8x128xf32, #tpu.memory_space<hbm>>
      %dma_wait3A_1762 = arith.constant 232 : i32
      %dma_wait3A_1763 = arith.constant 0 : i32
      %dma_wait3A_1764 = tpu.memref_slice %arg8[%dma_wait3A_1762, %dma_wait3A_1763] : memref<256x128xf32, #tpu.memory_space<vmem>> -> memref<8x128xf32, #tpu.memory_space<vmem>>
      %dma_wait3A_1765 = arith.constant 0 : i32
      %dma_wait3A_1766 = tpu.memref_slice %arg3[%dma_wait3A_1765, %multiple_of3A_859] : memref<8x1000000xf32, #tpu.memory_space<hbm>> -> memref<8x128xf32, #tpu.memory_space<hbm>>
      tpu.wait_dma2 semaphore(%arg12 : memref<!tpu.dma_semaphore, #tpu.memory_space<semaphore_mem>>) src(%dma_wait3A_1766 : memref<8x128xf32, #tpu.memory_space<hbm>>) dst(%dma_wait3A_1764 : memref<8x128xf32, #tpu.memory_space<vmem>>)
      %dma_wait3A_1767 = arith.constant 240 : i32
      %dma_wait3A_1768 = arith.constant 0 : i32
      %dma_wait3A_1769 = tpu.memref_slice %arg8[%dma_wait3A_1767, %dma_wait3A_1768] : memref<256x128xf32, #tpu.memory_space<vmem>> -> memref<8x128xf32, #tpu.memory_space<vmem>>
      %dma_wait3A_1770 = arith.constant 0 : i32
      %dma_wait3A_1771 = tpu.memref_slice %arg3[%dma_wait3A_1770, %multiple_of3A_872] : memref<8x1000000xf32, #tpu.memory_space<hbm>> -> memref<8x128xf32, #tpu.memory_space<hbm>>
      %dma_wait3A_1772 = arith.constant 240 : i32
      %dma_wait3A_1773 = arith.constant 0 : i32
      %dma_wait3A_1774 = tpu.memref_slice %arg8[%dma_wait3A_1772, %dma_wait3A_1773] : memref<256x128xf32, #tpu.memory_space<vmem>> -> memref<8x128xf32, #tpu.memory_space<vmem>>
      %dma_wait3A_1775 = arith.constant 0 : i32
      %dma_wait3A_1776 = tpu.memref_slice %arg3[%dma_wait3A_1775, %multiple_of3A_872] : memref<8x1000000xf32, #tpu.memory_space<hbm>> -> memref<8x128xf32, #tpu.memory_space<hbm>>
      tpu.wait_dma2 semaphore(%arg12 : memref<!tpu.dma_semaphore, #tpu.memory_space<semaphore_mem>>) src(%dma_wait3A_1776 : memref<8x128xf32, #tpu.memory_space<hbm>>) dst(%dma_wait3A_1774 : memref<8x128xf32, #tpu.memory_space<vmem>>)
      %dma_wait3A_1777 = arith.constant 248 : i32
      %dma_wait3A_1778 = arith.constant 0 : i32
      %dma_wait3A_1779 = tpu.memref_slice %arg8[%dma_wait3A_1777, %dma_wait3A_1778] : memref<256x128xf32, #tpu.memory_space<vmem>> -> memref<8x128xf32, #tpu.memory_space<vmem>>
      %dma_wait3A_1780 = arith.constant 0 : i32
      %dma_wait3A_1781 = tpu.memref_slice %arg3[%dma_wait3A_1780, %multiple_of3A_885] : memref<8x1000000xf32, #tpu.memory_space<hbm>> -> memref<8x128xf32, #tpu.memory_space<hbm>>
      %dma_wait3A_1782 = arith.constant 248 : i32
      %dma_wait3A_1783 = arith.constant 0 : i32
      %dma_wait3A_1784 = tpu.memref_slice %arg8[%dma_wait3A_1782, %dma_wait3A_1783] : memref<256x128xf32, #tpu.memory_space<vmem>> -> memref<8x128xf32, #tpu.memory_space<vmem>>
      %dma_wait3A_1785 = arith.constant 0 : i32
      %dma_wait3A_1786 = tpu.memref_slice %arg3[%dma_wait3A_1785, %multiple_of3A_885] : memref<8x1000000xf32, #tpu.memory_space<hbm>> -> memref<8x128xf32, #tpu.memory_space<hbm>>
      tpu.wait_dma2 semaphore(%arg12 : memref<!tpu.dma_semaphore, #tpu.memory_space<semaphore_mem>>) src(%dma_wait3A_1786 : memref<8x128xf32, #tpu.memory_space<hbm>>) dst(%dma_wait3A_1784 : memref<8x128xf32, #tpu.memory_space<vmem>>)
      %mul3A_1787 = arith.constant 32 : i32
      %mul3A_1788 = arith.muli %add3A_17, %mul3A_1787 : i32
      %add3A_1789 = arith.constant 0 : i32
      %add3A_1790 = arith.addi %mul3A_1788, %add3A_1789 : i32
      %get3A_1791 = arith.constant 0 : i32
      %get3A_1792 = arith.index_cast %get3A_1791 : i32 to index
      %get3A_1793 = arith.index_cast %add3A_1790 : i32 to index
      %get3A_1794 = tpu.vector_load %arg6[%get3A_1792, %get3A_1793] {strides = array<i32>} : memref<1x512xi32, #tpu.memory_space<vmem>>, vector<16xi32>,
      %and3A_1795 = arith.constant 127 : i32
      %and3A_1796 = vector.broadcast %and3A_1795 : i32 to vector<16xi32>
      %and3A_1797 = arith.andi %get3A_1794, %and3A_1796 : vector<16xi32>
      %add3A_1798 = arith.constant 0 : i32
      %add3A_1799 = vector.broadcast %add3A_1798 : i32 to vector<16xi32>
      %add3A_1800 = arith.addi %add3A_1799, %iota3A : vector<16xi32>
      %mul3A_1801 = arith.constant 8 : i32
      %mul3A_1802 = vector.broadcast %mul3A_1801 : i32 to vector<16xi32>
      %mul3A_1803 = arith.muli %add3A_1800, %mul3A_1802 : vector<16xi32>
      %add3A_1804 = arith.constant 0 : i32
      %add3A_1805 = vector.broadcast %add3A_1804 : i32 to vector<16xi32>
      %add3A_1806 = arith.addi %mul3A_1803, %add3A_1805 : vector<16xi32>
      %gather3A_1807 = tpu.vector_load_idx %arg8[%add3A_1806, %and3A_1797] : memref<256x128xf32, #tpu.memory_space<vmem>>[vector<16xi32>, vector<16xi32>], vector<16xf32>,
      %slice3A_1808 = vector.extract_strided_slice %get3A_1 {offsets = [0], sizes = [1], strides = [1]} : vector<16xf32> to vector<1xf32>
      %squeeze3A_1809 = vector.extract %slice3A_1808[0] : f32 from vector<1xf32>
      %broadcast_in_dim3A_1810 = vector.broadcast %squeeze3A_1809 : f32 to vector<16xf32>
      %mul3A_1811 = arith.mulf %gather3A_1807, %broadcast_in_dim3A_1810 : vector<16xf32>
      %add3A_1812 = arith.constant 0 : i32
      %add3A_1813 = arith.addi %mul3A_1788, %add3A_1812 : i32
      %swap3A_1814 = arith.constant 0 : i32
      %swap3A_1815 = arith.index_cast %swap3A_1814 : i32 to index
      %swap3A_1816 = arith.index_cast %add3A_1813 : i32 to index
      %swap3A_1817 = tpu.vector_load %arg9[%swap3A_1815, %swap3A_1816] {strides = array<i32>} : memref<8x512xf32, #tpu.memory_space<vmem>>, vector<16xf32>,
      tpu.vector_store %arg9[%swap3A_1815, %swap3A_1816], %mul3A_1811 {strides = array<i32>} : memref<8x512xf32, #tpu.memory_space<vmem>>, vector<16xf32>,
      %add3A_1818 = arith.constant 1 : i32
      %add3A_1819 = vector.broadcast %add3A_1818 : i32 to vector<16xi32>
      %add3A_1820 = arith.addi %mul3A_1803, %add3A_1819 : vector<16xi32>
      %gather3A_1821 = tpu.vector_load_idx %arg8[%add3A_1820, %and3A_1797] : memref<256x128xf32, #tpu.memory_space<vmem>>[vector<16xi32>, vector<16xi32>], vector<16xf32>,
      %slice3A_1822 = vector.extract_strided_slice %get3A_1 {offsets = [1], sizes = [1], strides = [1]} : vector<16xf32> to vector<1xf32>
      %squeeze3A_1823 = vector.extract %slice3A_1822[0] : f32 from vector<1xf32>
      %broadcast_in_dim3A_1824 = vector.broadcast %squeeze3A_1823 : f32 to vector<16xf32>
      %mul3A_1825 = arith.mulf %gather3A_1821, %broadcast_in_dim3A_1824 : vector<16xf32>
      %add3A_1826 = arith.constant 0 : i32
      %add3A_1827 = arith.addi %mul3A_1788, %add3A_1826 : i32
      %swap3A_1828 = arith.constant 1 : i32
      %swap3A_1829 = arith.index_cast %swap3A_1828 : i32 to index
      %swap3A_1830 = arith.index_cast %add3A_1827 : i32 to index
      %swap3A_1831 = tpu.vector_load %arg9[%swap3A_1829, %swap3A_1830] {strides = array<i32>} : memref<8x512xf32, #tpu.memory_space<vmem>>, vector<16xf32>,
      tpu.vector_store %arg9[%swap3A_1829, %swap3A_1830], %mul3A_1825 {strides = array<i32>} : memref<8x512xf32, #tpu.memory_space<vmem>>, vector<16xf32>,
      %add3A_1832 = arith.constant 2 : i32
      %add3A_1833 = vector.broadcast %add3A_1832 : i32 to vector<16xi32>
      %add3A_1834 = arith.addi %mul3A_1803, %add3A_1833 : vector<16xi32>
      %gather3A_1835 = tpu.vector_load_idx %arg8[%add3A_1834, %and3A_1797] : memref<256x128xf32, #tpu.memory_space<vmem>>[vector<16xi32>, vector<16xi32>], vector<16xf32>,
      %slice3A_1836 = vector.extract_strided_slice %get3A_1 {offsets = [2], sizes = [1], strides = [1]} : vector<16xf32> to vector<1xf32>
      %squeeze3A_1837 = vector.extract %slice3A_1836[0] : f32 from vector<1xf32>
      %broadcast_in_dim3A_1838 = vector.broadcast %squeeze3A_1837 : f32 to vector<16xf32>
      %mul3A_1839 = arith.mulf %gather3A_1835, %broadcast_in_dim3A_1838 : vector<16xf32>
      %add3A_1840 = arith.constant 0 : i32
      %add3A_1841 = arith.addi %mul3A_1788, %add3A_1840 : i32
      %swap3A_1842 = arith.constant 2 : i32
      %swap3A_1843 = arith.index_cast %swap3A_1842 : i32 to index
      %swap3A_1844 = arith.index_cast %add3A_1841 : i32 to index
      %swap3A_1845 = tpu.vector_load %arg9[%swap3A_1843, %swap3A_1844] {strides = array<i32>} : memref<8x512xf32, #tpu.memory_space<vmem>>, vector<16xf32>,
      tpu.vector_store %arg9[%swap3A_1843, %swap3A_1844], %mul3A_1839 {strides = array<i32>} : memref<8x512xf32, #tpu.memory_space<vmem>>, vector<16xf32>,
      %add3A_1846 = arith.constant 3 : i32
      %add3A_1847 = vector.broadcast %add3A_1846 : i32 to vector<16xi32>
      %add3A_1848 = arith.addi %mul3A_1803, %add3A_1847 : vector<16xi32>
      %gather3A_1849 = tpu.vector_load_idx %arg8[%add3A_1848, %and3A_1797] : memref<256x128xf32, #tpu.memory_space<vmem>>[vector<16xi32>, vector<16xi32>], vector<16xf32>,
      %slice3A_1850 = vector.extract_strided_slice %get3A_1 {offsets = [3], sizes = [1], strides = [1]} : vector<16xf32> to vector<1xf32>
      %squeeze3A_1851 = vector.extract %slice3A_1850[0] : f32 from vector<1xf32>
      %broadcast_in_dim3A_1852 = vector.broadcast %squeeze3A_1851 : f32 to vector<16xf32>
      %mul3A_1853 = arith.mulf %gather3A_1849, %broadcast_in_dim3A_1852 : vector<16xf32>
      %add3A_1854 = arith.constant 0 : i32
      %add3A_1855 = arith.addi %mul3A_1788, %add3A_1854 : i32
      %swap3A_1856 = arith.constant 3 : i32
      %swap3A_1857 = arith.index_cast %swap3A_1856 : i32 to index
      %swap3A_1858 = arith.index_cast %add3A_1855 : i32 to index
      %swap3A_1859 = tpu.vector_load %arg9[%swap3A_1857, %swap3A_1858] {strides = array<i32>} : memref<8x512xf32, #tpu.memory_space<vmem>>, vector<16xf32>,
      tpu.vector_store %arg9[%swap3A_1857, %swap3A_1858], %mul3A_1853 {strides = array<i32>} : memref<8x512xf32, #tpu.memory_space<vmem>>, vector<16xf32>,
      %add3A_1860 = arith.constant 4 : i32
      %add3A_1861 = vector.broadcast %add3A_1860 : i32 to vector<16xi32>
      %add3A_1862 = arith.addi %mul3A_1803, %add3A_1861 : vector<16xi32>
      %gather3A_1863 = tpu.vector_load_idx %arg8[%add3A_1862, %and3A_1797] : memref<256x128xf32, #tpu.memory_space<vmem>>[vector<16xi32>, vector<16xi32>], vector<16xf32>,
      %slice3A_1864 = vector.extract_strided_slice %get3A_1 {offsets = [4], sizes = [1], strides = [1]} : vector<16xf32> to vector<1xf32>
      %squeeze3A_1865 = vector.extract %slice3A_1864[0] : f32 from vector<1xf32>
      %broadcast_in_dim3A_1866 = vector.broadcast %squeeze3A_1865 : f32 to vector<16xf32>
      %mul3A_1867 = arith.mulf %gather3A_1863, %broadcast_in_dim3A_1866 : vector<16xf32>
      %add3A_1868 = arith.constant 0 : i32
      %add3A_1869 = arith.addi %mul3A_1788, %add3A_1868 : i32
      %swap3A_1870 = arith.constant 4 : i32
      %swap3A_1871 = arith.index_cast %swap3A_1870 : i32 to index
      %swap3A_1872 = arith.index_cast %add3A_1869 : i32 to index
      %swap3A_1873 = tpu.vector_load %arg9[%swap3A_1871, %swap3A_1872] {strides = array<i32>} : memref<8x512xf32, #tpu.memory_space<vmem>>, vector<16xf32>,
      tpu.vector_store %arg9[%swap3A_1871, %swap3A_1872], %mul3A_1867 {strides = array<i32>} : memref<8x512xf32, #tpu.memory_space<vmem>>, vector<16xf32>,
      %add3A_1874 = arith.constant 5 : i32
      %add3A_1875 = vector.broadcast %add3A_1874 : i32 to vector<16xi32>
      %add3A_1876 = arith.addi %mul3A_1803, %add3A_1875 : vector<16xi32>
      %gather3A_1877 = tpu.vector_load_idx %arg8[%add3A_1876, %and3A_1797] : memref<256x128xf32, #tpu.memory_space<vmem>>[vector<16xi32>, vector<16xi32>], vector<16xf32>,
      %slice3A_1878 = vector.extract_strided_slice %get3A_1 {offsets = [5], sizes = [1], strides = [1]} : vector<16xf32> to vector<1xf32>
      %squeeze3A_1879 = vector.extract %slice3A_1878[0] : f32 from vector<1xf32>
      %broadcast_in_dim3A_1880 = vector.broadcast %squeeze3A_1879 : f32 to vector<16xf32>
      %mul3A_1881 = arith.mulf %gather3A_1877, %broadcast_in_dim3A_1880 : vector<16xf32>
      %add3A_1882 = arith.constant 0 : i32
      %add3A_1883 = arith.addi %mul3A_1788, %add3A_1882 : i32
      %swap3A_1884 = arith.constant 5 : i32
      %swap3A_1885 = arith.index_cast %swap3A_1884 : i32 to index
      %swap3A_1886 = arith.index_cast %add3A_1883 : i32 to index
      %swap3A_1887 = tpu.vector_load %arg9[%swap3A_1885, %swap3A_1886] {strides = array<i32>} : memref<8x512xf32, #tpu.memory_space<vmem>>, vector<16xf32>,
      tpu.vector_store %arg9[%swap3A_1885, %swap3A_1886], %mul3A_1881 {strides = array<i32>} : memref<8x512xf32, #tpu.memory_space<vmem>>, vector<16xf32>,
      %add3A_1888 = arith.constant 6 : i32
      %add3A_1889 = vector.broadcast %add3A_1888 : i32 to vector<16xi32>
      %add3A_1890 = arith.addi %mul3A_1803, %add3A_1889 : vector<16xi32>
      %gather3A_1891 = tpu.vector_load_idx %arg8[%add3A_1890, %and3A_1797] : memref<256x128xf32, #tpu.memory_space<vmem>>[vector<16xi32>, vector<16xi32>], vector<16xf32>,
      %slice3A_1892 = vector.extract_strided_slice %get3A_1 {offsets = [6], sizes = [1], strides = [1]} : vector<16xf32> to vector<1xf32>
      %squeeze3A_1893 = vector.extract %slice3A_1892[0] : f32 from vector<1xf32>
      %broadcast_in_dim3A_1894 = vector.broadcast %squeeze3A_1893 : f32 to vector<16xf32>
      %mul3A_1895 = arith.mulf %gather3A_1891, %broadcast_in_dim3A_1894 : vector<16xf32>
      %add3A_1896 = arith.constant 0 : i32
      %add3A_1897 = arith.addi %mul3A_1788, %add3A_1896 : i32
      %swap3A_1898 = arith.constant 6 : i32
      %swap3A_1899 = arith.index_cast %swap3A_1898 : i32 to index
      %swap3A_1900 = arith.index_cast %add3A_1897 : i32 to index
      %swap3A_1901 = tpu.vector_load %arg9[%swap3A_1899, %swap3A_1900] {strides = array<i32>} : memref<8x512xf32, #tpu.memory_space<vmem>>, vector<16xf32>,
      tpu.vector_store %arg9[%swap3A_1899, %swap3A_1900], %mul3A_1895 {strides = array<i32>} : memref<8x512xf32, #tpu.memory_space<vmem>>, vector<16xf32>,
      %add3A_1902 = arith.constant 7 : i32
      %add3A_1903 = vector.broadcast %add3A_1902 : i32 to vector<16xi32>
      %add3A_1904 = arith.addi %mul3A_1803, %add3A_1903 : vector<16xi32>
      %gather3A_1905 = tpu.vector_load_idx %arg8[%add3A_1904, %and3A_1797] : memref<256x128xf32, #tpu.memory_space<vmem>>[vector<16xi32>, vector<16xi32>], vector<16xf32>,
      %slice3A_1906 = vector.extract_strided_slice %get3A_1 {offsets = [7], sizes = [1], strides = [1]} : vector<16xf32> to vector<1xf32>
      %squeeze3A_1907 = vector.extract %slice3A_1906[0] : f32 from vector<1xf32>
      %broadcast_in_dim3A_1908 = vector.broadcast %squeeze3A_1907 : f32 to vector<16xf32>
      %mul3A_1909 = arith.mulf %gather3A_1905, %broadcast_in_dim3A_1908 : vector<16xf32>
      %add3A_1910 = arith.constant 0 : i32
      %add3A_1911 = arith.addi %mul3A_1788, %add3A_1910 : i32
      %swap3A_1912 = arith.constant 7 : i32
      %swap3A_1913 = arith.index_cast %swap3A_1912 : i32 to index
      %swap3A_1914 = arith.index_cast %add3A_1911 : i32 to index
      %swap3A_1915 = tpu.vector_load %arg9[%swap3A_1913, %swap3A_1914] {strides = array<i32>} : memref<8x512xf32, #tpu.memory_space<vmem>>, vector<16xf32>,
      tpu.vector_store %arg9[%swap3A_1913, %swap3A_1914], %mul3A_1909 {strides = array<i32>} : memref<8x512xf32, #tpu.memory_space<vmem>>, vector<16xf32>,
      %add3A_1916 = arith.constant 16 : i32
      %add3A_1917 = arith.addi %mul3A_1788, %add3A_1916 : i32
      %get3A_1918 = arith.constant 0 : i32
      %get3A_1919 = arith.index_cast %get3A_1918 : i32 to index
      %get3A_1920 = arith.index_cast %add3A_1917 : i32 to index
      %get3A_1921 = tpu.vector_load %arg6[%get3A_1919, %get3A_1920] {strides = array<i32>} : memref<1x512xi32, #tpu.memory_space<vmem>>, vector<16xi32>,
      %and3A_1922 = arith.constant 127 : i32
      %and3A_1923 = vector.broadcast %and3A_1922 : i32 to vector<16xi32>
      %and3A_1924 = arith.andi %get3A_1921, %and3A_1923 : vector<16xi32>
      %add3A_1925 = arith.constant 16 : i32
      %add3A_1926 = vector.broadcast %add3A_1925 : i32 to vector<16xi32>
      %add3A_1927 = arith.addi %add3A_1926, %iota3A : vector<16xi32>
      %mul3A_1928 = arith.constant 8 : i32
      %mul3A_1929 = vector.broadcast %mul3A_1928 : i32 to vector<16xi32>
      %mul3A_1930 = arith.muli %add3A_1927, %mul3A_1929 : vector<16xi32>
      %add3A_1931 = arith.constant 0 : i32
      %add3A_1932 = vector.broadcast %add3A_1931 : i32 to vector<16xi32>
      %add3A_1933 = arith.addi %mul3A_1930, %add3A_1932 : vector<16xi32>
      %gather3A_1934 = tpu.vector_load_idx %arg8[%add3A_1933, %and3A_1924] : memref<256x128xf32, #tpu.memory_space<vmem>>[vector<16xi32>, vector<16xi32>], vector<16xf32>,
      %slice3A_1935 = vector.extract_strided_slice %get3A_1 {offsets = [0], sizes = [1], strides = [1]} : vector<16xf32> to vector<1xf32>
      %squeeze3A_1936 = vector.extract %slice3A_1935[0] : f32 from vector<1xf32>
      %broadcast_in_dim3A_1937 = vector.broadcast %squeeze3A_1936 : f32 to vector<16xf32>
      %mul3A_1938 = arith.mulf %gather3A_1934, %broadcast_in_dim3A_1937 : vector<16xf32>
      %add3A_1939 = arith.constant 16 : i32
      %add3A_1940 = arith.addi %mul3A_1788, %add3A_1939 : i32
      %swap3A_1941 = arith.constant 0 : i32
      %swap3A_1942 = arith.index_cast %swap3A_1941 : i32 to index
      %swap3A_1943 = arith.index_cast %add3A_1940 : i32 to index
      %swap3A_1944 = tpu.vector_load %arg9[%swap3A_1942, %swap3A_1943] {strides = array<i32>} : memref<8x512xf32, #tpu.memory_space<vmem>>, vector<16xf32>,
      tpu.vector_store %arg9[%swap3A_1942, %swap3A_1943], %mul3A_1938 {strides = array<i32>} : memref<8x512xf32, #tpu.memory_space<vmem>>, vector<16xf32>,
      %add3A_1945 = arith.constant 1 : i32
      %add3A_1946 = vector.broadcast %add3A_1945 : i32 to vector<16xi32>
      %add3A_1947 = arith.addi %mul3A_1930, %add3A_1946 : vector<16xi32>
      %gather3A_1948 = tpu.vector_load_idx %arg8[%add3A_1947, %and3A_1924] : memref<256x128xf32, #tpu.memory_space<vmem>>[vector<16xi32>, vector<16xi32>], vector<16xf32>,
      %slice3A_1949 = vector.extract_strided_slice %get3A_1 {offsets = [1], sizes = [1], strides = [1]} : vector<16xf32> to vector<1xf32>
      %squeeze3A_1950 = vector.extract %slice3A_1949[0] : f32 from vector<1xf32>
      %broadcast_in_dim3A_1951 = vector.broadcast %squeeze3A_1950 : f32 to vector<16xf32>
      %mul3A_1952 = arith.mulf %gather3A_1948, %broadcast_in_dim3A_1951 : vector<16xf32>
      %add3A_1953 = arith.constant 16 : i32
      %add3A_1954 = arith.addi %mul3A_1788, %add3A_1953 : i32
      %swap3A_1955 = arith.constant 1 : i32
      %swap3A_1956 = arith.index_cast %swap3A_1955 : i32 to index
      %swap3A_1957 = arith.index_cast %add3A_1954 : i32 to index
      %swap3A_1958 = tpu.vector_load %arg9[%swap3A_1956, %swap3A_1957] {strides = array<i32>} : memref<8x512xf32, #tpu.memory_space<vmem>>, vector<16xf32>,
      tpu.vector_store %arg9[%swap3A_1956, %swap3A_1957], %mul3A_1952 {strides = array<i32>} : memref<8x512xf32, #tpu.memory_space<vmem>>, vector<16xf32>,
      %add3A_1959 = arith.constant 2 : i32
      %add3A_1960 = vector.broadcast %add3A_1959 : i32 to vector<16xi32>
      %add3A_1961 = arith.addi %mul3A_1930, %add3A_1960 : vector<16xi32>
      %gather3A_1962 = tpu.vector_load_idx %arg8[%add3A_1961, %and3A_1924] : memref<256x128xf32, #tpu.memory_space<vmem>>[vector<16xi32>, vector<16xi32>], vector<16xf32>,
      %slice3A_1963 = vector.extract_strided_slice %get3A_1 {offsets = [2], sizes = [1], strides = [1]} : vector<16xf32> to vector<1xf32>
      %squeeze3A_1964 = vector.extract %slice3A_1963[0] : f32 from vector<1xf32>
      %broadcast_in_dim3A_1965 = vector.broadcast %squeeze3A_1964 : f32 to vector<16xf32>
      %mul3A_1966 = arith.mulf %gather3A_1962, %broadcast_in_dim3A_1965 : vector<16xf32>
      %add3A_1967 = arith.constant 16 : i32
      %add3A_1968 = arith.addi %mul3A_1788, %add3A_1967 : i32
      %swap3A_1969 = arith.constant 2 : i32
      %swap3A_1970 = arith.index_cast %swap3A_1969 : i32 to index
      %swap3A_1971 = arith.index_cast %add3A_1968 : i32 to index
      %swap3A_1972 = tpu.vector_load %arg9[%swap3A_1970, %swap3A_1971] {strides = array<i32>} : memref<8x512xf32, #tpu.memory_space<vmem>>, vector<16xf32>,
      tpu.vector_store %arg9[%swap3A_1970, %swap3A_1971], %mul3A_1966 {strides = array<i32>} : memref<8x512xf32, #tpu.memory_space<vmem>>, vector<16xf32>,
      %add3A_1973 = arith.constant 3 : i32
      %add3A_1974 = vector.broadcast %add3A_1973 : i32 to vector<16xi32>
      %add3A_1975 = arith.addi %mul3A_1930, %add3A_1974 : vector<16xi32>
      %gather3A_1976 = tpu.vector_load_idx %arg8[%add3A_1975, %and3A_1924] : memref<256x128xf32, #tpu.memory_space<vmem>>[vector<16xi32>, vector<16xi32>], vector<16xf32>,
      %slice3A_1977 = vector.extract_strided_slice %get3A_1 {offsets = [3], sizes = [1], strides = [1]} : vector<16xf32> to vector<1xf32>
      %squeeze3A_1978 = vector.extract %slice3A_1977[0] : f32 from vector<1xf32>
      %broadcast_in_dim3A_1979 = vector.broadcast %squeeze3A_1978 : f32 to vector<16xf32>
      %mul3A_1980 = arith.mulf %gather3A_1976, %broadcast_in_dim3A_1979 : vector<16xf32>
      %add3A_1981 = arith.constant 16 : i32
      %add3A_1982 = arith.addi %mul3A_1788, %add3A_1981 : i32
      %swap3A_1983 = arith.constant 3 : i32
      %swap3A_1984 = arith.index_cast %swap3A_1983 : i32 to index
      %swap3A_1985 = arith.index_cast %add3A_1982 : i32 to index
      %swap3A_1986 = tpu.vector_load %arg9[%swap3A_1984, %swap3A_1985] {strides = array<i32>} : memref<8x512xf32, #tpu.memory_space<vmem>>, vector<16xf32>,
      tpu.vector_store %arg9[%swap3A_1984, %swap3A_1985], %mul3A_1980 {strides = array<i32>} : memref<8x512xf32, #tpu.memory_space<vmem>>, vector<16xf32>,
      %add3A_1987 = arith.constant 4 : i32
      %add3A_1988 = vector.broadcast %add3A_1987 : i32 to vector<16xi32>
      %add3A_1989 = arith.addi %mul3A_1930, %add3A_1988 : vector<16xi32>
      %gather3A_1990 = tpu.vector_load_idx %arg8[%add3A_1989, %and3A_1924] : memref<256x128xf32, #tpu.memory_space<vmem>>[vector<16xi32>, vector<16xi32>], vector<16xf32>,
      %slice3A_1991 = vector.extract_strided_slice %get3A_1 {offsets = [4], sizes = [1], strides = [1]} : vector<16xf32> to vector<1xf32>
      %squeeze3A_1992 = vector.extract %slice3A_1991[0] : f32 from vector<1xf32>
      %broadcast_in_dim3A_1993 = vector.broadcast %squeeze3A_1992 : f32 to vector<16xf32>
      %mul3A_1994 = arith.mulf %gather3A_1990, %broadcast_in_dim3A_1993 : vector<16xf32>
      %add3A_1995 = arith.constant 16 : i32
      %add3A_1996 = arith.addi %mul3A_1788, %add3A_1995 : i32
      %swap3A_1997 = arith.constant 4 : i32
      %swap3A_1998 = arith.index_cast %swap3A_1997 : i32 to index
      %swap3A_1999 = arith.index_cast %add3A_1996 : i32 to index
      %swap3A_2000 = tpu.vector_load %arg9[%swap3A_1998, %swap3A_1999] {strides = array<i32>} : memref<8x512xf32, #tpu.memory_space<vmem>>, vector<16xf32>,
      tpu.vector_store %arg9[%swap3A_1998, %swap3A_1999], %mul3A_1994 {strides = array<i32>} : memref<8x512xf32, #tpu.memory_space<vmem>>, vector<16xf32>,
      %add3A_2001 = arith.constant 5 : i32
      %add3A_2002 = vector.broadcast %add3A_2001 : i32 to vector<16xi32>
      %add3A_2003 = arith.addi %mul3A_1930, %add3A_2002 : vector<16xi32>
      %gather3A_2004 = tpu.vector_load_idx %arg8[%add3A_2003, %and3A_1924] : memref<256x128xf32, #tpu.memory_space<vmem>>[vector<16xi32>, vector<16xi32>], vector<16xf32>,
      %slice3A_2005 = vector.extract_strided_slice %get3A_1 {offsets = [5], sizes = [1], strides = [1]} : vector<16xf32> to vector<1xf32>
      %squeeze3A_2006 = vector.extract %slice3A_2005[0] : f32 from vector<1xf32>
      %broadcast_in_dim3A_2007 = vector.broadcast %squeeze3A_2006 : f32 to vector<16xf32>
      %mul3A_2008 = arith.mulf %gather3A_2004, %broadcast_in_dim3A_2007 : vector<16xf32>
      %add3A_2009 = arith.constant 16 : i32
      %add3A_2010 = arith.addi %mul3A_1788, %add3A_2009 : i32
      %swap3A_2011 = arith.constant 5 : i32
      %swap3A_2012 = arith.index_cast %swap3A_2011 : i32 to index
      %swap3A_2013 = arith.index_cast %add3A_2010 : i32 to index
      %swap3A_2014 = tpu.vector_load %arg9[%swap3A_2012, %swap3A_2013] {strides = array<i32>} : memref<8x512xf32, #tpu.memory_space<vmem>>, vector<16xf32>,
      tpu.vector_store %arg9[%swap3A_2012, %swap3A_2013], %mul3A_2008 {strides = array<i32>} : memref<8x512xf32, #tpu.memory_space<vmem>>, vector<16xf32>,
      %add3A_2015 = arith.constant 6 : i32
      %add3A_2016 = vector.broadcast %add3A_2015 : i32 to vector<16xi32>
      %add3A_2017 = arith.addi %mul3A_1930, %add3A_2016 : vector<16xi32>
      %gather3A_2018 = tpu.vector_load_idx %arg8[%add3A_2017, %and3A_1924] : memref<256x128xf32, #tpu.memory_space<vmem>>[vector<16xi32>, vector<16xi32>], vector<16xf32>,
      %slice3A_2019 = vector.extract_strided_slice %get3A_1 {offsets = [6], sizes = [1], strides = [1]} : vector<16xf32> to vector<1xf32>
      %squeeze3A_2020 = vector.extract %slice3A_2019[0] : f32 from vector<1xf32>
      %broadcast_in_dim3A_2021 = vector.broadcast %squeeze3A_2020 : f32 to vector<16xf32>
      %mul3A_2022 = arith.mulf %gather3A_2018, %broadcast_in_dim3A_2021 : vector<16xf32>
      %add3A_2023 = arith.constant 16 : i32
      %add3A_2024 = arith.addi %mul3A_1788, %add3A_2023 : i32
      %swap3A_2025 = arith.constant 6 : i32
      %swap3A_2026 = arith.index_cast %swap3A_2025 : i32 to index
      %swap3A_2027 = arith.index_cast %add3A_2024 : i32 to index
      %swap3A_2028 = tpu.vector_load %arg9[%swap3A_2026, %swap3A_2027] {strides = array<i32>} : memref<8x512xf32, #tpu.memory_space<vmem>>, vector<16xf32>,
      tpu.vector_store %arg9[%swap3A_2026, %swap3A_2027], %mul3A_2022 {strides = array<i32>} : memref<8x512xf32, #tpu.memory_space<vmem>>, vector<16xf32>,
      %add3A_2029 = arith.constant 7 : i32
      %add3A_2030 = vector.broadcast %add3A_2029 : i32 to vector<16xi32>
      %add3A_2031 = arith.addi %mul3A_1930, %add3A_2030 : vector<16xi32>
      %gather3A_2032 = tpu.vector_load_idx %arg8[%add3A_2031, %and3A_1924] : memref<256x128xf32, #tpu.memory_space<vmem>>[vector<16xi32>, vector<16xi32>], vector<16xf32>,
      %slice3A_2033 = vector.extract_strided_slice %get3A_1 {offsets = [7], sizes = [1], strides = [1]} : vector<16xf32> to vector<1xf32>
      %squeeze3A_2034 = vector.extract %slice3A_2033[0] : f32 from vector<1xf32>
      %broadcast_in_dim3A_2035 = vector.broadcast %squeeze3A_2034 : f32 to vector<16xf32>
      %mul3A_2036 = arith.mulf %gather3A_2032, %broadcast_in_dim3A_2035 : vector<16xf32>
      %add3A_2037 = arith.constant 16 : i32
      %add3A_2038 = arith.addi %mul3A_1788, %add3A_2037 : i32
      %swap3A_2039 = arith.constant 7 : i32
      %swap3A_2040 = arith.index_cast %swap3A_2039 : i32 to index
      %swap3A_2041 = arith.index_cast %add3A_2038 : i32 to index
      %swap3A_2042 = tpu.vector_load %arg9[%swap3A_2040, %swap3A_2041] {strides = array<i32>} : memref<8x512xf32, #tpu.memory_space<vmem>>, vector<16xf32>,
      tpu.vector_store %arg9[%swap3A_2040, %swap3A_2041], %mul3A_2036 {strides = array<i32>} : memref<8x512xf32, #tpu.memory_space<vmem>>, vector<16xf32>,
      %scan3A_2043 = arith.constant 0 : i32
      scf.yield %scan3A_2043 : i32
    }
    %scan3A_7 = arith.constant 8 : i32
    %mul3A_8 = arith.constant 512 : i32
    %mul3A_9 = arith.muli %add3A, %mul3A_8 : i32
    "tpu.region"() ({
      %run_scoped3A = tpu.sem_alloc : memref<!tpu.dma_semaphore, #tpu.memory_space<semaphore_mem>>
      %dma_start3A = arith.constant 0 : i32
      %dma_start3A_10 = tpu.memref_slice %arg5[%dma_start3A, %mul3A_9] : memref<8x16384xf32, #tpu.memory_space<hbm>> -> memref<8x512xf32, #tpu.memory_space<hbm>>
      %dma_start3A_11 = arith.constant 0 : i32
      %dma_start3A_12 = tpu.memref_slice %arg5[%dma_start3A_11, %mul3A_9] : memref<8x16384xf32, #tpu.memory_space<hbm>> -> memref<8x512xf32, #tpu.memory_space<hbm>>
      tpu.enqueue_dma source(%arg9 : memref<8x512xf32, #tpu.memory_space<vmem>>) target(%dma_start3A_12 : memref<8x512xf32, #tpu.memory_space<hbm>>) target_semaphore(%run_scoped3A : memref<!tpu.dma_semaphore, #tpu.memory_space<semaphore_mem>>)
      %dma_wait3A = arith.constant 0 : i32
      %dma_wait3A_13 = tpu.memref_slice %arg5[%dma_wait3A, %mul3A_9] : memref<8x16384xf32, #tpu.memory_space<hbm>> -> memref<8x512xf32, #tpu.memory_space<hbm>>
      %dma_wait3A_14 = arith.constant 0 : i32
      %dma_wait3A_15 = tpu.memref_slice %arg5[%dma_wait3A_14, %mul3A_9] : memref<8x16384xf32, #tpu.memory_space<hbm>> -> memref<8x512xf32, #tpu.memory_space<hbm>>
      tpu.wait_dma2 semaphore(%run_scoped3A : memref<!tpu.dma_semaphore, #tpu.memory_space<semaphore_mem>>) src(%arg9 : memref<8x512xf32, #tpu.memory_space<vmem>>) dst(%dma_wait3A_15 : memref<8x512xf32, #tpu.memory_space<hbm>>)
      tpu.yield
    }) : () -> ()
    return
  }
}

</mosaic_0001>

<sc_bundles>
// kernel: kernel.3.cloned.1.call-start
scs
__scs_entry_jumppad:
0x0: {  	(pc) =	sbr.rel $0x88, $3  }
0x1: {  	(tag) =	ssettag $0x0;
	lr =	simm.s32 $0x1  }
0x2: {  	[smem:$0x3F9E] =	sst lr;
	_ =	strace $0xD0000000  }
0x3: {  	_ = 	snop  }
0x4: {  	_ = 	snop  }
0x5: {  	_ = 	snop  }
0x6: {  	_ = 	snop  }
0x7: {  	_ = 	snop  }
__scs_overlays_trampoline_lowered:
0x8: {  	[smem:$0x3FAD] =	sst s0  }
0x9: {  	[smem:$0x3FAE] =	sst s1  }
0xa: {  	[smem:$0x3FAF] =	sst s2  }
0xb: {  	[smem:$0x3FB0] =	sst s3  }
0xc: {  	[smem:$0x3FB1] =	sst s4  }
0xd: {  	[smem:$0x3FB2] =	sst s5  }
0xe: {  	[smem:$0x3FB3] =	sst s6  }
0xf: {  	[smem:$0x3FB4] =	sst s7  }
0x10: {  	[smem:$0x3FB5] =	sst s8  }
0x11: {  	[smem:$0x3FB6] =	sst s9;
	s0 =	simm.s32 @!p0 $0x0  }
0x12: {  	s1 =	sld [smem:$0x3F9C];
	s0 =	simm.s32 @p0 $0x1  }
0x13: {  	[smem:$0x3FB7] =	sst s0;
	s0 =	simm.s32 @!p1 $0x0  }
0x14: {  	s2 =	sld [smem:$0x3F9B];
	s0 =	simm.s32 @p1 $0x1  }
0x15: {  	[smem:$0x3FB8] =	sst s0;
	s0 =	simm.s32 @!p2 $0x0  }
0x16: {  	s3 =	sld [smem:$0x3FDB];
	s0 =	simm.s32 @p2 $0x1  }
0x17: {  	s4 =	simm.s32 $0x1BF5;
	[smem:$0x3FBA] =	sst s0  }
0x18: {  	s0 =	sld [smem:$0x3F9D];
	_ =	swait.ge [sflag:s4], $0x0  }
0x19: {  	s7 =	sld [smem:$0x3F9E]  }
0x1a: {  	s8 =	sadd.s32 $0xFFFFE003, lr  }
0x1b: {  	s9 =	sadd.s32 $0xFFFFFEF7, lr;
	s5 =	simm.s32 $0xFFFFFFFF;
	p2 =	slt.u32 s8, $0xFFFFF086  }
0x1c: {  	p1 =	slt.u32 s9, $0xF7A;
	s5 =	simm.s32 @!p2 $0x0  }
0x1d: {  	s5 =	simm.s32 @p1 $0x1;
	p0 =	seq.s32 s7, s2  }
0x1e: {  	s7 =	smul.u32 @!p0 $0xF7A, s2;
	p2 =	seq.s32 @!p0 s5, $0x0  }
0x1f: {  	s9 =	smul.u32 $0xF7A, s1;
	s8 =	simm.s32 @!p0 $0x1BF5;
	p2 =	por !p2, p0  }
0x20: {  	[sflag:s8] =	ssyncset.s32 @!p0 $0xFFFFF086;
	s6 =	sadd.s32 @!p0 s3, s7;
	s7 =	simm.s32 @!p0 $0x108  }
0x21: {  	s3 =	sadd.s32 s3, s9;
	s6 =	sadd.s32 @!p0 $0x88, s6;
	s7 =	simm.s32 @p2 $0x1082  }
0x22: {  	[simem:s7], [sflag:s8] =	dma.local @!p0 [hbm:s6], $0xF7A  }
0x23: {  	s9 =	sor.u32 $0xD0000000, s2;
	s6 =	simm.s32 $0x108;
	_ =	swait.ge @!p0 [sflag:s8], $0x0  }
0x24: {  	s3 =	sadd.s32 $0x88, s3;
	s6 =	simm.s32 @!p1 $0x1082;
	[sflag:s4] =	ssyncset.s32 $0xFFFFF086  }
0x25: {  	[simem:s6], [sflag:s4] =	dma.local [hbm:s3], $0xF7A  }
0x26: {  	[smem:$0x3F9E] =	sst s1;
	(tag) =	ssettag s2;
	_ =	strace s9  }
0x27: {  	s1 =	sld [smem:$0x3FAE]  }
0x28: {  	s2 =	sld [smem:$0x3FAF]  }
0x29: {  	s4 =	sld [smem:$0x3FB1]  }
0x2a: {  	p0 =	seq.s32 s5, $0x0;
	s5 =	sld [smem:$0x3FB2]  }
0x2b: {  	s6 =	sld [smem:$0x3FB3]  }
0x2c: {  	s7 =	sld [smem:$0x3FB4]  }
0x2d: {  	s3 =	simm.s32 $0x108;
	s8 =	sld [smem:$0x3FB5]  }
0x2e: {  	s3 =	simm.s32 @!p0 $0x1082;
	s9 =	sld [smem:$0x3FB6]  }
0x2f: {  	lr =	sadd.s32 s0, s3;
	s0 =	sld [smem:$0x3FAD]  }
0x30: {  	s3 =	sld [smem:$0x3FB0]  }
0x31: {  	[smem:$0x3FB9] =	sst s10  }
0x32: {  	s10 =	sld [smem:$0x3FB7];
	_ =	sdelay $0x3  }
0x33: {  	p0 =	seq.s32 s10, $0x1;
	s10 =	sld [smem:$0x3FB9];
	_ =	sdelay $0x3  }
0x34: {  	[smem:$0x3FB9] =	sst s10  }
0x35: {  	s10 =	sld [smem:$0x3FB8];
	_ =	sdelay $0x3  }
0x36: {  	p1 =	seq.s32 s10, $0x1;
	s10 =	sld [smem:$0x3FB9];
	_ =	sdelay $0x3  }
0x37: {  	[smem:$0x3FB9] =	sst s10  }
0x38: {  	s10 =	sld [smem:$0x3FBA]  }
0x39: {  	_ = 	snop;
	(pc) =	sbr.ind lr, $3  }
0x3a: {  	_ = 	snop  }
0x3b: {  	_ = 	snop  }
0x3c: {  	p2 =	seq.s32 s10, $0x1;
	s10 =	sld [smem:$0x3FB9]  }
0x3d: {  	_ =	shalt  }
0x3e: {  	_ =	shalt  }
0x3f: {  	_ =	shalt  }
0x40: {  	_ =	shalt  }
0x41: {  	_ =	shalt  }
0x42: {  	_ =	shalt  }
0x43: {  	_ =	shalt  }
0x44: {  	_ =	shalt  }
0x45: {  	_ =	shalt  }
0x46: {  	_ =	shalt  }
0x47: {  	_ =	shalt  }
0x48: {  	_ =	shalt  }
0x49: {  	_ =	shalt  }
0x4a: {  	_ =	shalt  }
0x4b: {  	_ =	shalt  }
0x4c: {  	_ =	shalt  }
0x4d: {  	_ =	shalt  }
0x4e: {  	_ =	shalt  }
0x4f: {  	_ =	shalt  }
0x50: {  	_ =	shalt  }
0x51: {  	_ =	shalt  }
0x52: {  	_ =	shalt  }
0x53: {  	_ =	shalt  }
0x54: {  	_ =	shalt  }
0x55: {  	_ =	shalt  }
0x56: {  	_ =	shalt  }
0x57: {  	_ =	shalt  }
0x58: {  	_ =	shalt  }
0x59: {  	_ =	shalt  }
0x5a: {  	_ =	shalt  }
0x5b: {  	_ =	shalt  }
0x5c: {  	_ =	shalt  }
0x5d: {  	_ =	shalt  }
0x5e: {  	_ =	shalt  }
0x5f: {  	_ =	shalt  }
0x60: {  	_ =	shalt  }
0x61: {  	_ =	shalt  }
0x62: {  	_ =	shalt  }
0x63: {  	_ =	shalt  }
0x64: {  	_ =	shalt  }
0x65: {  	_ =	shalt  }
0x66: {  	_ =	shalt  }
0x67: {  	_ =	shalt  }
0x68: {  	_ =	shalt  }
0x69: {  	_ =	shalt  }
0x6a: {  	_ =	shalt  }
0x6b: {  	_ =	shalt  }
0x6c: {  	_ =	shalt  }
0x6d: {  	_ =	shalt  }
0x6e: {  	_ =	shalt  }
0x6f: {  	_ =	shalt  }
0x70: {  	_ =	shalt  }
0x71: {  	_ =	shalt  }
0x72: {  	_ =	shalt  }
0x73: {  	_ =	shalt  }
0x74: {  	_ =	shalt  }
0x75: {  	_ =	shalt  }
0x76: {  	_ =	shalt  }
0x77: {  	_ =	shalt  }
0x78: {  	_ =	shalt  }
0x79: {  	_ =	shalt  }
0x7a: {  	_ =	shalt  }
0x7b: {  	_ =	shalt  }
0x7c: {  	_ =	shalt  }
0x7d: {  	_ =	shalt  }
0x7e: {  	_ =	shalt  }
0x7f: {  	_ =	shalt  }
0x80: {  	_ =	shalt  }
0x81: {  	_ =	shalt  }
0x82: {  	_ =	shalt  }
0x83: {  	_ =	shalt  }
0x84: {  	_ =	shalt  }
0x85: {  	_ =	shalt  }
0x86: {  	_ =	shalt  }
0x87: {  	_ =	shalt  }
.Lfunc_end0:
.L_simem_size_0:
called_computation_lowered:
.L_overlay_start_0:
0x88: {  	s2 =	sld [smem:$0x3FD9]  }
0x89: {  	s3 =	sld [smem:$0x3FFE];
	_ =	sdelay $0x1  }
0x8a: {  	s1 =	srdreg.scid  }
0x8b: {  	s0 =	sand.u32 $0x1, s1  }
0x8c: {  	s17 =	sshll.u32 s0, $0xA;
	s2 =	sadd.s32 s3, s2  }
0x8d: {  	s2 =	sadd.s32 s2, s17  }
0x8e: {  	[smem:$0x3FC5] =	sst s2  }
0x8f: {  	_ = 	snop  }
0x90: {  	s2 =	sld [smem:$0x3FC8]  }
0x91: {  	s18 =	sld [smem:$0x3FC7]  }
0x92: {  	s4 =	sld [smem:$0x3FD0];
	(tm) =	ssettm $0x1  }
0x93: {  	s5 =	sld [smem:$0x3FFB];
	_ =	sdelay $0x3  }
0x94: {  	_ =	strace s5  }
0x95: {  	s5 =	sld [smem:$0x3FFC];
	_ =	sdelay $0x3  }
0x96: {  	_ =	strace s5  }
0x97: {  	s5 =	sld [smem:$0x3FFD];
	_ =	sdelay $0x3  }
0x98: {  	_ =	strace s5  }
0x99: {  	_ =	strace $0x8FFFFFFF  }
0x9a: {  	s19 =	sld [smem:$0x3FDB];
	_ =	sdelay $0x1  }
0x9b: {  	s6 =	simm.s32 $_scs_section_size  }
0x9c: {  	s7 =	simm.s32 $_size__tile_overlayer_lowered;
	s8 =	simm.s32 $_tile_overlayer_lowered  }
0x9d: {  	s22 =	simm.s32 $0x1BFF;
	s21 =	sshll.u32 s8, $0x1;
	s5 =	sadd.s32 s6, s19  }
0x9e: {  	s9 =	simm.s32 $0x0;
	s20 =	sshll.u32 s7, $0x1;
	s7 =	sadd.s32 s21, s5  }
0x9f: {  	[timem:s9], [sflag:s22] =	dma.local [hbm:s7], s20  }
0xa0: {  	_ =	swait.ge [sflag:s22], s20  }
0xa1: {  	s6 =	ssub.s32 $0x0, s20;
	[sflag:s22] =	ssyncset.done $0x0  }
0xa2: {  	[sflag:s22] =	ssyncadd.s32 s6;
	_ =	sdelay $0x1  }
0xa3: {  	s23 =	simm.s32 $0x1B8B  }
0xa4: {  	_ =	swait.ge [sflag:s23], $0x1  }
0xa5: {  	[sflag:s23] =	ssyncset.done $0x0  }
0xa6: {  	s25 =	simm.s32 $0x1B8E;
	s24 =	sld [smem:$0x3FFE];
	[sflag:s23] =	ssyncadd.s32 $0xFFFFFFFF  }
0xa7: {  	s26 =	simm.s32 $execute0_lowered;
	[smem:$0x3FD2] =	sst s25  }
0xa8: {  	s7 =	sshll.u32 s26, $0x1;
	_ =	strace $0x80000046;
	[dreg:$0x1] =	wrdreg $0xFFFFFFFF  }
0xa9: {  	s28 =	simm.s32 $_size_execute0_lowered;
	s5 =	sadd.s32 s5, s7;
	[dreg:$0x0] =	wrdreg $0x0  }
0xaa: {  	s7 =	sshll.u32 s28, $0x1;
	[dreg:$0x2] =	wrdreg s5  }
0xab: {  	[dreg:$0x3] =	wrdreg s7  }
0xac: {  	[dreg:$0x4] =	wrdreg $0xC0  }
0xad: {  	_ =	task [dreg:s9], $0x5FFFF  }
0xae: {  	[dreg:$0x1] =	wrdreg $0xFFFFFFFF  }
0xaf: {  	[dreg:$0x0] =	wrdreg $0x60  }
0xb0: {  	[dreg:$0x2] =	wrdreg s24  }
0xb1: {  	[dreg:$0x3] =	wrdreg s2  }
0xb2: {  	[dreg:$0x4] =	wrdreg s18  }
0xb3: {  	[dreg:$0x5] =	wrdreg s4  }
0xb4: {  	[dreg:$0x6] =	wrdreg $0x9  }
0xb5: {  	_ =	task.clear_ibuf [dreg:s9], $0x7FFFF;
	_ =	strace $0x90000046  }
0xb6: {  	s29 =	simm.s32 $0x9;
	_ =	strace $0x80000048  }
0xb7: {  	_ =	swait.ge [sflag:s29], $0x1  }
0xb8: {  	[sflag:s29] =	ssyncadd.s32 $0xFFFFFFFF  }
0xb9: {  	_ =	strace $0x90000048  }
0xba: {  	_ =	sfence  }
0xbb: {  	s30 =	sld [smem:$0x0];
	_ =	sdelay $0x2  }
0xbc: {  	s31 =	sshll.u32 s1, $0xD;
	s1 =	sshrl.u32 s1, $0x2  }
0xbd: {  	s3 =	sand.u32 $0x4000, s31;
	s1 =	sadd.s32 s1, s30  }
0xbe: {  	s0 =	sor.u32 s3, s0;
	s1 =	sshll.u32 s1, $0x11  }
0xbf: {  	s0 =	sor.u32 s1, s0  }
0xc0: {  	s0 =	sadd.s32 $0x8F2B, s0  }
0xc1: {  	[sflag:s0] =	ssyncadd.remote.s32 $0x1  }
0xc2: {  	_ =	sfence.sel $0xFFFF  }
0xc3: {  	[dreg:$0x0] =	wrdreg $0xFFFFFFFF;
	(pc) =	sbr.abs _section_cstart, $3  }
0xc4: {  	[dreg:$0x1] =	wrdreg $0xFFFFFFFF  }
0xc5: {  	_ =	task.clear_ibuf [dreg:s9], $0x2FFFF;
	_ =	strace $0x9FFFFFFF  }
0xc6: {  	(tm) =	ssettm $0x7FFFFFFF  }
0xc7: {  	_ =	shalt  }
tec
execute0_lowered:
.L_overlay_start_1:
0x0: {  	(tag) =	ssettag $0x1  }
0x1: {  	s5 =	rddreg [dreg:$0x0]  }
0x2: {  	s1 =	rddreg [dreg:$0x1]  }
0x3: {  	s2 =	rddreg [dreg:$0x2]  }
0x4: {  	s6 =	rddreg [dreg:$0x3]  }
0x5: {  	s0 =	rddreg [dreg:$0x4];
	s3 =	simm.s32 $0x0  }
0x6: {  	s4 =	simm.s32 $0x600;
	[smem:$0x7FF] =	sst s3  }
0x7: {  	s21 =	simm.s32 $0xA00;
	_ =	strace $0x80000047;
	[dreg:$0x5] =	wrdreg s4  }
0x8: {  	s22 =	simm.s32 $0xE00;
	[dreg:$0x6] =	wrdreg s21  }
0x9: {  	s23 =	simm.s32 $0x1200;
	[dreg:$0x7] =	wrdreg s22  }
0xa: {  	s24 =	simm.s32 $0x1600;
	[dreg:$0x8] =	wrdreg s23  }
0xb: {  	s25 =	simm.s32 $0x1A00;
	[dreg:$0x9] =	wrdreg s24  }
0xc: {  	s26 =	simm.s32 $0x1E00;
	[dreg:$0xa] =	wrdreg s25  }
0xd: {  	s28 =	simm.s32 $0x2200;
	[dreg:$0xb] =	wrdreg s26  }
0xe: {  	s29 =	simm.s32 $0x2600;
	[dreg:$0xc] =	wrdreg s28  }
0xf: {  	s30 =	simm.s32 $0x2A00;
	[dreg:$0xd] =	wrdreg s29  }
0x10: {  	s31 =	simm.s32 $0x2E00;
	[dreg:$0xe] =	wrdreg s30  }
0x11: {  	s7 =	simm.s32 $0x3200;
	[dreg:$0xf] =	wrdreg s31  }
0x12: {  	s8 =	simm.s32 $0x3600;
	[dreg:$0x10] =	wrdreg s7  }
0x13: {  	s9 =	simm.s32 $0x3A00;
	[dreg:$0x11] =	wrdreg s8  }
0x14: {  	s10 =	simm.s32 $0x3E00;
	[dreg:$0x12] =	wrdreg s9  }
0x15: {  	s11 =	simm.s32 $0x4200;
	[dreg:$0x13] =	wrdreg s10  }
0x16: {  	s12 =	simm.s32 $0x4600;
	[dreg:$0x14] =	wrdreg s11  }
0x17: {  	s13 =	simm.s32 $0x4A00;
	[dreg:$0x15] =	wrdreg s12  }
0x18: {  	s14 =	simm.s32 $0x4E00;
	[dreg:$0x16] =	wrdreg s13  }
0x19: {  	s15 =	simm.s32 $0x5200;
	[dreg:$0x17] =	wrdreg s14  }
0x1a: {  	s16 =	simm.s32 $0x5600;
	[dreg:$0x18] =	wrdreg s15  }
0x1b: {  	s17 =	simm.s32 $0x5A00;
	[dreg:$0x19] =	wrdreg s16  }
0x1c: {  	s18 =	simm.s32 $0x5E00;
	[dreg:$0x1a] =	wrdreg s17  }
0x1d: {  	s19 =	simm.s32 $0x6200;
	[dreg:$0x1b] =	wrdreg s18  }
0x1e: {  	s20 =	simm.s32 $0x6600;
	[dreg:$0x1c] =	wrdreg s19  }
0x1f: {  	[dreg:$0x1d] =	wrdreg s20;
	s21 =	simm.s32 $0x6A00  }
0x20: {  	s22 =	simm.s32 $0x6E00;
	[dreg:$0x1e] =	wrdreg s21  }
0x21: {  	s23 =	simm.s32 $0x7200;
	[dreg:$0x1f] =	wrdreg s22  }
0x22: {  	s24 =	simm.s32 $0x7600;
	[smem:$0x7DB] =	sst s23  }
0x23: {  	s25 =	simm.s32 $0x7A00;
	[smem:$0x7DC] =	sst s24  }
0x24: {  	s26 =	simm.s32 $0x7E00;
	[smem:$0x7DD] =	sst s25  }
0x25: {  	s28 =	simm.s32 $0x8600;
	[smem:$0x7DE] =	sst s26  }
0x26: {  	s29 =	simm.s32 $0x8A00;
	[smem:$0x7DF] =	sst s28  }
0x27: {  	s30 =	simm.s32 $0x8E00;
	[smem:$0x7E0] =	sst s29  }
0x28: {  	s31 =	simm.s32 $0x9200;
	[smem:$0x7E1] =	sst s30  }
0x29: {  	s7 =	simm.s32 $0x9600;
	[smem:$0x7E2] =	sst s31  }
0x2a: {  	s8 =	simm.s32 $0x9A00;
	[smem:$0x7E3] =	sst s7  }
0x2b: {  	s9 =	simm.s32 $0x9E00;
	[smem:$0x7E4] =	sst s8  }
0x2c: {  	s10 =	simm.s32 $0xA200;
	[smem:$0x7E5] =	sst s9  }
0x2d: {  	s11 =	simm.s32 $0xAA00;
	[smem:$0x7E6] =	sst s10  }
0x2e: {  	s12 =	simm.s32 $0xAE00;
	[smem:$0x7E8] =	sst s11  }
0x2f: {  	s13 =	simm.s32 $0xB200;
	[smem:$0x7E9] =	sst s12  }
0x30: {  	s14 =	simm.s32 $0xB600;
	[smem:$0x7EA] =	sst s13  }
0x31: {  	s15 =	simm.s32 $0xBA00;
	[smem:$0x7EB] =	sst s14  }
0x32: {  	s16 =	simm.s32 $0xBE00;
	[smem:$0x7EC] =	sst s15  }
0x33: {  	s17 =	simm.s32 $0xC200;
	[smem:$0x7ED] =	sst s16  }
0x34: {  	s18 =	simm.s32 $0xC600;
	[smem:$0x7EE] =	sst s17  }
0x35: {  	s19 =	simm.s32 $0xCA00;
	[smem:$0x7EF] =	sst s18  }
0x36: {  	s20 =	simm.s32 $0xCE00;
	[smem:$0x7F0] =	sst s19  }
0x37: {  	s8 =	simm.s32 $0xA600;
	[smem:$0x7F1] =	sst s20  }
0x38: {  	s21 =	simm.s32 $0xD200;
	[smem:$0x7E7] =	sst s8  }
0x39: {  	s4 =	stileid.u32;
	s22 =	simm.s32 $0xD600;
	[smem:$0x7F2] =	sst s21  }
0x3a: {  	s7 =	srdreg.scid;
	s24 =	simm.s32 $0xDA00;
	[smem:$0x7F3] =	sst s22  }
0x3b: {  	s9 =	sshll.u32 s4, $0x1;
	s25 =	simm.s32 $0xDE00;
	[smem:$0x7F4] =	sst s24  }
0x3c: {  	s26 =	simm.s32 $0xE200;
	s28 =	simm.s32 $0xE600;
	[smem:$0x7F5] =	sst s25  }
0x3d: {  	s29 =	simm.s32 $0xEA00;
	s30 =	simm.s32 $0xEE00;
	[smem:$0x7F6] =	sst s26  }
0x3e: {  	s31 =	simm.s32 $0xF200;
	s12 =	simm.s32 $0xF600;
	[smem:$0x7F7] =	sst s28  }
0x3f: {  	s13 =	simm.s32 $0xFA00;
	s15 =	simm.s32 $0xFE00;
	[smem:$0x7F8] =	sst s29  }
0x40: {  	s14 =	simm.s32 $0x8200;
	s16 =	simm.s32 $0x10200;
	[smem:$0x7F9] =	sst s30  }
0x41: {  	s17 =	simm.s32 $0x0;
	s7 =	sand.u32 $0x1, s7;
	[smem:$0x7FA] =	sst s31  }
0x42: {  	v0 =	vlaneseq.u32;
	s8 =	simm.s32 $0x80;
	[smem:$0x7FB] =	sst s12;
	s12 =	simm.s32 $0x1  }
0x43: {  	v0 =	vmul.u32 $0x400, v0;
	[smem:$0x7FC] =	sst s13;
	s13 =	simm.s32 $0x200;
	s9 =	sor.u32 s7, s9  }
0x44: {  	[smem:$0x7FD] =	sst s15;
	s10 =	sshll.u32 s9, $0x9;
	s9 =	sshll.u32 s9, $0x7  }
0x45: {  	v1 =	vor.u32 $0x80, v0;
	v2 =	vor.u32 $0x100, v0;
	v3 =	vor.u32 $0x180, v0;
	s7 =	ssub.s32 $0x2, s7;
	s11 =	sand.u32 $0x3000, s10;
	s9 =	sand.u32 $0x380, s9  }
0x46: {  	v4 =	vor.u32 $0x200, v0;
	v5 =	vor.u32 $0x280, v0;
	v6 =	vor.u32 $0x300, v0;
	s15 =	simm.s32 $0x2;
	s23 =	sshrl.u32 s7, $0x1;
	s9 =	sor.u32 s9, s11  }
0x47: {  	v7 =	vor.u32 $0x380, v0;
	v8 =	vor.u32 $0x4000, v0;
	v9 =	vor.u32 $0x4080, v0;
	s7 =	ssub.s32 s7, s23;
	s6 =	sadd.s32 s6, s10;
	s9 =	sshrl.u32 s9, $0x3  }
0x48: {  	v10 =	vor.u32 $0x4100, v0;
	v11 =	vor.u32 $0x4180, v0;
	v12 =	vor.u32 $0x4200, v0;
	s10 =	simm.s32 $0x3;
	s7 =	smax.u32 s7, $0x1;
	s5 =	sadd.s32 s9, s5  }
0x49: {  	v13 =	vor.u32 $0x4280, v0;
	v14 =	vor.u32 $0x4300, v0;
	v15 =	vor.u32 $0x4380, v0;
	s11 =	simm.s32 $0x11200;
	s9 =	simm.s32 $0x400;
	s5 =	sadd.s32 $0x400, s5  }
.LBB2_1:
0x4a: {  	[tilespmem:s3], [sflag:$0x3] =	stream.strided.gather [hbm4b:s5+s8], $0x200, s9, s8, $0x38;
	[tilespmem:$0x11280] =	vst v63  }
0x4b: {  	_ =	swait.ge [sflag:s10], $0x200  }
0x4c: {  	[sflag:s10] =	ssyncset.done $0x0  }
0x4d: {  	[sflag:s10] =	ssyncadd.s32 $0xFFFFFE00  }
0x4e: {  	[tilespmem:s11], [sflag:$0x3] =	stream.linear.gather [hbm4b:s2+s3], $0x8, $0x38;
	[tilespmem:$0x11280] =	vst v63  }
0x4f: {  	_ =	swait.ge [sflag:s10], $0x8  }
0x50: {  	[sflag:s10] =	ssyncset.done $0x0  }
0x51: {  	[sflag:s10] =	ssyncadd.s32 $0xFFFFFFF8  }
0x52: {  	v23 =	vld [tilespmem:$0x11200];
	_ =	sdelay $0x4  }
0x53: {  	v16 =	vbroadcast v23, $0x0;
	v17 =	vbroadcast v23, $0x1  }
0x54: {  	v18 =	vbroadcast v23, $0x2;
	v19 =	vbroadcast v23, $0x3  }
0x55: {  	p0 =	por $0x0, $0x0;
	s18 =	simm.s32 $0x20;
	v20 =	vbroadcast v23, $0x4;
	v21 =	vbroadcast v23, $0x5  }
0x56: {  	s19 =	simm.s32 $0x0;
	s20 =	simm.s32 $0x0;
	s21 =	simm.s32 $0x0;
	v22 =	vbroadcast v23, $0x6;
	v23 =	vbroadcast v23, $0x7  }
.LBB2_2:
0x57: {  	v24 =	vld [tilespmem:s18+$0xFFFFFFE0];
	_ =	sdelay $0x4  }
0x58: {  	v24 =	vand.u32 $0xFFFFFF80, v24  }
0x59: {  	v24 =	vadd.s32 s1, v24  }
0x5a: {  	(v2sf) =	vpush v24, $0x0;
	_ =	sdelay $0x1  }
0x5b: {  	(v2sf) =	vpush v24, $0x1;
	_ =	sdelay $0x1  }
0x5c: {  	(v2sf) =	vpush v24, $0x2;
	_ =	sdelay $0x1  }
0x5d: {  	(v2sf) =	vpush v24, $0x3;
	_ =	sdelay $0x1  }
0x5e: {  	(v2sf) =	vpush v24, $0x4;
	_ =	sdelay $0x1  }
0x5f: {  	(v2sf) =	vpush v24, $0x5;
	_ =	sdelay $0x1  }
0x60: {  	(v2sf) =	vpush v24, $0x6;
	_ =	sdelay $0x1  }
0x61: {  	(v2sf) =	vpush v24, $0x7  }
0x62: {  	s22 =	spop (v2sf)  }
0x63: {  	(v2sf) =	vpush v24, $0x8;
	[tilespmem:s13], [sflag:$0x1] =	stream.linear.gather [hbm4b:s22+s3], $0x400, $0x38;
	[tilespmem:$0x11280] =	vst v63  }
0x64: {  	s23 =	rddreg [dreg:$0x5];
	s26 =	spop (v2sf)  }
0x65: {  	(v2sf) =	vpush v24, $0x9;
	[tilespmem:s23], [sflag:$0x1] =	stream.linear.gather [hbm4b:s26+s3], $0x400, $0x38;
	[tilespmem:$0x11280] =	vst v63  }
0x66: {  	s24 =	rddreg [dreg:$0x6];
	s28 =	spop (v2sf)  }
0x67: {  	(v2sf) =	vpush v24, $0xA;
	[tilespmem:s24], [sflag:$0x1] =	stream.linear.gather [hbm4b:s28+s3], $0x400, $0x38;
	[tilespmem:$0x11280] =	vst v63  }
0x68: {  	s29 =	rddreg [dreg:$0x7];
	s30 =	spop (v2sf)  }
0x69: {  	(v2sf) =	vpush v24, $0xB;
	[tilespmem:s29], [sflag:$0x1] =	stream.linear.gather [hbm4b:s30+s3], $0x400, $0x38;
	[tilespmem:$0x11280] =	vst v63  }
0x6a: {  	s31 =	rddreg [dreg:$0x8];
	s25 =	spop (v2sf)  }
0x6b: {  	(v2sf) =	vpush v24, $0xC;
	[tilespmem:s31], [sflag:$0x1] =	stream.linear.gather [hbm4b:s25+s3], $0x400, $0x38;
	[tilespmem:$0x11280] =	vst v63  }
0x6c: {  	s26 =	rddreg [dreg:$0x9];
	s28 =	spop (v2sf)  }
0x6d: {  	(v2sf) =	vpush v24, $0xD;
	[tilespmem:s26], [sflag:$0x1] =	stream.linear.gather [hbm4b:s28+s3], $0x400, $0x38;
	[tilespmem:$0x11280] =	vst v63  }
0x6e: {  	s29 =	rddreg [dreg:$0xa];
	s30 =	spop (v2sf)  }
0x6f: {  	(v2sf) =	vpush v24, $0xE;
	[tilespmem:s29], [sflag:$0x1] =	stream.linear.gather [hbm4b:s30+s3], $0x400, $0x38;
	[tilespmem:$0x11280] =	vst v63  }
0x70: {  	s31 =	rddreg [dreg:$0xb];
	s25 =	spop (v2sf)  }
0x71: {  	[tilespmem:s31], [sflag:$0x1] =	stream.linear.gather [hbm4b:s25+s3], $0x400, $0x38;
	[tilespmem:$0x11280] =	vst v63  }
0x72: {  	(v2sf) =	vpush v24, $0xF;
	s26 =	rddreg [dreg:$0xc];
	s28 =	spop (v2sf)  }
0x73: {  	[tilespmem:s26], [sflag:$0x1] =	stream.linear.gather [hbm4b:s28+s3], $0x400, $0x38;
	[tilespmem:$0x11280] =	vst v63  }
0x74: {  	s29 =	rddreg [dreg:$0xd];
	s30 =	spop (v2sf)  }
0x75: {  	[tilespmem:s29], [sflag:$0x1] =	stream.linear.gather [hbm4b:s30+s3], $0x400, $0x38;
	[tilespmem:$0x11280] =	vst v63  }
0x76: {  	s31 =	rddreg [dreg:$0xe];
	s25 =	spop (v2sf)  }
0x77: {  	[tilespmem:s31], [sflag:$0x1] =	stream.linear.gather [hbm4b:s25+s3], $0x400, $0x38;
	[tilespmem:$0x11280] =	vst v63  }
0x78: {  	s26 =	rddreg [dreg:$0xf];
	s28 =	spop (v2sf)  }
0x79: {  	[tilespmem:s26], [sflag:$0x1] =	stream.linear.gather [hbm4b:s28+s3], $0x400, $0x38;
	[tilespmem:$0x11280] =	vst v63  }
0x7a: {  	s29 =	rddreg [dreg:$0x10];
	s30 =	spop (v2sf)  }
0x7b: {  	[tilespmem:s29], [sflag:$0x1] =	stream.linear.gather [hbm4b:s30+s3], $0x400, $0x38;
	[tilespmem:$0x11280] =	vst v63  }
0x7c: {  	s24 =	spop (v2sf);
	s31 =	rddreg [dreg:$0x11]  }
0x7d: {  	[tilespmem:s31], [sflag:$0x1] =	stream.linear.gather [hbm4b:s24+s3], $0x400, $0x38;
	[tilespmem:$0x11280] =	vst v63  }
0x7e: {  	s25 =	rddreg [dreg:$0x12];
	s26 =	spop (v2sf)  }
0x7f: {  	[tilespmem:s25], [sflag:$0x1] =	stream.linear.gather [hbm4b:s26+s3], $0x400, $0x38;
	[tilespmem:$0x11280] =	vst v63  }
0x80: {  	s23 =	sand.u32 $0x180, s19;
	s26 =	sand.u32 $0x40, s19  }
0x81: {  	s28 =	rddreg [dreg:$0x13];
	s29 =	spop (v2sf);
	s24 =	sor.u32 $0x10, s26  }
0x82: {  	[tilespmem:s28], [sflag:$0x1] =	stream.linear.gather [hbm4b:s29+s3], $0x400, $0x38;
	[tilespmem:$0x11280] =	vst v63  }
0x83: {  	s25 =	sor.u32 s24, s23  }
0x84: {  	v33 =	vld [tilespmem:s25+$0x0];
	_ =	sdelay $0x4  }
0x85: {  	v24 =	vand.u32 $0xFFFFFF80, v33  }
0x86: {  	v24 =	vadd.s32 s1, v24  }
0x87: {  	(v2sf) =	vpush v24, $0x0;
	_ =	sdelay $0x1  }
0x88: {  	(v2sf) =	vpush v24, $0x1;
	_ =	sdelay $0x1  }
0x89: {  	(v2sf) =	vpush v24, $0x2;
	_ =	sdelay $0x1  }
0x8a: {  	(v2sf) =	vpush v24, $0x3;
	_ =	sdelay $0x1  }
0x8b: {  	(v2sf) =	vpush v24, $0x4;
	_ =	sdelay $0x1  }
0x8c: {  	(v2sf) =	vpush v24, $0x5;
	_ =	sdelay $0x1  }
0x8d: {  	(v2sf) =	vpush v24, $0x6;
	_ =	sdelay $0x1  }
0x8e: {  	s30 =	rddreg [dreg:$0x14];
	(v2sf) =	vpush v24, $0x7  }
0x8f: {  	s29 =	rddreg [dreg:$0x15];
	s28 =	spop (v2sf)  }
0x90: {  	(v2sf) =	vpush v24, $0x8;
	[tilespmem:s30], [sflag:$0x1] =	stream.linear.gather [hbm4b:s28+s3], $0x400, $0x38;
	[tilespmem:$0x11280] =	vst v63  }
0x91: {  	s31 =	spop (v2sf);
	s28 =	rddreg [dreg:$0x16]  }
0x92: {  	(v2sf) =	vpush v24, $0x9;
	[tilespmem:s29], [sflag:$0x1] =	stream.linear.gather [hbm4b:s31+s3], $0x400, $0x38;
	[tilespmem:$0x11280] =	vst v63  }
0x93: {  	s30 =	spop (v2sf);
	s31 =	rddreg [dreg:$0x17]  }
0x94: {  	(v2sf) =	vpush v24, $0xA;
	[tilespmem:s28], [sflag:$0x1] =	stream.linear.gather [hbm4b:s30+s3], $0x400, $0x38;
	[tilespmem:$0x11280] =	vst v63  }
0x95: {  	s30 =	spop (v2sf);
	s28 =	rddreg [dreg:$0x18]  }
0x96: {  	(v2sf) =	vpush v24, $0xB;
	[tilespmem:s31], [sflag:$0x1] =	stream.linear.gather [hbm4b:s30+s3], $0x400, $0x38;
	[tilespmem:$0x11280] =	vst v63  }
0x97: {  	s31 =	spop (v2sf);
	s30 =	rddreg [dreg:$0x19]  }
0x98: {  	(v2sf) =	vpush v24, $0xC;
	[tilespmem:s28], [sflag:$0x1] =	stream.linear.gather [hbm4b:s31+s3], $0x400, $0x38;
	[tilespmem:$0x11280] =	vst v63  }
0x99: {  	s31 =	spop (v2sf);
	s28 =	rddreg [dreg:$0x1a]  }
0x9a: {  	(v2sf) =	vpush v24, $0xD;
	[tilespmem:s30], [sflag:$0x1] =	stream.linear.gather [hbm4b:s31+s3], $0x400, $0x38;
	[tilespmem:$0x11280] =	vst v63  }
0x9b: {  	s30 =	spop (v2sf);
	s31 =	rddreg [dreg:$0x1b]  }
0x9c: {  	(v2sf) =	vpush v24, $0xE;
	[tilespmem:s28], [sflag:$0x1] =	stream.linear.gather [hbm4b:s30+s3], $0x400, $0x38;
	[tilespmem:$0x11280] =	vst v63  }
0x9d: {  	s30 =	spop (v2sf);
	s28 =	rddreg [dreg:$0x1c]  }
0x9e: {  	(v2sf) =	vpush v24, $0xF;
	[tilespmem:s31], [sflag:$0x1] =	stream.linear.gather [hbm4b:s30+s3], $0x400, $0x38;
	[tilespmem:$0x11280] =	vst v63  }
0x9f: {  	s31 =	spop (v2sf);
	s30 =	rddreg [dreg:$0x1d]  }
0xa0: {  	[tilespmem:s28], [sflag:$0x1] =	stream.linear.gather [hbm4b:s31+s3], $0x400, $0x38;
	[tilespmem:$0x11280] =	vst v63  }
0xa1: {  	s31 =	spop (v2sf);
	s28 =	rddreg [dreg:$0x1e]  }
0xa2: {  	[tilespmem:s30], [sflag:$0x1] =	stream.linear.gather [hbm4b:s31+s3], $0x400, $0x38;
	[tilespmem:$0x11280] =	vst v63  }
0xa3: {  	s30 =	spop (v2sf);
	s31 =	rddreg [dreg:$0x1f]  }
0xa4: {  	[tilespmem:s28], [sflag:$0x1] =	stream.linear.gather [hbm4b:s30+s3], $0x400, $0x38;
	[tilespmem:$0x11280] =	vst v63  }
0xa5: {  	s30 =	spop (v2sf);
	s28 =	sld [smem:$0x7DB]  }
0xa6: {  	[tilespmem:s31], [sflag:$0x1] =	stream.linear.gather [hbm4b:s30+s3], $0x400, $0x38;
	[tilespmem:$0x11280] =	vst v63  }
0xa7: {  	s31 =	spop (v2sf);
	s30 =	sld [smem:$0x7DC]  }
0xa8: {  	[tilespmem:s28], [sflag:$0x1] =	stream.linear.gather [hbm4b:s31+s3], $0x400, $0x38;
	[tilespmem:$0x11280] =	vst v63  }
0xa9: {  	s31 =	spop (v2sf);
	s28 =	sld [smem:$0x7DD]  }
0xaa: {  	[tilespmem:s30], [sflag:$0x1] =	stream.linear.gather [hbm4b:s31+s3], $0x400, $0x38;
	[tilespmem:$0x11280] =	vst v63  }
0xab: {  	s30 =	spop (v2sf);
	s31 =	sld [smem:$0x7DE]  }
0xac: {  	[tilespmem:s28], [sflag:$0x1] =	stream.linear.gather [hbm4b:s30+s3], $0x400, $0x38;
	[tilespmem:$0x11280] =	vst v63  }
0xad: {  	s28 =	spop (v2sf)  }
0xae: {  	[tilespmem:s31], [sflag:$0x1] =	stream.linear.gather [hbm4b:s28+s3], $0x400, $0x38;
	[tilespmem:$0x11280] =	vst v63  }
0xaf: {  	v34 =	vld [tilespmem:s18+$0x0];
	_ =	sdelay $0x4  }
0xb0: {  	v24 =	vand.u32 $0xFFFFFF80, v34  }
0xb1: {  	v24 =	vadd.s32 s1, v24  }
0xb2: {  	(v2sf) =	vpush v24, $0x0;
	_ =	sdelay $0x1  }
0xb3: {  	(v2sf) =	vpush v24, $0x1;
	_ =	sdelay $0x1  }
0xb4: {  	(v2sf) =	vpush v24, $0x2;
	_ =	sdelay $0x1  }
0xb5: {  	(v2sf) =	vpush v24, $0x3;
	_ =	sdelay $0x1  }
0xb6: {  	(v2sf) =	vpush v24, $0x4;
	_ =	sdelay $0x1  }
0xb7: {  	(v2sf) =	vpush v24, $0x5;
	_ =	sdelay $0x1  }
0xb8: {  	(v2sf) =	vpush v24, $0x6;
	_ =	sdelay $0x1  }
0xb9: {  	(v2sf) =	vpush v24, $0x7  }
0xba: {  	s30 =	sld [smem:$0x7DF];
	s29 =	spop (v2sf)  }
0xbb: {  	(v2sf) =	vpush v24, $0x8;
	[tilespmem:s14], [sflag:$0x2] =	stream.linear.gather [hbm4b:s29+s3], $0x400, $0x38;
	[tilespmem:$0x11280] =	vst v63  }
0xbc: {  	s31 =	spop (v2sf);
	s29 =	sld [smem:$0x7E0]  }
0xbd: {  	(v2sf) =	vpush v24, $0x9;
	[tilespmem:s30], [sflag:$0x2] =	stream.linear.gather [hbm4b:s31+s3], $0x400, $0x38;
	[tilespmem:$0x11280] =	vst v63  }
0xbe: {  	s30 =	spop (v2sf);
	s31 =	sld [smem:$0x7E1]  }
0xbf: {  	(v2sf) =	vpush v24, $0xA;
	[tilespmem:s29], [sflag:$0x2] =	stream.linear.gather [hbm4b:s30+s3], $0x400, $0x38;
	[tilespmem:$0x11280] =	vst v63  }
0xc0: {  	s30 =	spop (v2sf);
	s29 =	sld [smem:$0x7E2]  }
0xc1: {  	(v2sf) =	vpush v24, $0xB;
	[tilespmem:s31], [sflag:$0x2] =	stream.linear.gather [hbm4b:s30+s3], $0x400, $0x38;
	[tilespmem:$0x11280] =	vst v63  }
0xc2: {  	s31 =	spop (v2sf);
	s30 =	sld [smem:$0x7E3]  }
0xc3: {  	(v2sf) =	vpush v24, $0xC;
	[tilespmem:s29], [sflag:$0x2] =	stream.linear.gather [hbm4b:s31+s3], $0x400, $0x38;
	[tilespmem:$0x11280] =	vst v63  }
0xc4: {  	s31 =	spop (v2sf);
	s29 =	sld [smem:$0x7E4]  }
0xc5: {  	(v2sf) =	vpush v24, $0xD;
	[tilespmem:s30], [sflag:$0x2] =	stream.linear.gather [hbm4b:s31+s3], $0x400, $0x38;
	[tilespmem:$0x11280] =	vst v63  }
0xc6: {  	s30 =	spop (v2sf);
	s31 =	sld [smem:$0x7E5]  }
0xc7: {  	(v2sf) =	vpush v24, $0xE;
	[tilespmem:s29], [sflag:$0x2] =	stream.linear.gather [hbm4b:s30+s3], $0x400, $0x38;
	[tilespmem:$0x11280] =	vst v63  }
0xc8: {  	s30 =	spop (v2sf);
	s29 =	sld [smem:$0x7E6]  }
0xc9: {  	(v2sf) =	vpush v24, $0xF;
	[tilespmem:s31], [sflag:$0x2] =	stream.linear.gather [hbm4b:s30+s3], $0x400, $0x38;
	[tilespmem:$0x11280] =	vst v63  }
0xca: {  	s31 =	spop (v2sf);
	s30 =	sld [smem:$0x7E7]  }
0xcb: {  	[tilespmem:s29], [sflag:$0x2] =	stream.linear.gather [hbm4b:s31+s3], $0x400, $0x38;
	[tilespmem:$0x11280] =	vst v63  }
0xcc: {  	s31 =	spop (v2sf);
	s29 =	sld [smem:$0x7E8]  }
0xcd: {  	[tilespmem:s30], [sflag:$0x2] =	stream.linear.gather [hbm4b:s31+s3], $0x400, $0x38;
	[tilespmem:$0x11280] =	vst v63  }
0xce: {  	s30 =	spop (v2sf);
	s31 =	sld [smem:$0x7E9]  }
0xcf: {  	[tilespmem:s29], [sflag:$0x2] =	stream.linear.gather [hbm4b:s30+s3], $0x400, $0x38;
	[tilespmem:$0x11280] =	vst v63  }
0xd0: {  	s30 =	spop (v2sf);
	s29 =	sld [smem:$0x7EA]  }
0xd1: {  	[tilespmem:s31], [sflag:$0x2] =	stream.linear.gather [hbm4b:s30+s3], $0x400, $0x38;
	[tilespmem:$0x11280] =	vst v63  }
0xd2: {  	s31 =	spop (v2sf);
	s30 =	sld [smem:$0x7EB]  }
0xd3: {  	[tilespmem:s29], [sflag:$0x2] =	stream.linear.gather [hbm4b:s31+s3], $0x400, $0x38;
	[tilespmem:$0x11280] =	vst v63  }
0xd4: {  	s31 =	spop (v2sf);
	s29 =	sld [smem:$0x7EC]  }
0xd5: {  	[tilespmem:s30], [sflag:$0x2] =	stream.linear.gather [hbm4b:s31+s3], $0x400, $0x38;
	[tilespmem:$0x11280] =	vst v63  }
0xd6: {  	s22 =	sor.u32 $0x30, s26;
	s30 =	spop (v2sf);
	s31 =	sld [smem:$0x7ED]  }
0xd7: {  	[tilespmem:s29], [sflag:$0x2] =	stream.linear.gather [hbm4b:s30+s3], $0x400, $0x38;
	[tilespmem:$0x11280] =	vst v63  }
0xd8: {  	s23 =	sor.u32 s22, s23;
	s30 =	spop (v2sf)  }
0xd9: {  	[tilespmem:s31], [sflag:$0x2] =	stream.linear.gather [hbm4b:s30+s3], $0x400, $0x38;
	[tilespmem:$0x11280] =	vst v63  }
0xda: {  	v35 =	vld [tilespmem:s23+$0x0];
	_ =	sdelay $0x4  }
0xdb: {  	v24 =	vand.u32 $0xFFFFFF80, v35  }
0xdc: {  	v24 =	vadd.s32 s1, v24  }
0xdd: {  	(v2sf) =	vpush v24, $0x0;
	_ =	sdelay $0x1  }
0xde: {  	(v2sf) =	vpush v24, $0x1;
	_ =	sdelay $0x1  }
0xdf: {  	(v2sf) =	vpush v24, $0x2;
	_ =	sdelay $0x1  }
0xe0: {  	(v2sf) =	vpush v24, $0x3;
	_ =	sdelay $0x1  }
0xe1: {  	(v2sf) =	vpush v24, $0x4;
	_ =	sdelay $0x1  }
0xe2: {  	(v2sf) =	vpush v24, $0x5;
	_ =	sdelay $0x1  }
0xe3: {  	(v2sf) =	vpush v24, $0x6  }
0xe4: {  	s28 =	sld [smem:$0x7EE]  }
0xe5: {  	(v2sf) =	vpush v24, $0x7  }
0xe6: {  	s30 =	sld [smem:$0x7EF];
	s31 =	spop (v2sf)  }
0xe7: {  	(v2sf) =	vpush v24, $0x8;
	[tilespmem:s28], [sflag:$0x2] =	stream.linear.gather [hbm4b:s31+s3], $0x400, $0x38;
	[tilespmem:$0x11280] =	vst v63  }
0xe8: {  	s29 =	sld [smem:$0x7F0];
	s31 =	spop (v2sf)  }
0xe9: {  	(v2sf) =	vpush v24, $0x9;
	[tilespmem:s30], [sflag:$0x2] =	stream.linear.gather [hbm4b:s31+s3], $0x400, $0x38;
	[tilespmem:$0x11280] =	vst v63  }
0xea: {  	s31 =	spop (v2sf);
	s30 =	sld [smem:$0x7F1]  }
0xeb: {  	(v2sf) =	vpush v24, $0xA;
	[tilespmem:s29], [sflag:$0x2] =	stream.linear.gather [hbm4b:s31+s3], $0x400, $0x38;
	[tilespmem:$0x11280] =	vst v63  }
0xec: {  	s31 =	spop (v2sf);
	s29 =	sld [smem:$0x7F2]  }
0xed: {  	(v2sf) =	vpush v24, $0xB;
	[tilespmem:s30], [sflag:$0x2] =	stream.linear.gather [hbm4b:s31+s3], $0x400, $0x38;
	[tilespmem:$0x11280] =	vst v63  }
0xee: {  	s31 =	spop (v2sf);
	s30 =	sld [smem:$0x7F3]  }
0xef: {  	(v2sf) =	vpush v24, $0xC;
	[tilespmem:s29], [sflag:$0x2] =	stream.linear.gather [hbm4b:s31+s3], $0x400, $0x38;
	[tilespmem:$0x11280] =	vst v63  }
0xf0: {  	s31 =	spop (v2sf);
	s29 =	sld [smem:$0x7F4]  }
0xf1: {  	(v2sf) =	vpush v24, $0xD;
	[tilespmem:s30], [sflag:$0x2] =	stream.linear.gather [hbm4b:s31+s3], $0x400, $0x38;
	[tilespmem:$0x11280] =	vst v63  }
0xf2: {  	s31 =	spop (v2sf);
	s30 =	sld [smem:$0x7F5]  }
0xf3: {  	(v2sf) =	vpush v24, $0xE;
	[tilespmem:s29], [sflag:$0x2] =	stream.linear.gather [hbm4b:s31+s3], $0x400, $0x38;
	[tilespmem:$0x11280] =	vst v63  }
0xf4: {  	s31 =	spop (v2sf);
	s29 =	sld [smem:$0x7F6]  }
0xf5: {  	(v2sf) =	vpush v24, $0xF;
	[tilespmem:s30], [sflag:$0x2] =	stream.linear.gather [hbm4b:s31+s3], $0x400, $0x38;
	[tilespmem:$0x11280] =	vst v63  }
0xf6: {  	s31 =	spop (v2sf);
	s30 =	sld [smem:$0x7F7]  }
0xf7: {  	[tilespmem:s29], [sflag:$0x2] =	stream.linear.gather [hbm4b:s31+s3], $0x400, $0x38;
	[tilespmem:$0x11280] =	vst v63  }
0xf8: {  	s31 =	spop (v2sf);
	s29 =	sld [smem:$0x7F8]  }
0xf9: {  	[tilespmem:s30], [sflag:$0x2] =	stream.linear.gather [hbm4b:s31+s3], $0x400, $0x38;
	[tilespmem:$0x11280] =	vst v63  }
0xfa: {  	s31 =	spop (v2sf);
	s30 =	sld [smem:$0x7F9]  }
0xfb: {  	[tilespmem:s29], [sflag:$0x2] =	stream.linear.gather [hbm4b:s31+s3], $0x400, $0x38;
	[tilespmem:$0x11280] =	vst v63  }
0xfc: {  	s31 =	spop (v2sf);
	s29 =	sld [smem:$0x7FA]  }
0xfd: {  	[tilespmem:s30], [sflag:$0x2] =	stream.linear.gather [hbm4b:s31+s3], $0x400, $0x38;
	[tilespmem:$0x11280] =	vst v63  }
0xfe: {  	s31 =	spop (v2sf);
	s30 =	sld [smem:$0x7FB]  }
0xff: {  	[tilespmem:s29], [sflag:$0x2] =	stream.linear.gather [hbm4b:s31+s3], $0x400, $0x38;
	[tilespmem:$0x11280] =	vst v63  }
0x100: {  	s31 =	spop (v2sf);
	s29 =	sld [smem:$0x7FC]  }
0x101: {  	[tilespmem:s30], [sflag:$0x2] =	stream.linear.gather [hbm4b:s31+s3], $0x400, $0x38;
	[tilespmem:$0x11280] =	vst v63  }
0x102: {  	s28 =	spop (v2sf);
	s31 =	sld [smem:$0x7FD]  }
0x103: {  	[tilespmem:s29], [sflag:$0x2] =	stream.linear.gather [hbm4b:s28+s3], $0x400, $0x38;
	[tilespmem:$0x11280] =	vst v63  }
0x104: {  	s29 =	spop (v2sf)  }
0x105: {  	[tilespmem:s31], [sflag:$0x2] =	stream.linear.gather [hbm4b:s29+s3], $0x400, $0x38;
	[tilespmem:$0x11280] =	vst v63  }
0x106: {  	_ =	swait.ge [sflag:s12], $0x400  }
0x107: {  	[sflag:s12] =	ssyncset.done $0x0  }
0x108: {  	[sflag:s12] =	ssyncadd.s32 $0xFFFFFC00  }
0x109: {  	_ =	swait.ge [sflag:s12], $0x400  }
0x10a: {  	[sflag:s12] =	ssyncset.done $0x0  }
0x10b: {  	[sflag:s12] =	ssyncadd.s32 $0xFFFFFC00  }
0x10c: {  	_ =	swait.ge [sflag:s12], $0x400  }
0x10d: {  	[sflag:s12] =	ssyncset.done $0x0  }
0x10e: {  	[sflag:s12] =	ssyncadd.s32 $0xFFFFFC00  }
0x10f: {  	_ =	swait.ge [sflag:s12], $0x400  }
0x110: {  	[sflag:s12] =	ssyncset.done $0x0  }
0x111: {  	[sflag:s12] =	ssyncadd.s32 $0xFFFFFC00  }
0x112: {  	_ =	swait.ge [sflag:s12], $0x400  }
0x113: {  	[sflag:s12] =	ssyncset.done $0x0  }
0x114: {  	[sflag:s12] =	ssyncadd.s32 $0xFFFFFC00  }
0x115: {  	_ =	swait.ge [sflag:s12], $0x400  }
0x116: {  	[sflag:s12] =	ssyncset.done $0x0  }
0x117: {  	[sflag:s12] =	ssyncadd.s32 $0xFFFFFC00  }
0x118: {  	_ =	swait.ge [sflag:s12], $0x400  }
0x119: {  	[sflag:s12] =	ssyncset.done $0x0  }
0x11a: {  	[sflag:s12] =	ssyncadd.s32 $0xFFFFFC00  }
0x11b: {  	_ =	swait.ge [sflag:s12], $0x400  }
0x11c: {  	[sflag:s12] =	ssyncset.done $0x0  }
0x11d: {  	[sflag:s12] =	ssyncadd.s32 $0xFFFFFC00  }
0x11e: {  	_ =	swait.ge [sflag:s12], $0x400  }
0x11f: {  	[sflag:s12] =	ssyncset.done $0x0  }
0x120: {  	[sflag:s12] =	ssyncadd.s32 $0xFFFFFC00  }
0x121: {  	_ =	swait.ge [sflag:s12], $0x400  }
0x122: {  	[sflag:s12] =	ssyncset.done $0x0  }
0x123: {  	[sflag:s12] =	ssyncadd.s32 $0xFFFFFC00  }
0x124: {  	_ =	swait.ge [sflag:s12], $0x400  }
0x125: {  	[sflag:s12] =	ssyncset.done $0x0  }
0x126: {  	[sflag:s12] =	ssyncadd.s32 $0xFFFFFC00  }
0x127: {  	_ =	swait.ge [sflag:s12], $0x400  }
0x128: {  	[sflag:s12] =	ssyncset.done $0x0  }
0x129: {  	[sflag:s12] =	ssyncadd.s32 $0xFFFFFC00  }
0x12a: {  	_ =	swait.ge [sflag:s12], $0x400  }
0x12b: {  	[sflag:s12] =	ssyncset.done $0x0  }
0x12c: {  	[sflag:s12] =	ssyncadd.s32 $0xFFFFFC00  }
0x12d: {  	_ =	swait.ge [sflag:s12], $0x400  }
0x12e: {  	[sflag:s12] =	ssyncset.done $0x0  }
0x12f: {  	[sflag:s12] =	ssyncadd.s32 $0xFFFFFC00  }
0x130: {  	_ =	swait.ge [sflag:s12], $0x400  }
0x131: {  	[sflag:s12] =	ssyncset.done $0x0  }
0x132: {  	[sflag:s12] =	ssyncadd.s32 $0xFFFFFC00  }
0x133: {  	_ =	swait.ge [sflag:s12], $0x400  }
0x134: {  	[sflag:s12] =	ssyncset.done $0x0  }
0x135: {  	[sflag:s12] =	ssyncadd.s32 $0xFFFFFC00  }
0x136: {  	_ =	swait.ge [sflag:s12], $0x400  }
0x137: {  	[sflag:s12] =	ssyncset.done $0x0  }
0x138: {  	[sflag:s12] =	ssyncadd.s32 $0xFFFFFC00  }
0x139: {  	_ =	swait.ge [sflag:s12], $0x400  }
0x13a: {  	[sflag:s12] =	ssyncset.done $0x0  }
0x13b: {  	[sflag:s12] =	ssyncadd.s32 $0xFFFFFC00  }
0x13c: {  	_ =	swait.ge [sflag:s12], $0x400  }
0x13d: {  	[sflag:s12] =	ssyncset.done $0x0  }
0x13e: {  	[sflag:s12] =	ssyncadd.s32 $0xFFFFFC00  }
0x13f: {  	_ =	swait.ge [sflag:s12], $0x400  }
0x140: {  	[sflag:s12] =	ssyncset.done $0x0  }
0x141: {  	[sflag:s12] =	ssyncadd.s32 $0xFFFFFC00  }
0x142: {  	_ =	swait.ge [sflag:s12], $0x400  }
0x143: {  	[sflag:s12] =	ssyncset.done $0x0  }
0x144: {  	[sflag:s12] =	ssyncadd.s32 $0xFFFFFC00  }
0x145: {  	_ =	swait.ge [sflag:s12], $0x400  }
0x146: {  	[sflag:s12] =	ssyncset.done $0x0  }
0x147: {  	[sflag:s12] =	ssyncadd.s32 $0xFFFFFC00  }
0x148: {  	_ =	swait.ge [sflag:s12], $0x400  }
0x149: {  	[sflag:s12] =	ssyncset.done $0x0  }
0x14a: {  	[sflag:s12] =	ssyncadd.s32 $0xFFFFFC00  }
0x14b: {  	_ =	swait.ge [sflag:s12], $0x400  }
0x14c: {  	[sflag:s12] =	ssyncset.done $0x0  }
0x14d: {  	[sflag:s12] =	ssyncadd.s32 $0xFFFFFC00  }
0x14e: {  	_ =	swait.ge [sflag:s12], $0x400  }
0x14f: {  	[sflag:s12] =	ssyncset.done $0x0  }
0x150: {  	[sflag:s12] =	ssyncadd.s32 $0xFFFFFC00  }
0x151: {  	_ =	swait.ge [sflag:s12], $0x400  }
0x152: {  	[sflag:s12] =	ssyncset.done $0x0  }
0x153: {  	[sflag:s12] =	ssyncadd.s32 $0xFFFFFC00  }
0x154: {  	_ =	swait.ge [sflag:s12], $0x400  }
0x155: {  	[sflag:s12] =	ssyncset.done $0x0  }
0x156: {  	[sflag:s12] =	ssyncadd.s32 $0xFFFFFC00  }
0x157: {  	_ =	swait.ge [sflag:s12], $0x400  }
0x158: {  	[sflag:s12] =	ssyncset.done $0x0  }
0x159: {  	[sflag:s12] =	ssyncadd.s32 $0xFFFFFC00  }
0x15a: {  	_ =	swait.ge [sflag:s12], $0x400  }
0x15b: {  	[sflag:s12] =	ssyncset.done $0x0  }
0x15c: {  	[sflag:s12] =	ssyncadd.s32 $0xFFFFFC00  }
0x15d: {  	_ =	swait.ge [sflag:s12], $0x400  }
0x15e: {  	[sflag:s12] =	ssyncset.done $0x0  }
0x15f: {  	[sflag:s12] =	ssyncadd.s32 $0xFFFFFC00  }
0x160: {  	_ =	swait.ge [sflag:s12], $0x400  }
0x161: {  	[sflag:s12] =	ssyncset.done $0x0  }
0x162: {  	[sflag:s12] =	ssyncadd.s32 $0xFFFFFC00  }
0x163: {  	_ =	swait.ge [sflag:s12], $0x400  }
0x164: {  	[sflag:s12] =	ssyncset.done $0x0  }
0x165: {  	[sflag:s12] =	ssyncadd.s32 $0xFFFFFC00  }
0x166: {  	v36 =	vld [tilespmem:s18+$0xFFFFFFE0];
	_ =	sdelay $0x4  }
0x167: {  	v24 =	vand.u32 $0x7F, v36  }
0x168: {  	v25 =	vor.u32 v0, v24;
	_ =	sdelay $0x4  }
0x169: {  	v25 =	vld.idx.msk [tilespmem:v25+s13+$0x0], $0xffff;
	_ =	sdelay $0x2  }
0x16a: {  	v26 =	vor.u32 v1, v24  }
0x16b: {  	s30 =	sand.u32 $0xC00, s21  }
0x16c: {  	s28 =	sor.u32 $0x10200, s30;
	v25 =	vmul.f32 v25, v16  }
0x16d: {  	s26 =	sor.u32 s26, s28  }
0x16e: {  	[tilespmem:s26+$0x0] =	vst v25  }
0x16f: {  	v25 =	vld.idx.msk [tilespmem:v26+s13+$0x0], $0xffff;
	_ =	sdelay $0x2  }
0x170: {  	v37 =	vor.u32 v2, v24;
	_ =	sdelay $0x1  }
0x171: {  	v25 =	vmul.f32 v25, v17;
	_ =	sdelay $0x1  }
0x172: {  	[tilespmem:s26+$0x80] =	vst v25  }
0x173: {  	v25 =	vld.idx.msk [tilespmem:v37+s13+$0x0], $0xffff;
	_ =	sdelay $0x2  }
0x174: {  	v38 =	vor.u32 v3, v24;
	_ =	sdelay $0x1  }
0x175: {  	v25 =	vmul.f32 v25, v18;
	_ =	sdelay $0x1  }
0x176: {  	[tilespmem:s26+$0x100] =	vst v25  }
0x177: {  	v25 =	vld.idx.msk [tilespmem:v38+s13+$0x0], $0xffff;
	_ =	sdelay $0x2  }
0x178: {  	v39 =	vor.u32 v4, v24;
	_ =	sdelay $0x1  }
0x179: {  	v25 =	vmul.f32 v25, v19;
	_ =	sdelay $0x1  }
0x17a: {  	[tilespmem:s26+$0x180] =	vst v25  }
0x17b: {  	v25 =	vld.idx.msk [tilespmem:v39+s13+$0x0], $0xffff;
	_ =	sdelay $0x1  }
0x17c: {  	s26 =	simm.s32 $0x1  }
0x17d: {  	v40 =	vor.u32 v5, v24;
	s26 =	simm.s32 @!p0 $0x0  }
0x17e: {  	s26 =	sshll.u32 s26, $0x6  }
0x17f: {  	s26 =	sadd.s32 s26, s21;
	v25 =	vmul.f32 v25, v20  }
0x180: {  	s31 =	sor.u32 $0x200, s26  }
0x181: {  	[tilespmem:s31+$0x10200] =	vst v25  }
0x182: {  	v25 =	vld.idx.msk [tilespmem:v40+s13+$0x0], $0xffff;
	_ =	sdelay $0x2  }
0x183: {  	v41 =	vor.u32 v6, v24;
	_ =	sdelay $0x1  }
0x184: {  	v25 =	vmul.f32 v25, v21  }
0x185: {  	s30 =	sor.u32 $0x280, s26  }
0x186: {  	[tilespmem:s30+$0x10200] =	vst v25  }
0x187: {  	v25 =	vld.idx.msk [tilespmem:v41+s13+$0x0], $0xffff;
	_ =	sdelay $0x2  }
0x188: {  	v24 =	vor.u32 v7, v24;
	_ =	sdelay $0x1  }
0x189: {  	v25 =	vmul.f32 v25, v22  }
0x18a: {  	s31 =	sor.u32 $0x300, s26  }
0x18b: {  	[tilespmem:s31+$0x10200] =	vst v25  }
0x18c: {  	v24 =	vld.idx.msk [tilespmem:v24+s13+$0x0], $0xffff;
	_ =	sdelay $0x4  }
0x18d: {  	s30 =	sor.u32 s19, s21;
	v24 =	vmul.f32 v24, v23  }
0x18e: {  	s29 =	sor.u32 $0x380, s30  }
0x18f: {  	[tilespmem:s29+$0x10200] =	vst v24  }
0x190: {  	v24 =	vld [tilespmem:s25+$0x0];
	_ =	sdelay $0x4  }
0x191: {  	v24 =	vand.u32 $0x7F, v24  }
0x192: {  	v42 =	vor.u32 v8, v24;
	_ =	sdelay $0x4  }
0x193: {  	v25 =	vld.idx.msk [tilespmem:v42+s13+$0x0], $0xffff;
	_ =	sdelay $0x2  }
0x194: {  	v43 =	vor.u32 v9, v24;
	_ =	sdelay $0x1  }
0x195: {  	v25 =	vmul.f32 v25, v16  }
0x196: {  	s24 =	sor.u32 s24, s28  }
0x197: {  	[tilespmem:s24+$0x0] =	vst v25  }
0x198: {  	v25 =	vld.idx.msk [tilespmem:v43+s13+$0x0], $0xffff;
	_ =	sdelay $0x2  }
0x199: {  	v44 =	vor.u32 v10, v24;
	_ =	sdelay $0x1  }
0x19a: {  	v25 =	vmul.f32 v25, v17;
	_ =	sdelay $0x1  }
0x19b: {  	[tilespmem:s24+$0x80] =	vst v25  }
0x19c: {  	v25 =	vld.idx.msk [tilespmem:v44+s13+$0x0], $0xffff;
	_ =	sdelay $0x2  }
0x19d: {  	v45 =	vor.u32 v11, v24;
	_ =	sdelay $0x1  }
0x19e: {  	v25 =	vmul.f32 v25, v18;
	_ =	sdelay $0x1  }
0x19f: {  	[tilespmem:s24+$0x100] =	vst v25  }
0x1a0: {  	v25 =	vld.idx.msk [tilespmem:v45+s13+$0x0], $0xffff;
	_ =	sdelay $0x2  }
0x1a1: {  	v46 =	vor.u32 v12, v24;
	_ =	sdelay $0x1  }
0x1a2: {  	v25 =	vmul.f32 v25, v19;
	_ =	sdelay $0x1  }
0x1a3: {  	[tilespmem:s24+$0x180] =	vst v25  }
0x1a4: {  	v25 =	vld.idx.msk [tilespmem:v46+s13+$0x0], $0xffff;
	_ =	sdelay $0x2  }
0x1a5: {  	v47 =	vor.u32 v13, v24;
	_ =	sdelay $0x1  }
0x1a6: {  	s24 =	sadd.s32 $0x10, s26;
	v25 =	vmul.f32 v25, v20  }
0x1a7: {  	s31 =	sor.u32 $0x200, s24  }
0x1a8: {  	[tilespmem:s31+$0x10200] =	vst v25  }
0x1a9: {  	v25 =	vld.idx.msk [tilespmem:v47+s13+$0x0], $0xffff;
	_ =	sdelay $0x2  }
0x1aa: {  	v48 =	vor.u32 v14, v24;
	_ =	sdelay $0x1  }
0x1ab: {  	v25 =	vmul.f32 v25, v21  }
0x1ac: {  	s29 =	sor.u32 $0x280, s24  }
0x1ad: {  	[tilespmem:s29+$0x10200] =	vst v25  }
0x1ae: {  	v25 =	vld.idx.msk [tilespmem:v48+s13+$0x0], $0xffff;
	_ =	sdelay $0x2  }
0x1af: {  	v24 =	vor.u32 v15, v24;
	_ =	sdelay $0x1  }
0x1b0: {  	v25 =	vmul.f32 v25, v22  }
0x1b1: {  	s30 =	sor.u32 $0x300, s24  }
0x1b2: {  	[tilespmem:s30+$0x10200] =	vst v25  }
0x1b3: {  	v24 =	vld.idx.msk [tilespmem:v24+s13+$0x0], $0xffff;
	_ =	sdelay $0x4  }
0x1b4: {  	v24 =	vmul.f32 v24, v23  }
0x1b5: {  	s24 =	sor.u32 $0x380, s24  }
0x1b6: {  	[tilespmem:s24+$0x10200] =	vst v24  }
0x1b7: {  	_ =	swait.ge [sflag:s15], $0x400  }
0x1b8: {  	[sflag:s15] =	ssyncset.done $0x0  }
0x1b9: {  	[sflag:s15] =	ssyncadd.s32 $0xFFFFFC00  }
0x1ba: {  	_ =	swait.ge [sflag:s15], $0x400  }
0x1bb: {  	[sflag:s15] =	ssyncset.done $0x0  }
0x1bc: {  	[sflag:s15] =	ssyncadd.s32 $0xFFFFFC00  }
0x1bd: {  	_ =	swait.ge [sflag:s15], $0x400  }
0x1be: {  	[sflag:s15] =	ssyncset.done $0x0  }
0x1bf: {  	[sflag:s15] =	ssyncadd.s32 $0xFFFFFC00  }
0x1c0: {  	_ =	swait.ge [sflag:s15], $0x400  }
0x1c1: {  	[sflag:s15] =	ssyncset.done $0x0  }
0x1c2: {  	[sflag:s15] =	ssyncadd.s32 $0xFFFFFC00  }
0x1c3: {  	_ =	swait.ge [sflag:s15], $0x400  }
0x1c4: {  	[sflag:s15] =	ssyncset.done $0x0  }
0x1c5: {  	[sflag:s15] =	ssyncadd.s32 $0xFFFFFC00  }
0x1c6: {  	_ =	swait.ge [sflag:s15], $0x400  }
0x1c7: {  	[sflag:s15] =	ssyncset.done $0x0  }
0x1c8: {  	[sflag:s15] =	ssyncadd.s32 $0xFFFFFC00  }
0x1c9: {  	_ =	swait.ge [sflag:s15], $0x400  }
0x1ca: {  	[sflag:s15] =	ssyncset.done $0x0  }
0x1cb: {  	[sflag:s15] =	ssyncadd.s32 $0xFFFFFC00  }
0x1cc: {  	_ =	swait.ge [sflag:s15], $0x400  }
0x1cd: {  	[sflag:s15] =	ssyncset.done $0x0  }
0x1ce: {  	[sflag:s15] =	ssyncadd.s32 $0xFFFFFC00  }
0x1cf: {  	_ =	swait.ge [sflag:s15], $0x400  }
0x1d0: {  	[sflag:s15] =	ssyncset.done $0x0  }
0x1d1: {  	[sflag:s15] =	ssyncadd.s32 $0xFFFFFC00  }
0x1d2: {  	_ =	swait.ge [sflag:s15], $0x400  }
0x1d3: {  	[sflag:s15] =	ssyncset.done $0x0  }
0x1d4: {  	[sflag:s15] =	ssyncadd.s32 $0xFFFFFC00  }
0x1d5: {  	_ =	swait.ge [sflag:s15], $0x400  }
0x1d6: {  	[sflag:s15] =	ssyncset.done $0x0  }
0x1d7: {  	[sflag:s15] =	ssyncadd.s32 $0xFFFFFC00  }
0x1d8: {  	_ =	swait.ge [sflag:s15], $0x400  }
0x1d9: {  	[sflag:s15] =	ssyncset.done $0x0  }
0x1da: {  	[sflag:s15] =	ssyncadd.s32 $0xFFFFFC00  }
0x1db: {  	_ =	swait.ge [sflag:s15], $0x400  }
0x1dc: {  	[sflag:s15] =	ssyncset.done $0x0  }
0x1dd: {  	[sflag:s15] =	ssyncadd.s32 $0xFFFFFC00  }
0x1de: {  	_ =	swait.ge [sflag:s15], $0x400  }
0x1df: {  	[sflag:s15] =	ssyncset.done $0x0  }
0x1e0: {  	[sflag:s15] =	ssyncadd.s32 $0xFFFFFC00  }
0x1e1: {  	_ =	swait.ge [sflag:s15], $0x400  }
0x1e2: {  	[sflag:s15] =	ssyncset.done $0x0  }
0x1e3: {  	[sflag:s15] =	ssyncadd.s32 $0xFFFFFC00  }
0x1e4: {  	_ =	swait.ge [sflag:s15], $0x400  }
0x1e5: {  	[sflag:s15] =	ssyncset.done $0x0  }
0x1e6: {  	[sflag:s15] =	ssyncadd.s32 $0xFFFFFC00  }
0x1e7: {  	_ =	swait.ge [sflag:s15], $0x400  }
0x1e8: {  	[sflag:s15] =	ssyncset.done $0x0  }
0x1e9: {  	[sflag:s15] =	ssyncadd.s32 $0xFFFFFC00  }
0x1ea: {  	_ =	swait.ge [sflag:s15], $0x400  }
0x1eb: {  	[sflag:s15] =	ssyncset.done $0x0  }
0x1ec: {  	[sflag:s15] =	ssyncadd.s32 $0xFFFFFC00  }
0x1ed: {  	_ =	swait.ge [sflag:s15], $0x400  }
0x1ee: {  	[sflag:s15] =	ssyncset.done $0x0  }
0x1ef: {  	[sflag:s15] =	ssyncadd.s32 $0xFFFFFC00  }
0x1f0: {  	_ =	swait.ge [sflag:s15], $0x400  }
0x1f1: {  	[sflag:s15] =	ssyncset.done $0x0  }
0x1f2: {  	[sflag:s15] =	ssyncadd.s32 $0xFFFFFC00  }
0x1f3: {  	_ =	swait.ge [sflag:s15], $0x400  }
0x1f4: {  	[sflag:s15] =	ssyncset.done $0x0  }
0x1f5: {  	[sflag:s15] =	ssyncadd.s32 $0xFFFFFC00  }
0x1f6: {  	_ =	swait.ge [sflag:s15], $0x400  }
0x1f7: {  	[sflag:s15] =	ssyncset.done $0x0  }
0x1f8: {  	[sflag:s15] =	ssyncadd.s32 $0xFFFFFC00  }
0x1f9: {  	_ =	swait.ge [sflag:s15], $0x400  }
0x1fa: {  	[sflag:s15] =	ssyncset.done $0x0  }
0x1fb: {  	[sflag:s15] =	ssyncadd.s32 $0xFFFFFC00  }
0x1fc: {  	_ =	swait.ge [sflag:s15], $0x400  }
0x1fd: {  	[sflag:s15] =	ssyncset.done $0x0  }
0x1fe: {  	[sflag:s15] =	ssyncadd.s32 $0xFFFFFC00  }
0x1ff: {  	_ =	swait.ge [sflag:s15], $0x400  }
0x200: {  	[sflag:s15] =	ssyncset.done $0x0  }
0x201: {  	[sflag:s15] =	ssyncadd.s32 $0xFFFFFC00  }
0x202: {  	_ =	swait.ge [sflag:s15], $0x400  }
0x203: {  	[sflag:s15] =	ssyncset.done $0x0  }
0x204: {  	[sflag:s15] =	ssyncadd.s32 $0xFFFFFC00  }
0x205: {  	_ =	swait.ge [sflag:s15], $0x400  }
0x206: {  	[sflag:s15] =	ssyncset.done $0x0  }
0x207: {  	[sflag:s15] =	ssyncadd.s32 $0xFFFFFC00  }
0x208: {  	_ =	swait.ge [sflag:s15], $0x400  }
0x209: {  	[sflag:s15] =	ssyncset.done $0x0  }
0x20a: {  	[sflag:s15] =	ssyncadd.s32 $0xFFFFFC00  }
0x20b: {  	_ =	swait.ge [sflag:s15], $0x400  }
0x20c: {  	[sflag:s15] =	ssyncset.done $0x0  }
0x20d: {  	[sflag:s15] =	ssyncadd.s32 $0xFFFFFC00  }
0x20e: {  	_ =	swait.ge [sflag:s15], $0x400  }
0x20f: {  	[sflag:s15] =	ssyncset.done $0x0  }
0x210: {  	[sflag:s15] =	ssyncadd.s32 $0xFFFFFC00  }
0x211: {  	_ =	swait.ge [sflag:s15], $0x400  }
0x212: {  	[sflag:s15] =	ssyncset.done $0x0  }
0x213: {  	[sflag:s15] =	ssyncadd.s32 $0xFFFFFC00  }
0x214: {  	_ =	swait.ge [sflag:s15], $0x400  }
0x215: {  	[sflag:s15] =	ssyncset.done $0x0  }
0x216: {  	[sflag:s15] =	ssyncadd.s32 $0xFFFFFC00  }
0x217: {  	v49 =	vld [tilespmem:s18+$0x0];
	_ =	sdelay $0x4  }
0x218: {  	v24 =	vand.u32 $0x7F, v49  }
0x219: {  	v50 =	vor.u32 v0, v24;
	_ =	sdelay $0x4  }
0x21a: {  	v25 =	vld.idx.msk [tilespmem:v50+s14+$0x0], $0xffff;
	_ =	sdelay $0x2  }
0x21b: {  	v51 =	vor.u32 v1, v24  }
0x21c: {  	s24 =	sadd.s32 $0x20, s19  }
0x21d: {  	s31 =	sand.u32 $0x60, s24;
	v25 =	vmul.f32 v25, v16  }
0x21e: {  	s25 =	sor.u32 s31, s28  }
0x21f: {  	[tilespmem:s25+$0x0] =	vst v25  }
0x220: {  	v25 =	vld.idx.msk [tilespmem:v51+s14+$0x0], $0xffff;
	_ =	sdelay $0x2  }
0x221: {  	v52 =	vor.u32 v2, v24;
	_ =	sdelay $0x1  }
0x222: {  	v25 =	vmul.f32 v25, v17;
	_ =	sdelay $0x1  }
0x223: {  	[tilespmem:s25+$0x80] =	vst v25  }
0x224: {  	v25 =	vld.idx.msk [tilespmem:v52+s14+$0x0], $0xffff;
	_ =	sdelay $0x2  }
0x225: {  	v53 =	vor.u32 v3, v24;
	_ =	sdelay $0x1  }
0x226: {  	v25 =	vmul.f32 v25, v18;
	_ =	sdelay $0x1  }
0x227: {  	[tilespmem:s25+$0x100] =	vst v25  }
0x228: {  	v25 =	vld.idx.msk [tilespmem:v53+s14+$0x0], $0xffff;
	_ =	sdelay $0x2  }
0x229: {  	v54 =	vor.u32 v4, v24;
	_ =	sdelay $0x1  }
0x22a: {  	v25 =	vmul.f32 v25, v19;
	_ =	sdelay $0x1  }
0x22b: {  	[tilespmem:s25+$0x180] =	vst v25  }
0x22c: {  	v25 =	vld.idx.msk [tilespmem:v54+s14+$0x0], $0xffff;
	_ =	sdelay $0x1  }
0x22d: {  	s29 =	sand.u32 $0x3, s20  }
0x22e: {  	v55 =	vor.u32 v5, v24;
	s25 =	sshll.u32 s29, $0x5  }
0x22f: {  	s25 =	sadd.s32 s21, s25  }
0x230: {  	s25 =	sadd.s32 $0x20, s25;
	v25 =	vmul.f32 v25, v20  }
0x231: {  	s30 =	sor.u32 $0x200, s25  }
0x232: {  	[tilespmem:s30+$0x10200] =	vst v25  }
0x233: {  	v25 =	vld.idx.msk [tilespmem:v55+s14+$0x0], $0xffff;
	_ =	sdelay $0x2  }
0x234: {  	v56 =	vor.u32 v6, v24;
	_ =	sdelay $0x1  }
0x235: {  	v25 =	vmul.f32 v25, v21  }
0x236: {  	s31 =	sor.u32 $0x280, s25  }
0x237: {  	[tilespmem:s31+$0x10200] =	vst v25  }
0x238: {  	v25 =	vld.idx.msk [tilespmem:v56+s14+$0x0], $0xffff;
	_ =	sdelay $0x2  }
0x239: {  	v24 =	vor.u32 v7, v24;
	_ =	sdelay $0x1  }
0x23a: {  	v25 =	vmul.f32 v25, v22  }
0x23b: {  	s25 =	sor.u32 $0x300, s25  }
0x23c: {  	[tilespmem:s25+$0x10200] =	vst v25  }
0x23d: {  	v24 =	vld.idx.msk [tilespmem:v24+s14+$0x0], $0xffff;
	_ =	sdelay $0x4  }
0x23e: {  	s24 =	sor.u32 s24, s21;
	v24 =	vmul.f32 v24, v23  }
0x23f: {  	s24 =	sor.u32 $0x380, s24  }
0x240: {  	[tilespmem:s24+$0x10200] =	vst v24  }
0x241: {  	v24 =	vld [tilespmem:s23+$0x0];
	_ =	sdelay $0x4  }
0x242: {  	v24 =	vand.u32 $0x7F, v24  }
0x243: {  	v57 =	vor.u32 v8, v24;
	_ =	sdelay $0x4  }
0x244: {  	v25 =	vld.idx.msk [tilespmem:v57+s14+$0x0], $0xffff;
	_ =	sdelay $0x2  }
0x245: {  	v58 =	vor.u32 v9, v24;
	_ =	sdelay $0x1  }
0x246: {  	v25 =	vmul.f32 v25, v16  }
0x247: {  	s22 =	sor.u32 s22, s28  }
0x248: {  	[tilespmem:s22+$0x0] =	vst v25  }
0x249: {  	v25 =	vld.idx.msk [tilespmem:v58+s14+$0x0], $0xffff;
	_ =	sdelay $0x2  }
0x24a: {  	v59 =	vor.u32 v10, v24;
	_ =	sdelay $0x1  }
0x24b: {  	v25 =	vmul.f32 v25, v17;
	_ =	sdelay $0x1  }
0x24c: {  	[tilespmem:s22+$0x80] =	vst v25  }
0x24d: {  	v25 =	vld.idx.msk [tilespmem:v59+s14+$0x0], $0xffff;
	_ =	sdelay $0x2  }
0x24e: {  	v60 =	vor.u32 v11, v24;
	_ =	sdelay $0x1  }
0x24f: {  	v25 =	vmul.f32 v25, v18;
	_ =	sdelay $0x1  }
0x250: {  	[tilespmem:s22+$0x100] =	vst v25  }
0x251: {  	v25 =	vld.idx.msk [tilespmem:v60+s14+$0x0], $0xffff;
	_ =	sdelay $0x2  }
0x252: {  	v61 =	vor.u32 v12, v24;
	_ =	sdelay $0x1  }
0x253: {  	v25 =	vmul.f32 v25, v19;
	_ =	sdelay $0x1  }
0x254: {  	[tilespmem:s22+$0x180] =	vst v25  }
0x255: {  	v25 =	vld.idx.msk [tilespmem:v61+s14+$0x0], $0xffff;
	_ =	sdelay $0x2  }
0x256: {  	v62 =	vor.u32 v13, v24;
	_ =	sdelay $0x1  }
0x257: {  	s28 =	sadd.s32 $0x30, s26;
	v25 =	vmul.f32 v25, v20  }
0x258: {  	s29 =	sor.u32 $0x200, s28  }
0x259: {  	[tilespmem:s29+$0x10200] =	vst v25  }
0x25a: {  	v25 =	vld.idx.msk [tilespmem:v62+s14+$0x0], $0xffff;
	_ =	sdelay $0x2  }
0x25b: {  	v63 =	vor.u32 v14, v24;
	_ =	sdelay $0x1  }
0x25c: {  	v25 =	vmul.f32 v25, v21  }
0x25d: {  	s30 =	sor.u32 $0x280, s28  }
0x25e: {  	[tilespmem:s30+$0x10200] =	vst v25  }
0x25f: {  	v25 =	vld.idx.msk [tilespmem:v63+s14+$0x0], $0xffff;
	_ =	sdelay $0x2  }
0x260: {  	v24 =	vor.u32 v15, v24;
	_ =	sdelay $0x1  }
0x261: {  	v25 =	vmul.f32 v25, v22  }
0x262: {  	s31 =	sor.u32 $0x300, s28  }
0x263: {  	[tilespmem:s31+$0x10200] =	vst v25  }
0x264: {  	v24 =	vld.idx.msk [tilespmem:v24+s14+$0x0], $0xffff;
	_ =	sdelay $0x1  }
0x265: {  	p1 =	sne.s32 s21, $0xE00  }
.Ltmp0:
0x266: {  	_ = 	snop;
	(pc) =	sbr.rel @p1 .LBB2_2-.Ltmp0, $4  }
0x267: {  	_ = 	snop  }
0x268: {  	v24 =	vmul.f32 v24, v23  }
0x269: {  	p0 =	por !p0, !p0;
	s20 =	sadd.s32 $0x2, s20;
	s22 =	sor.u32 $0x380, s28  }
0x26a: {  	s19 =	sadd.s32 $0x40, s19;
	s18 =	sadd.s32 $0x40, s18;
	s21 =	sadd.s32 $0x200, s21;
	[tilespmem:s22+$0x10200] =	vst v24  }
0x26b: {  	s17 =	sadd.s32 $0x1, s17  }
0x26c: {  	p0 =	sne.s32 s17, s7  }
.Ltmp1:
0x26d: {  	_ = 	snop;
	(pc) =	sbr.rel @p0 .LBB2_1-.Ltmp1, $4  }
0x26e: {  	[hbm4b:s6+s3] =	stream.linear.scatter [tilespmem:s16], [sflag:$0x3], $0x1000, $0x38;
	[tilespmem:$0x11280] =	vst v63  }
0x26f: {  	_ =	swait.ge [sflag:s10], $0x1000  }
0x270: {  	[sflag:s10] =	ssyncset.done $0x0  }
0x271: {  	[sflag:s10] =	ssyncadd.s32 $0xFFFFF000  }
0x272: {  	_ =	sfence.sel $0x180000  }
0x273: {  	[bflag:$0x0] =	sbarrier.arrive $0xFFFF  }
0x274: {  	p0 =	sne.s32 s4, $0x0;
	_ =	strace $0x90000047  }
0x275: {  	s0 =	sadd.s32 @!p0 $0x100000, s0;
	[bflag:$0x2] =	sbarrier.arrive $0xFFFF  }
0x276: {  	[sflag:s0] =	ssyncadd.tile.s32 @!p0 $0x1;
	_ =	shalt  }
.Lfunc_end2:
_tile_overlayer_lowered:
.L_overlay_start_2:
0x277: {  	(tag) =	ssettag $0x2  }
0x278: {  	s0 =	rddreg [dreg:$0x0];
	s2 =	stileid.u32  }
0x279: {  	s1 =	rddreg [dreg:$0x1];
	p0 =	sne.s32 s2, $0x0  }
0x27a: {  	s3 =	rddreg [dreg:$0x2];
	[bflag:$0x3] =	sbarrier.arrive $0xFFFF;
	s2 =	simm.s32 @!p0 $0x1C03  }
0x27b: {  	[timem:s3], [sflag:s2] =	dma.local @!p0 [hbm:s0], s1  }
0x27c: {  	s0 =	simm.s32 @!p0 $0x3  }
0x27d: {  	_ =	swait.ge @!p0 [sflag:s0], s1  }
0x27e: {  	s1 =	ssub.s32 @!p0 $0x0, s1;
	[sflag:s0] =	ssyncset.done @!p0 $0x0  }
0x27f: {  	[sflag:s0] =	ssyncadd.s32 @!p0 s1  }
0x280: {  	[bflag:$0x3] =	sbarrier.arrive $0xFFFF  }
0x281: {  	_ =	shalt  }

</sc_bundles>
